<compile_context>
chip_gen: v7x
topology: tpu7x:2x2x1
jax: 0.10.2.dev20260603
libtpu: 0.0.44.dev20260713+nightly
codegen_flags: <defaults>
</compile_context>

<pallas_src>
import functools

import jax
import jax.numpy as jnp
from jax import lax
from jax.experimental import pallas as pl
from jax.experimental.pallas import tpu as pltpu
from jax.experimental.pallas import tpu_sc as plsc

B = 16384
D = 128
NC = 2
NS = 16
NW = NC * NS
RPW = B // NW
CH = 128
NCHUNK = RPW // CH
NG = CH // 16
NBUF = 2

_GATHER_DNUMS = lax.GatherDimensionNumbers(
    offset_dims=(), collapsed_slice_dims=(0,), start_index_map=(0,))


def _perm(u, idx):
    return lax.gather(u, idx[:, None], _GATHER_DNUMS, slice_sizes=(1,),
                      mode=lax.GatherScatterMode.PROMISE_IN_BOUNDS)


def _body(x_hbm, lab_hbm, cen_hbm, out_hbm,
          xb0, xb1, gb0, gb1, labs, sums_v, sem0, sem1):
    cid = lax.axis_index("c")
    sid = lax.axis_index("s")
    wid = sid * NC + cid
    base = wid * RPW

    xb = (xb0, xb1)
    gb = (gb0, gb1)
    sem = (sem0, sem1)

    pltpu.sync_copy(lab_hbm.at[pl.ds(base, RPW)], labs)

    def start(c):
        b = c % NBUF
        cx = pltpu.async_copy(x_hbm.at[pl.ds(base + c * CH, CH)],
                              xb[b], sem[b])
        cg = pltpu.async_copy(cen_hbm.at[labs.at[pl.ds(c * CH, CH)]],
                              gb[b], sem[b])
        return cx, cg

    iota = lax.iota(jnp.int32, 16)
    perms = {sh: iota ^ sh for sh in (1, 2, 4, 8)}
    masks = {sh: (iota & sh) == 0 for sh in (1, 2, 4, 8)}

    def merge(u, v, sh):
        t = jnp.where(masks[sh], u, v)
        s = jnp.where(masks[sh], v, u)
        return t + _perm(s, perms[sh])

    pend = [start(c) for c in range(min(NBUF, NCHUNK))]
    for c in range(NCHUNK):
        cx, cg = pend[c % NBUF]
        cx.wait()
        cg.wait()
        b = c % NBUF

        def tbody(t, carry, _b=b, _c=c):
            rowbase = t * 16

            def jbody(j, accs):
                out = []
                for r in range(16):
                    xv = xb[_b][rowbase + r, pl.ds(j * 16, 16)]
                    gv = gb[_b][rowbase + r, pl.ds(j * 16, 16)]
                    d = xv - gv
                    out.append(accs[r] + d * d)
                return tuple(out)

            accs = lax.fori_loop(
                0, D // 16, jbody,
                tuple(jnp.zeros((16,), jnp.float32) for _ in range(16)))
            vecs = list(accs)
            sh = 1
            while len(vecs) > 1:
                vecs = [merge(vecs[2 * i], vecs[2 * i + 1], sh)
                        for i in range(len(vecs) // 2)]
                sh *= 2
            sums_v[pl.ds(_c * CH + rowbase, 16)] = vecs[0]
            return carry

        lax.fori_loop(0, NG, tbody, jnp.int32(0))
        if c + NBUF < NCHUNK:
            pend[c % NBUF] = start(c + NBUF)

    pltpu.sync_copy(sums_v, out_hbm.at[pl.ds(base, RPW)])


def _tc_body(s_ref, o_ref):
    dist = jnp.sqrt(s_ref[...])
    dist = jnp.clip(dist, 1e-12, 1e12)
    o_ref[0, 0] = jnp.sum(dist) / (2.0 * B)


def kernel(x, labels, centers):
    labels = labels.astype(jnp.int32)
    mesh = plsc.VectorSubcoreMesh(
        core_axis_name="c", subcore_axis_name="s", num_cores=NC)
    f = functools.partial(
        pl.kernel,
        mesh=mesh,
        out_type=jax.ShapeDtypeStruct((B,), jnp.float32),
        scratch_types=(
            [pltpu.VMEM((CH, D), jnp.float32) for _ in range(2 * NBUF)]
            + [
                pltpu.VMEM((RPW,), jnp.int32),
                pltpu.VMEM((RPW,), jnp.float32),
            ]
            + [pltpu.SemaphoreType.DMA for _ in range(NBUF)]
        ),
    )(_body)
    sums = f(x, labels, centers)
    loss = pl.pallas_call(
        _tc_body,
        out_shape=jax.ShapeDtypeStruct((1, 1), jnp.float32),
        out_specs=pl.BlockSpec(memory_space=pltpu.SMEM),
    )(sums.reshape(128, 128))
    return loss[0, 0]

# --- scband reference (transcript-rebuilt; emitter-appended) ---
"""Pipeline reference for scband-center-loss-23338852286909 (READ-ONLY COPY).

The authoritative reference and input builder live on the scoring server;
editing this copy changes nothing except your own understanding.
"""

import jax, jax.numpy as jnp
import numpy as np

NUM_CLASSES = 100000
FEAT_DIM = 128
BATCH = 16384


def setup_inputs(seed: int = 0) -> dict:
    key = jax.random.key(seed)
    k1, k2, k3 = jax.random.split(key, 3)
    x = jax.random.normal(k1, (BATCH, FEAT_DIM), dtype=jnp.float32)
    labels = jax.random.randint(k2, (BATCH,), 0, NUM_CLASSES, dtype=jnp.int64)
    centers = jax.random.normal(k3, (NUM_CLASSES, FEAT_DIM), dtype=jnp.float32)
    return {"x": x, "labels": labels, "centers": centers}


def reference(x, labels, centers):
    # gather center rows per label (memory-bound gather on a large table)
    c = jnp.take(centers, labels, axis=0)
    dist = jnp.sqrt(jnp.sum(jnp.power(x - c, 2), axis=1, keepdims=True))
    dist = jnp.clip(dist, 1e-12, 1000000000000.0)
    loss = jnp.sum(dist) / (2 * dist.shape[0])
    return loss

if __name__ == "__main__":
    import jax
    _d = setup_inputs()
    print(jax.jit(kernel)(*tuple(_d.values())))

</pallas_src>

<mosaic_0001>
#map = affine_map<(d0, d1) -> (0, 0)>
#map1 = affine_map<(d0, d1) -> (0)>
module attributes {stable_mosaic.version = 14 : i64} {
  func.func @_body(%arg0: i32, %arg1: i32, %arg2: memref<16384x128xf32, #tpu.memory_space<hbm>>, %arg3: memref<16384xi32, #tpu.memory_space<hbm>>, %arg4: memref<100000x128xf32, #tpu.memory_space<hbm>>, %arg5: memref<16384xf32, #tpu.memory_space<hbm>>, %arg6: memref<128x128xf32, #tpu.memory_space<vmem>>, %arg7: memref<128x128xf32, #tpu.memory_space<vmem>>, %arg8: memref<128x128xf32, #tpu.memory_space<vmem>>, %arg9: memref<128x128xf32, #tpu.memory_space<vmem>>, %arg10: memref<512xi32, #tpu.memory_space<vmem>>, %arg11: memref<512xf32, #tpu.memory_space<vmem>>, %arg12: memref<!tpu.dma_semaphore, #tpu.memory_space<semaphore_mem>>, %arg13: memref<!tpu.dma_semaphore, #tpu.memory_space<semaphore_mem>>) attributes {dimension_semantics = [#tpu.dimension_semantics<core_parallel>, #tpu.dimension_semantics<subcore_parallel>], iteration_bounds = array<i64: 2, 16>, scalar_prefetch = 0 : i64, scratch_operands = 8 : i64, tpu.core_type = #tpu.core_type<sc_vector_subcore>, window_params = [{transform_indices = #map}, {transform_indices = #map1}, {transform_indices = #map}, {transform_indices = #map1}]} {
    %mul3A = arith.constant 2 : i32
    %mul3A_0 = arith.muli %arg1, %mul3A : i32
    %add3A = arith.addi %mul3A_0, %arg0 : i32
    %mul3A_1 = arith.constant 512 : i32
    %mul3A_2 = arith.muli %add3A, %mul3A_1 : i32
    "tpu.region"() ({
      %run_scoped3A = tpu.sem_alloc : memref<!tpu.dma_semaphore, #tpu.memory_space<semaphore_mem>>
      %dma_start3A_137 = tpu.memref_slice %arg3[%mul3A_2] : memref<16384xi32, #tpu.memory_space<hbm>> -> memref<512xi32, #tpu.memory_space<hbm>>
      %dma_start3A_138 = tpu.memref_slice %arg3[%mul3A_2] : memref<16384xi32, #tpu.memory_space<hbm>> -> memref<512xi32, #tpu.memory_space<hbm>>
      tpu.enqueue_dma source(%dma_start3A_138 : memref<512xi32, #tpu.memory_space<hbm>>) target(%arg10 : memref<512xi32, #tpu.memory_space<vmem>>) target_semaphore(%run_scoped3A : memref<!tpu.dma_semaphore, #tpu.memory_space<semaphore_mem>>)
      %dma_wait3A_139 = tpu.memref_slice %arg3[%mul3A_2] : memref<16384xi32, #tpu.memory_space<hbm>> -> memref<512xi32, #tpu.memory_space<hbm>>
      %dma_wait3A_140 = tpu.memref_slice %arg3[%mul3A_2] : memref<16384xi32, #tpu.memory_space<hbm>> -> memref<512xi32, #tpu.memory_space<hbm>>
      tpu.wait_dma2 semaphore(%run_scoped3A : memref<!tpu.dma_semaphore, #tpu.memory_space<semaphore_mem>>) src(%dma_wait3A_140 : memref<512xi32, #tpu.memory_space<hbm>>) dst(%arg10 : memref<512xi32, #tpu.memory_space<vmem>>)
      tpu.yield
    }) : () -> ()
    %iota3A = tpu.iota {dimensions = array<i32: 0>} : vector<16xi32>
    %xor3A = arith.constant 1 : i32
    %xor3A_3 = vector.broadcast %xor3A : i32 to vector<16xi32>
    %xor3A_4 = arith.xori %iota3A, %xor3A_3 : vector<16xi32>
    %xor3A_5 = arith.constant 2 : i32
    %xor3A_6 = vector.broadcast %xor3A_5 : i32 to vector<16xi32>
    %xor3A_7 = arith.xori %iota3A, %xor3A_6 : vector<16xi32>
    %xor3A_8 = arith.constant 4 : i32
    %xor3A_9 = vector.broadcast %xor3A_8 : i32 to vector<16xi32>
    %xor3A_10 = arith.xori %iota3A, %xor3A_9 : vector<16xi32>
    %xor3A_11 = arith.constant 8 : i32
    %xor3A_12 = vector.broadcast %xor3A_11 : i32 to vector<16xi32>
    %xor3A_13 = arith.xori %iota3A, %xor3A_12 : vector<16xi32>
    %and3A = arith.constant 1 : i32
    %and3A_14 = vector.broadcast %and3A : i32 to vector<16xi32>
    %and3A_15 = arith.andi %iota3A, %and3A_14 : vector<16xi32>
    %eq3A = arith.constant 0 : i32
    %eq3A_16 = vector.broadcast %eq3A : i32 to vector<16xi32>
    %eq3A_17 = arith.cmpi eq, %and3A_15, %eq3A_16 : vector<16xi32>
    %and3A_18 = arith.constant 2 : i32
    %and3A_19 = vector.broadcast %and3A_18 : i32 to vector<16xi32>
    %and3A_20 = arith.andi %iota3A, %and3A_19 : vector<16xi32>
    %eq3A_21 = arith.constant 0 : i32
    %eq3A_22 = vector.broadcast %eq3A_21 : i32 to vector<16xi32>
    %eq3A_23 = arith.cmpi eq, %and3A_20, %eq3A_22 : vector<16xi32>
    %and3A_24 = arith.constant 4 : i32
    %and3A_25 = vector.broadcast %and3A_24 : i32 to vector<16xi32>
    %and3A_26 = arith.andi %iota3A, %and3A_25 : vector<16xi32>
    %eq3A_27 = arith.constant 0 : i32
    %eq3A_28 = vector.broadcast %eq3A_27 : i32 to vector<16xi32>
    %eq3A_29 = arith.cmpi eq, %and3A_26, %eq3A_28 : vector<16xi32>
    %and3A_30 = arith.constant 8 : i32
    %and3A_31 = vector.broadcast %and3A_30 : i32 to vector<16xi32>
    %and3A_32 = arith.andi %iota3A, %and3A_31 : vector<16xi32>
    %eq3A_33 = arith.constant 0 : i32
    %eq3A_34 = vector.broadcast %eq3A_33 : i32 to vector<16xi32>
    %eq3A_35 = arith.cmpi eq, %and3A_32, %eq3A_34 : vector<16xi32>
    %add3A_36 = arith.constant 0 : i32
    %add3A_37 = arith.addi %mul3A_2, %add3A_36 : i32
    %dma_start3A = arith.constant 0 : i32
    %dma_start3A_38 = tpu.memref_slice %arg2[%add3A_37, %dma_start3A] : memref<16384x128xf32, #tpu.memory_space<hbm>> -> memref<128x128xf32, #tpu.memory_space<hbm>>
    %dma_start3A_39 = arith.constant 0 : i32
    %dma_start3A_40 = tpu.memref_slice %arg2[%add3A_37, %dma_start3A_39] : memref<16384x128xf32, #tpu.memory_space<hbm>> -> memref<128x128xf32, #tpu.memory_space<hbm>>
    tpu.enqueue_dma source(%dma_start3A_40 : memref<128x128xf32, #tpu.memory_space<hbm>>) target(%arg6 : memref<128x128xf32, #tpu.memory_space<vmem>>) target_semaphore(%arg12 : memref<!tpu.dma_semaphore, #tpu.memory_space<semaphore_mem>>)
    %dma_start3A_41 = arith.constant 0 : i32
    %dma_start3A_42 = tpu.memref_slice %arg10[%dma_start3A_41] : memref<512xi32, #tpu.memory_space<vmem>> -> memref<128xi32, #tpu.memory_space<vmem>>
    %dma_start3A_43 = arith.constant 0 : i32
    %dma_start3A_44 = arith.constant 0 : i32
    %dma_start3A_45 = tpu.memref_slice %arg4[%dma_start3A_43, %dma_start3A_44] : memref<100000x128xf32, #tpu.memory_space<hbm>> -> memref<100000x128xf32, #tpu.memory_space<hbm>>
    tpu.enqueue_indirect_dma source(%dma_start3A_45 : memref<100000x128xf32, #tpu.memory_space<hbm>>) target(%arg8 : memref<128x128xf32, #tpu.memory_space<vmem>>) offsets(%dma_start3A_42 : memref<128xi32, #tpu.memory_space<vmem>>) semaphore(%arg12 : memref<!tpu.dma_semaphore, #tpu.memory_space<semaphore_mem>>)
    %add3A_46 = arith.constant 128 : i32
    %add3A_47 = arith.addi %mul3A_2, %add3A_46 : i32
    %dma_start3A_48 = arith.constant 0 : i32
    %dma_start3A_49 = tpu.memref_slice %arg2[%add3A_47, %dma_start3A_48] : memref<16384x128xf32, #tpu.memory_space<hbm>> -> memref<128x128xf32, #tpu.memory_space<hbm>>
    %dma_start3A_50 = arith.constant 0 : i32
    %dma_start3A_51 = tpu.memref_slice %arg2[%add3A_47, %dma_start3A_50] : memref<16384x128xf32, #tpu.memory_space<hbm>> -> memref<128x128xf32, #tpu.memory_space<hbm>>
    tpu.enqueue_dma source(%dma_start3A_51 : memref<128x128xf32, #tpu.memory_space<hbm>>) target(%arg7 : memref<128x128xf32, #tpu.memory_space<vmem>>) target_semaphore(%arg13 : memref<!tpu.dma_semaphore, #tpu.memory_space<semaphore_mem>>)
    %dma_start3A_52 = arith.constant 128 : i32
    %dma_start3A_53 = tpu.memref_slice %arg10[%dma_start3A_52] : memref<512xi32, #tpu.memory_space<vmem>> -> memref<128xi32, #tpu.memory_space<vmem>>
    %dma_start3A_54 = arith.constant 0 : i32
    %dma_start3A_55 = arith.constant 0 : i32
    %dma_start3A_56 = tpu.memref_slice %arg4[%dma_start3A_54, %dma_start3A_55] : memref<100000x128xf32, #tpu.memory_space<hbm>> -> memref<100000x128xf32, #tpu.memory_space<hbm>>
    tpu.enqueue_indirect_dma source(%dma_start3A_56 : memref<100000x128xf32, #tpu.memory_space<hbm>>) target(%arg9 : memref<128x128xf32, #tpu.memory_space<vmem>>) offsets(%dma_start3A_53 : memref<128xi32, #tpu.memory_space<vmem>>) semaphore(%arg13 : memref<!tpu.dma_semaphore, #tpu.memory_space<semaphore_mem>>)
    %dma_wait3A = arith.constant 0 : i32
    %dma_wait3A_57 = tpu.memref_slice %arg2[%add3A_37, %dma_wait3A] : memref<16384x128xf32, #tpu.memory_space<hbm>> -> memref<128x128xf32, #tpu.memory_space<hbm>>
    %dma_wait3A_58 = arith.constant 0 : i32
    %dma_wait3A_59 = tpu.memref_slice %arg2[%add3A_37, %dma_wait3A_58] : memref<16384x128xf32, #tpu.memory_space<hbm>> -> memref<128x128xf32, #tpu.memory_space<hbm>>
    tpu.wait_dma2 semaphore(%arg12 : memref<!tpu.dma_semaphore, #tpu.memory_space<semaphore_mem>>) src(%dma_wait3A_59 : memref<128x128xf32, #tpu.memory_space<hbm>>) dst(%arg6 : memref<128x128xf32, #tpu.memory_space<vmem>>)
    %dma_wait3A_60 = arith.constant 0 : i32
    %dma_wait3A_61 = tpu.memref_slice %arg10[%dma_wait3A_60] : memref<512xi32, #tpu.memory_space<vmem>> -> memref<128xi32, #tpu.memory_space<vmem>>
    %dma_wait3A_62 = arith.constant 0 : i32
    %dma_wait3A_63 = arith.constant 0 : i32
    %dma_wait3A_64 = tpu.memref_slice %arg4[%dma_wait3A_62, %dma_wait3A_63] : memref<100000x128xf32, #tpu.memory_space<hbm>> -> memref<100000x128xf32, #tpu.memory_space<hbm>>
    tpu.wait_indirect_dma semaphore(%arg12 : memref<!tpu.dma_semaphore, #tpu.memory_space<semaphore_mem>>) src(%dma_wait3A_64 : memref<100000x128xf32, #tpu.memory_space<hbm>>) dst(%arg8 : memref<128x128xf32, #tpu.memory_space<vmem>>)
    %scan3A = arith.constant 0 : i32
    %scan3A_65 = arith.constant 0 : i32
    %scan3A_66 = arith.constant 8 : i32
    %scan3A_67 = arith.addi %scan3A_65, %scan3A_66 : i32
    %scan3A_68 = arith.constant 1 : i32
    scf.for %scan3A_137 = %scan3A_65 to %scan3A_67 step %scan3A_68  : i32 {
      %mul3A_138 = arith.constant 16 : i32
      %mul3A_139 = arith.muli %scan3A_137, %mul3A_138 : i32
      %broadcast_in_dim3A = arith.constant 0.000000e+00 : f32
      %broadcast_in_dim3A_140 = vector.broadcast %broadcast_in_dim3A : f32 to vector<16xf32>
      %broadcast_in_dim3A_141 = arith.constant 0.000000e+00 : f32
      %broadcast_in_dim3A_142 = vector.broadcast %broadcast_in_dim3A_141 : f32 to vector<16xf32>
      %broadcast_in_dim3A_143 = arith.constant 0.000000e+00 : f32
      %broadcast_in_dim3A_144 = vector.broadcast %broadcast_in_dim3A_143 : f32 to vector<16xf32>
      %broadcast_in_dim3A_145 = arith.constant 0.000000e+00 : f32
      %broadcast_in_dim3A_146 = vector.broadcast %broadcast_in_dim3A_145 : f32 to vector<16xf32>
      %broadcast_in_dim3A_147 = arith.constant 0.000000e+00 : f32
      %broadcast_in_dim3A_148 = vector.broadcast %broadcast_in_dim3A_147 : f32 to vector<16xf32>
      %broadcast_in_dim3A_149 = arith.constant 0.000000e+00 : f32
      %broadcast_in_dim3A_150 = vector.broadcast %broadcast_in_dim3A_149 : f32 to vector<16xf32>
      %broadcast_in_dim3A_151 = arith.constant 0.000000e+00 : f32
      %broadcast_in_dim3A_152 = vector.broadcast %broadcast_in_dim3A_151 : f32 to vector<16xf32>
      %broadcast_in_dim3A_153 = arith.constant 0.000000e+00 : f32
      %broadcast_in_dim3A_154 = vector.broadcast %broadcast_in_dim3A_153 : f32 to vector<16xf32>
      %broadcast_in_dim3A_155 = arith.constant 0.000000e+00 : f32
      %broadcast_in_dim3A_156 = vector.broadcast %broadcast_in_dim3A_155 : f32 to vector<16xf32>
      %broadcast_in_dim3A_157 = arith.constant 0.000000e+00 : f32
      %broadcast_in_dim3A_158 = vector.broadcast %broadcast_in_dim3A_157 : f32 to vector<16xf32>
      %broadcast_in_dim3A_159 = arith.constant 0.000000e+00 : f32
      %broadcast_in_dim3A_160 = vector.broadcast %broadcast_in_dim3A_159 : f32 to vector<16xf32>
      %broadcast_in_dim3A_161 = arith.constant 0.000000e+00 : f32
      %broadcast_in_dim3A_162 = vector.broadcast %broadcast_in_dim3A_161 : f32 to vector<16xf32>
      %broadcast_in_dim3A_163 = arith.constant 0.000000e+00 : f32
      %broadcast_in_dim3A_164 = vector.broadcast %broadcast_in_dim3A_163 : f32 to vector<16xf32>
      %broadcast_in_dim3A_165 = arith.constant 0.000000e+00 : f32
      %broadcast_in_dim3A_166 = vector.broadcast %broadcast_in_dim3A_165 : f32 to vector<16xf32>
      %broadcast_in_dim3A_167 = arith.constant 0.000000e+00 : f32
      %broadcast_in_dim3A_168 = vector.broadcast %broadcast_in_dim3A_167 : f32 to vector<16xf32>
      %broadcast_in_dim3A_169 = arith.constant 0.000000e+00 : f32
      %broadcast_in_dim3A_170 = vector.broadcast %broadcast_in_dim3A_169 : f32 to vector<16xf32>
      %scan3A_171 = arith.constant 0 : i32
      %scan3A_172 = arith.constant 8 : i32
      %scan3A_173 = arith.addi %scan3A_171, %scan3A_172 : i32
      %scan3A_174 = arith.constant 1 : i32
      %scan3A_175:16 = scf.for %scan3A_270 = %scan3A_171 to %scan3A_173 step %scan3A_174 iter_args(%scan3A_271 = %broadcast_in_dim3A_140, %scan3A_272 = %broadcast_in_dim3A_142, %scan3A_273 = %broadcast_in_dim3A_144, %scan3A_274 = %broadcast_in_dim3A_146, %scan3A_275 = %broadcast_in_dim3A_148, %scan3A_276 = %broadcast_in_dim3A_150, %scan3A_277 = %broadcast_in_dim3A_152, %scan3A_278 = %broadcast_in_dim3A_154, %scan3A_279 = %broadcast_in_dim3A_156, %scan3A_280 = %broadcast_in_dim3A_158, %scan3A_281 = %broadcast_in_dim3A_160, %scan3A_282 = %broadcast_in_dim3A_162, %scan3A_283 = %broadcast_in_dim3A_164, %scan3A_284 = %broadcast_in_dim3A_166, %scan3A_285 = %broadcast_in_dim3A_168, %scan3A_286 = %broadcast_in_dim3A_170) -> (vector<16xf32>, vector<16xf32>, vector<16xf32>, vector<16xf32>, vector<16xf32>, vector<16xf32>, vector<16xf32>, vector<16xf32>, vector<16xf32>, vector<16xf32>, vector<16xf32>, vector<16xf32>, vector<16xf32>, vector<16xf32>, vector<16xf32>, vector<16xf32>)  : i32 {
        %add3A_287 = arith.constant 0 : i32
        %add3A_288 = arith.addi %mul3A_139, %add3A_287 : i32
        %mul3A_289 = arith.constant 16 : i32
        %mul3A_290 = arith.muli %scan3A_270, %mul3A_289 : i32
        %get3A = arith.index_cast %add3A_288 : i32 to index
        %get3A_291 = arith.index_cast %mul3A_290 : i32 to index
        %get3A_292 = tpu.vector_load %arg6[%get3A, %get3A_291] {strides = array<i32>} : memref<128x128xf32, #tpu.memory_space<vmem>>, vector<1x16xf32>,
        %get3A_293 = vector.shape_cast %get3A_292 : vector<1x16xf32> to vector<16xf32>
        %add3A_294 = arith.constant 0 : i32
        %add3A_295 = arith.addi %mul3A_139, %add3A_294 : i32
        %mul3A_296 = arith.constant 16 : i32
        %mul3A_297 = arith.muli %scan3A_270, %mul3A_296 : i32
        %get3A_298 = arith.index_cast %add3A_295 : i32 to index
        %get3A_299 = arith.index_cast %mul3A_297 : i32 to index
        %get3A_300 = tpu.vector_load %arg8[%get3A_298, %get3A_299] {strides = array<i32>} : memref<128x128xf32, #tpu.memory_space<vmem>>, vector<1x16xf32>,
        %get3A_301 = vector.shape_cast %get3A_300 : vector<1x16xf32> to vector<16xf32>
        %sub3A = arith.subf %get3A_293, %get3A_301 : vector<16xf32>
        %mul3A_302 = arith.mulf %sub3A, %sub3A : vector<16xf32>
        %add3A_303 = arith.addf %scan3A_271, %mul3A_302 : vector<16xf32>
        %add3A_304 = arith.constant 1 : i32
        %add3A_305 = arith.addi %mul3A_139, %add3A_304 : i32
        %mul3A_306 = arith.constant 16 : i32
        %mul3A_307 = arith.muli %scan3A_270, %mul3A_306 : i32
        %get3A_308 = arith.index_cast %add3A_305 : i32 to index
        %get3A_309 = arith.index_cast %mul3A_307 : i32 to index
        %get3A_310 = tpu.vector_load %arg6[%get3A_308, %get3A_309] {strides = array<i32>} : memref<128x128xf32, #tpu.memory_space<vmem>>, vector<1x16xf32>,
        %get3A_311 = vector.shape_cast %get3A_310 : vector<1x16xf32> to vector<16xf32>
        %add3A_312 = arith.constant 1 : i32
        %add3A_313 = arith.addi %mul3A_139, %add3A_312 : i32
        %mul3A_314 = arith.constant 16 : i32
        %mul3A_315 = arith.muli %scan3A_270, %mul3A_314 : i32
        %get3A_316 = arith.index_cast %add3A_313 : i32 to index
        %get3A_317 = arith.index_cast %mul3A_315 : i32 to index
        %get3A_318 = tpu.vector_load %arg8[%get3A_316, %get3A_317] {strides = array<i32>} : memref<128x128xf32, #tpu.memory_space<vmem>>, vector<1x16xf32>,
        %get3A_319 = vector.shape_cast %get3A_318 : vector<1x16xf32> to vector<16xf32>
        %sub3A_320 = arith.subf %get3A_311, %get3A_319 : vector<16xf32>
        %mul3A_321 = arith.mulf %sub3A_320, %sub3A_320 : vector<16xf32>
        %add3A_322 = arith.addf %scan3A_272, %mul3A_321 : vector<16xf32>
        %add3A_323 = arith.constant 2 : i32
        %add3A_324 = arith.addi %mul3A_139, %add3A_323 : i32
        %mul3A_325 = arith.constant 16 : i32
        %mul3A_326 = arith.muli %scan3A_270, %mul3A_325 : i32
        %get3A_327 = arith.index_cast %add3A_324 : i32 to index
        %get3A_328 = arith.index_cast %mul3A_326 : i32 to index
        %get3A_329 = tpu.vector_load %arg6[%get3A_327, %get3A_328] {strides = array<i32>} : memref<128x128xf32, #tpu.memory_space<vmem>>, vector<1x16xf32>,
        %get3A_330 = vector.shape_cast %get3A_329 : vector<1x16xf32> to vector<16xf32>
        %add3A_331 = arith.constant 2 : i32
        %add3A_332 = arith.addi %mul3A_139, %add3A_331 : i32
        %mul3A_333 = arith.constant 16 : i32
        %mul3A_334 = arith.muli %scan3A_270, %mul3A_333 : i32
        %get3A_335 = arith.index_cast %add3A_332 : i32 to index
        %get3A_336 = arith.index_cast %mul3A_334 : i32 to index
        %get3A_337 = tpu.vector_load %arg8[%get3A_335, %get3A_336] {strides = array<i32>} : memref<128x128xf32, #tpu.memory_space<vmem>>, vector<1x16xf32>,
        %get3A_338 = vector.shape_cast %get3A_337 : vector<1x16xf32> to vector<16xf32>
        %sub3A_339 = arith.subf %get3A_330, %get3A_338 : vector<16xf32>
        %mul3A_340 = arith.mulf %sub3A_339, %sub3A_339 : vector<16xf32>
        %add3A_341 = arith.addf %scan3A_273, %mul3A_340 : vector<16xf32>
        %add3A_342 = arith.constant 3 : i32
        %add3A_343 = arith.addi %mul3A_139, %add3A_342 : i32
        %mul3A_344 = arith.constant 16 : i32
        %mul3A_345 = arith.muli %scan3A_270, %mul3A_344 : i32
        %get3A_346 = arith.index_cast %add3A_343 : i32 to index
        %get3A_347 = arith.index_cast %mul3A_345 : i32 to index
        %get3A_348 = tpu.vector_load %arg6[%get3A_346, %get3A_347] {strides = array<i32>} : memref<128x128xf32, #tpu.memory_space<vmem>>, vector<1x16xf32>,
        %get3A_349 = vector.shape_cast %get3A_348 : vector<1x16xf32> to vector<16xf32>
        %add3A_350 = arith.constant 3 : i32
        %add3A_351 = arith.addi %mul3A_139, %add3A_350 : i32
        %mul3A_352 = arith.constant 16 : i32
        %mul3A_353 = arith.muli %scan3A_270, %mul3A_352 : i32
        %get3A_354 = arith.index_cast %add3A_351 : i32 to index
        %get3A_355 = arith.index_cast %mul3A_353 : i32 to index
        %get3A_356 = tpu.vector_load %arg8[%get3A_354, %get3A_355] {strides = array<i32>} : memref<128x128xf32, #tpu.memory_space<vmem>>, vector<1x16xf32>,
        %get3A_357 = vector.shape_cast %get3A_356 : vector<1x16xf32> to vector<16xf32>
        %sub3A_358 = arith.subf %get3A_349, %get3A_357 : vector<16xf32>
        %mul3A_359 = arith.mulf %sub3A_358, %sub3A_358 : vector<16xf32>
        %add3A_360 = arith.addf %scan3A_274, %mul3A_359 : vector<16xf32>
        %add3A_361 = arith.constant 4 : i32
        %add3A_362 = arith.addi %mul3A_139, %add3A_361 : i32
        %mul3A_363 = arith.constant 16 : i32
        %mul3A_364 = arith.muli %scan3A_270, %mul3A_363 : i32
        %get3A_365 = arith.index_cast %add3A_362 : i32 to index
        %get3A_366 = arith.index_cast %mul3A_364 : i32 to index
        %get3A_367 = tpu.vector_load %arg6[%get3A_365, %get3A_366] {strides = array<i32>} : memref<128x128xf32, #tpu.memory_space<vmem>>, vector<1x16xf32>,
        %get3A_368 = vector.shape_cast %get3A_367 : vector<1x16xf32> to vector<16xf32>
        %add3A_369 = arith.constant 4 : i32
        %add3A_370 = arith.addi %mul3A_139, %add3A_369 : i32
        %mul3A_371 = arith.constant 16 : i32
        %mul3A_372 = arith.muli %scan3A_270, %mul3A_371 : i32
        %get3A_373 = arith.index_cast %add3A_370 : i32 to index
        %get3A_374 = arith.index_cast %mul3A_372 : i32 to index
        %get3A_375 = tpu.vector_load %arg8[%get3A_373, %get3A_374] {strides = array<i32>} : memref<128x128xf32, #tpu.memory_space<vmem>>, vector<1x16xf32>,
        %get3A_376 = vector.shape_cast %get3A_375 : vector<1x16xf32> to vector<16xf32>
        %sub3A_377 = arith.subf %get3A_368, %get3A_376 : vector<16xf32>
        %mul3A_378 = arith.mulf %sub3A_377, %sub3A_377 : vector<16xf32>
        %add3A_379 = arith.addf %scan3A_275, %mul3A_378 : vector<16xf32>
        %add3A_380 = arith.constant 5 : i32
        %add3A_381 = arith.addi %mul3A_139, %add3A_380 : i32
        %mul3A_382 = arith.constant 16 : i32
        %mul3A_383 = arith.muli %scan3A_270, %mul3A_382 : i32
        %get3A_384 = arith.index_cast %add3A_381 : i32 to index
        %get3A_385 = arith.index_cast %mul3A_383 : i32 to index
        %get3A_386 = tpu.vector_load %arg6[%get3A_384, %get3A_385] {strides = array<i32>} : memref<128x128xf32, #tpu.memory_space<vmem>>, vector<1x16xf32>,
        %get3A_387 = vector.shape_cast %get3A_386 : vector<1x16xf32> to vector<16xf32>
        %add3A_388 = arith.constant 5 : i32
        %add3A_389 = arith.addi %mul3A_139, %add3A_388 : i32
        %mul3A_390 = arith.constant 16 : i32
        %mul3A_391 = arith.muli %scan3A_270, %mul3A_390 : i32
        %get3A_392 = arith.index_cast %add3A_389 : i32 to index
        %get3A_393 = arith.index_cast %mul3A_391 : i32 to index
        %get3A_394 = tpu.vector_load %arg8[%get3A_392, %get3A_393] {strides = array<i32>} : memref<128x128xf32, #tpu.memory_space<vmem>>, vector<1x16xf32>,
        %get3A_395 = vector.shape_cast %get3A_394 : vector<1x16xf32> to vector<16xf32>
        %sub3A_396 = arith.subf %get3A_387, %get3A_395 : vector<16xf32>
        %mul3A_397 = arith.mulf %sub3A_396, %sub3A_396 : vector<16xf32>
        %add3A_398 = arith.addf %scan3A_276, %mul3A_397 : vector<16xf32>
        %add3A_399 = arith.constant 6 : i32
        %add3A_400 = arith.addi %mul3A_139, %add3A_399 : i32
        %mul3A_401 = arith.constant 16 : i32
        %mul3A_402 = arith.muli %scan3A_270, %mul3A_401 : i32
        %get3A_403 = arith.index_cast %add3A_400 : i32 to index
        %get3A_404 = arith.index_cast %mul3A_402 : i32 to index
        %get3A_405 = tpu.vector_load %arg6[%get3A_403, %get3A_404] {strides = array<i32>} : memref<128x128xf32, #tpu.memory_space<vmem>>, vector<1x16xf32>,
        %get3A_406 = vector.shape_cast %get3A_405 : vector<1x16xf32> to vector<16xf32>
        %add3A_407 = arith.constant 6 : i32
        %add3A_408 = arith.addi %mul3A_139, %add3A_407 : i32
        %mul3A_409 = arith.constant 16 : i32
        %mul3A_410 = arith.muli %scan3A_270, %mul3A_409 : i32
        %get3A_411 = arith.index_cast %add3A_408 : i32 to index
        %get3A_412 = arith.index_cast %mul3A_410 : i32 to index
        %get3A_413 = tpu.vector_load %arg8[%get3A_411, %get3A_412] {strides = array<i32>} : memref<128x128xf32, #tpu.memory_space<vmem>>, vector<1x16xf32>,
        %get3A_414 = vector.shape_cast %get3A_413 : vector<1x16xf32> to vector<16xf32>
        %sub3A_415 = arith.subf %get3A_406, %get3A_414 : vector<16xf32>
        %mul3A_416 = arith.mulf %sub3A_415, %sub3A_415 : vector<16xf32>
        %add3A_417 = arith.addf %scan3A_277, %mul3A_416 : vector<16xf32>
        %add3A_418 = arith.constant 7 : i32
        %add3A_419 = arith.addi %mul3A_139, %add3A_418 : i32
        %mul3A_420 = arith.constant 16 : i32
        %mul3A_421 = arith.muli %scan3A_270, %mul3A_420 : i32
        %get3A_422 = arith.index_cast %add3A_419 : i32 to index
        %get3A_423 = arith.index_cast %mul3A_421 : i32 to index
        %get3A_424 = tpu.vector_load %arg6[%get3A_422, %get3A_423] {strides = array<i32>} : memref<128x128xf32, #tpu.memory_space<vmem>>, vector<1x16xf32>,
        %get3A_425 = vector.shape_cast %get3A_424 : vector<1x16xf32> to vector<16xf32>
        %add3A_426 = arith.constant 7 : i32
        %add3A_427 = arith.addi %mul3A_139, %add3A_426 : i32
        %mul3A_428 = arith.constant 16 : i32
        %mul3A_429 = arith.muli %scan3A_270, %mul3A_428 : i32
        %get3A_430 = arith.index_cast %add3A_427 : i32 to index
        %get3A_431 = arith.index_cast %mul3A_429 : i32 to index
        %get3A_432 = tpu.vector_load %arg8[%get3A_430, %get3A_431] {strides = array<i32>} : memref<128x128xf32, #tpu.memory_space<vmem>>, vector<1x16xf32>,
        %get3A_433 = vector.shape_cast %get3A_432 : vector<1x16xf32> to vector<16xf32>
        %sub3A_434 = arith.subf %get3A_425, %get3A_433 : vector<16xf32>
        %mul3A_435 = arith.mulf %sub3A_434, %sub3A_434 : vector<16xf32>
        %add3A_436 = arith.addf %scan3A_278, %mul3A_435 : vector<16xf32>
        %add3A_437 = arith.constant 8 : i32
        %add3A_438 = arith.addi %mul3A_139, %add3A_437 : i32
        %mul3A_439 = arith.constant 16 : i32
        %mul3A_440 = arith.muli %scan3A_270, %mul3A_439 : i32
        %get3A_441 = arith.index_cast %add3A_438 : i32 to index
        %get3A_442 = arith.index_cast %mul3A_440 : i32 to index
        %get3A_443 = tpu.vector_load %arg6[%get3A_441, %get3A_442] {strides = array<i32>} : memref<128x128xf32, #tpu.memory_space<vmem>>, vector<1x16xf32>,
        %get3A_444 = vector.shape_cast %get3A_443 : vector<1x16xf32> to vector<16xf32>
        %add3A_445 = arith.constant 8 : i32
        %add3A_446 = arith.addi %mul3A_139, %add3A_445 : i32
        %mul3A_447 = arith.constant 16 : i32
        %mul3A_448 = arith.muli %scan3A_270, %mul3A_447 : i32
        %get3A_449 = arith.index_cast %add3A_446 : i32 to index
        %get3A_450 = arith.index_cast %mul3A_448 : i32 to index
        %get3A_451 = tpu.vector_load %arg8[%get3A_449, %get3A_450] {strides = array<i32>} : memref<128x128xf32, #tpu.memory_space<vmem>>, vector<1x16xf32>,
        %get3A_452 = vector.shape_cast %get3A_451 : vector<1x16xf32> to vector<16xf32>
        %sub3A_453 = arith.subf %get3A_444, %get3A_452 : vector<16xf32>
        %mul3A_454 = arith.mulf %sub3A_453, %sub3A_453 : vector<16xf32>
        %add3A_455 = arith.addf %scan3A_279, %mul3A_454 : vector<16xf32>
        %add3A_456 = arith.constant 9 : i32
        %add3A_457 = arith.addi %mul3A_139, %add3A_456 : i32
        %mul3A_458 = arith.constant 16 : i32
        %mul3A_459 = arith.muli %scan3A_270, %mul3A_458 : i32
        %get3A_460 = arith.index_cast %add3A_457 : i32 to index
        %get3A_461 = arith.index_cast %mul3A_459 : i32 to index
        %get3A_462 = tpu.vector_load %arg6[%get3A_460, %get3A_461] {strides = array<i32>} : memref<128x128xf32, #tpu.memory_space<vmem>>, vector<1x16xf32>,
        %get3A_463 = vector.shape_cast %get3A_462 : vector<1x16xf32> to vector<16xf32>
        %add3A_464 = arith.constant 9 : i32
        %add3A_465 = arith.addi %mul3A_139, %add3A_464 : i32
        %mul3A_466 = arith.constant 16 : i32
        %mul3A_467 = arith.muli %scan3A_270, %mul3A_466 : i32
        %get3A_468 = arith.index_cast %add3A_465 : i32 to index
        %get3A_469 = arith.index_cast %mul3A_467 : i32 to index
        %get3A_470 = tpu.vector_load %arg8[%get3A_468, %get3A_469] {strides = array<i32>} : memref<128x128xf32, #tpu.memory_space<vmem>>, vector<1x16xf32>,
        %get3A_471 = vector.shape_cast %get3A_470 : vector<1x16xf32> to vector<16xf32>
        %sub3A_472 = arith.subf %get3A_463, %get3A_471 : vector<16xf32>
        %mul3A_473 = arith.mulf %sub3A_472, %sub3A_472 : vector<16xf32>
        %add3A_474 = arith.addf %scan3A_280, %mul3A_473 : vector<16xf32>
        %add3A_475 = arith.constant 10 : i32
        %add3A_476 = arith.addi %mul3A_139, %add3A_475 : i32
        %mul3A_477 = arith.constant 16 : i32
        %mul3A_478 = arith.muli %scan3A_270, %mul3A_477 : i32
        %get3A_479 = arith.index_cast %add3A_476 : i32 to index
        %get3A_480 = arith.index_cast %mul3A_478 : i32 to index
        %get3A_481 = tpu.vector_load %arg6[%get3A_479, %get3A_480] {strides = array<i32>} : memref<128x128xf32, #tpu.memory_space<vmem>>, vector<1x16xf32>,
        %get3A_482 = vector.shape_cast %get3A_481 : vector<1x16xf32> to vector<16xf32>
        %add3A_483 = arith.constant 10 : i32
        %add3A_484 = arith.addi %mul3A_139, %add3A_483 : i32
        %mul3A_485 = arith.constant 16 : i32
        %mul3A_486 = arith.muli %scan3A_270, %mul3A_485 : i32
        %get3A_487 = arith.index_cast %add3A_484 : i32 to index
        %get3A_488 = arith.index_cast %mul3A_486 : i32 to index
        %get3A_489 = tpu.vector_load %arg8[%get3A_487, %get3A_488] {strides = array<i32>} : memref<128x128xf32, #tpu.memory_space<vmem>>, vector<1x16xf32>,
        %get3A_490 = vector.shape_cast %get3A_489 : vector<1x16xf32> to vector<16xf32>
        %sub3A_491 = arith.subf %get3A_482, %get3A_490 : vector<16xf32>
        %mul3A_492 = arith.mulf %sub3A_491, %sub3A_491 : vector<16xf32>
        %add3A_493 = arith.addf %scan3A_281, %mul3A_492 : vector<16xf32>
        %add3A_494 = arith.constant 11 : i32
        %add3A_495 = arith.addi %mul3A_139, %add3A_494 : i32
        %mul3A_496 = arith.constant 16 : i32
        %mul3A_497 = arith.muli %scan3A_270, %mul3A_496 : i32
        %get3A_498 = arith.index_cast %add3A_495 : i32 to index
        %get3A_499 = arith.index_cast %mul3A_497 : i32 to index
        %get3A_500 = tpu.vector_load %arg6[%get3A_498, %get3A_499] {strides = array<i32>} : memref<128x128xf32, #tpu.memory_space<vmem>>, vector<1x16xf32>,
        %get3A_501 = vector.shape_cast %get3A_500 : vector<1x16xf32> to vector<16xf32>
        %add3A_502 = arith.constant 11 : i32
        %add3A_503 = arith.addi %mul3A_139, %add3A_502 : i32
        %mul3A_504 = arith.constant 16 : i32
        %mul3A_505 = arith.muli %scan3A_270, %mul3A_504 : i32
        %get3A_506 = arith.index_cast %add3A_503 : i32 to index
        %get3A_507 = arith.index_cast %mul3A_505 : i32 to index
        %get3A_508 = tpu.vector_load %arg8[%get3A_506, %get3A_507] {strides = array<i32>} : memref<128x128xf32, #tpu.memory_space<vmem>>, vector<1x16xf32>,
        %get3A_509 = vector.shape_cast %get3A_508 : vector<1x16xf32> to vector<16xf32>
        %sub3A_510 = arith.subf %get3A_501, %get3A_509 : vector<16xf32>
        %mul3A_511 = arith.mulf %sub3A_510, %sub3A_510 : vector<16xf32>
        %add3A_512 = arith.addf %scan3A_282, %mul3A_511 : vector<16xf32>
        %add3A_513 = arith.constant 12 : i32
        %add3A_514 = arith.addi %mul3A_139, %add3A_513 : i32
        %mul3A_515 = arith.constant 16 : i32
        %mul3A_516 = arith.muli %scan3A_270, %mul3A_515 : i32
        %get3A_517 = arith.index_cast %add3A_514 : i32 to index
        %get3A_518 = arith.index_cast %mul3A_516 : i32 to index
        %get3A_519 = tpu.vector_load %arg6[%get3A_517, %get3A_518] {strides = array<i32>} : memref<128x128xf32, #tpu.memory_space<vmem>>, vector<1x16xf32>,
        %get3A_520 = vector.shape_cast %get3A_519 : vector<1x16xf32> to vector<16xf32>
        %add3A_521 = arith.constant 12 : i32
        %add3A_522 = arith.addi %mul3A_139, %add3A_521 : i32
        %mul3A_523 = arith.constant 16 : i32
        %mul3A_524 = arith.muli %scan3A_270, %mul3A_523 : i32
        %get3A_525 = arith.index_cast %add3A_522 : i32 to index
        %get3A_526 = arith.index_cast %mul3A_524 : i32 to index
        %get3A_527 = tpu.vector_load %arg8[%get3A_525, %get3A_526] {strides = array<i32>} : memref<128x128xf32, #tpu.memory_space<vmem>>, vector<1x16xf32>,
        %get3A_528 = vector.shape_cast %get3A_527 : vector<1x16xf32> to vector<16xf32>
        %sub3A_529 = arith.subf %get3A_520, %get3A_528 : vector<16xf32>
        %mul3A_530 = arith.mulf %sub3A_529, %sub3A_529 : vector<16xf32>
        %add3A_531 = arith.addf %scan3A_283, %mul3A_530 : vector<16xf32>
        %add3A_532 = arith.constant 13 : i32
        %add3A_533 = arith.addi %mul3A_139, %add3A_532 : i32
        %mul3A_534 = arith.constant 16 : i32
        %mul3A_535 = arith.muli %scan3A_270, %mul3A_534 : i32
        %get3A_536 = arith.index_cast %add3A_533 : i32 to index
        %get3A_537 = arith.index_cast %mul3A_535 : i32 to index
        %get3A_538 = tpu.vector_load %arg6[%get3A_536, %get3A_537] {strides = array<i32>} : memref<128x128xf32, #tpu.memory_space<vmem>>, vector<1x16xf32>,
        %get3A_539 = vector.shape_cast %get3A_538 : vector<1x16xf32> to vector<16xf32>
        %add3A_540 = arith.constant 13 : i32
        %add3A_541 = arith.addi %mul3A_139, %add3A_540 : i32
        %mul3A_542 = arith.constant 16 : i32
        %mul3A_543 = arith.muli %scan3A_270, %mul3A_542 : i32
        %get3A_544 = arith.index_cast %add3A_541 : i32 to index
        %get3A_545 = arith.index_cast %mul3A_543 : i32 to index
        %get3A_546 = tpu.vector_load %arg8[%get3A_544, %get3A_545] {strides = array<i32>} : memref<128x128xf32, #tpu.memory_space<vmem>>, vector<1x16xf32>,
        %get3A_547 = vector.shape_cast %get3A_546 : vector<1x16xf32> to vector<16xf32>
        %sub3A_548 = arith.subf %get3A_539, %get3A_547 : vector<16xf32>
        %mul3A_549 = arith.mulf %sub3A_548, %sub3A_548 : vector<16xf32>
        %add3A_550 = arith.addf %scan3A_284, %mul3A_549 : vector<16xf32>
        %add3A_551 = arith.constant 14 : i32
        %add3A_552 = arith.addi %mul3A_139, %add3A_551 : i32
        %mul3A_553 = arith.constant 16 : i32
        %mul3A_554 = arith.muli %scan3A_270, %mul3A_553 : i32
        %get3A_555 = arith.index_cast %add3A_552 : i32 to index
        %get3A_556 = arith.index_cast %mul3A_554 : i32 to index
        %get3A_557 = tpu.vector_load %arg6[%get3A_555, %get3A_556] {strides = array<i32>} : memref<128x128xf32, #tpu.memory_space<vmem>>, vector<1x16xf32>,
        %get3A_558 = vector.shape_cast %get3A_557 : vector<1x16xf32> to vector<16xf32>
        %add3A_559 = arith.constant 14 : i32
        %add3A_560 = arith.addi %mul3A_139, %add3A_559 : i32
        %mul3A_561 = arith.constant 16 : i32
        %mul3A_562 = arith.muli %scan3A_270, %mul3A_561 : i32
        %get3A_563 = arith.index_cast %add3A_560 : i32 to index
        %get3A_564 = arith.index_cast %mul3A_562 : i32 to index
        %get3A_565 = tpu.vector_load %arg8[%get3A_563, %get3A_564] {strides = array<i32>} : memref<128x128xf32, #tpu.memory_space<vmem>>, vector<1x16xf32>,
        %get3A_566 = vector.shape_cast %get3A_565 : vector<1x16xf32> to vector<16xf32>
        %sub3A_567 = arith.subf %get3A_558, %get3A_566 : vector<16xf32>
        %mul3A_568 = arith.mulf %sub3A_567, %sub3A_567 : vector<16xf32>
        %add3A_569 = arith.addf %scan3A_285, %mul3A_568 : vector<16xf32>
        %add3A_570 = arith.constant 15 : i32
        %add3A_571 = arith.addi %mul3A_139, %add3A_570 : i32
        %mul3A_572 = arith.constant 16 : i32
        %mul3A_573 = arith.muli %scan3A_270, %mul3A_572 : i32
        %get3A_574 = arith.index_cast %add3A_571 : i32 to index
        %get3A_575 = arith.index_cast %mul3A_573 : i32 to index
        %get3A_576 = tpu.vector_load %arg6[%get3A_574, %get3A_575] {strides = array<i32>} : memref<128x128xf32, #tpu.memory_space<vmem>>, vector<1x16xf32>,
        %get3A_577 = vector.shape_cast %get3A_576 : vector<1x16xf32> to vector<16xf32>
        %add3A_578 = arith.constant 15 : i32
        %add3A_579 = arith.addi %mul3A_139, %add3A_578 : i32
        %mul3A_580 = arith.constant 16 : i32
        %mul3A_581 = arith.muli %scan3A_270, %mul3A_580 : i32
        %get3A_582 = arith.index_cast %add3A_579 : i32 to index
        %get3A_583 = arith.index_cast %mul3A_581 : i32 to index
        %get3A_584 = tpu.vector_load %arg8[%get3A_582, %get3A_583] {strides = array<i32>} : memref<128x128xf32, #tpu.memory_space<vmem>>, vector<1x16xf32>,
        %get3A_585 = vector.shape_cast %get3A_584 : vector<1x16xf32> to vector<16xf32>
        %sub3A_586 = arith.subf %get3A_577, %get3A_585 : vector<16xf32>
        %mul3A_587 = arith.mulf %sub3A_586, %sub3A_586 : vector<16xf32>
        %add3A_588 = arith.addf %scan3A_286, %mul3A_587 : vector<16xf32>
        scf.yield %add3A_303, %add3A_322, %add3A_341, %add3A_360, %add3A_379, %add3A_398, %add3A_417, %add3A_436, %add3A_455, %add3A_474, %add3A_493, %add3A_512, %add3A_531, %add3A_550, %add3A_569, %add3A_588 : vector<16xf32>, vector<16xf32>, vector<16xf32>, vector<16xf32>, vector<16xf32>, vector<16xf32>, vector<16xf32>, vector<16xf32>, vector<16xf32>, vector<16xf32>, vector<16xf32>, vector<16xf32>, vector<16xf32>, vector<16xf32>, vector<16xf32>, vector<16xf32>
      }
      %scan3A_176 = arith.constant 8 : i32
      %select_n3A = arith.select %eq3A_17, %scan3A_175#0, %scan3A_175#1 : vector<16xi1>, vector<16xf32>
      %select_n3A_177 = arith.select %eq3A_17, %scan3A_175#1, %scan3A_175#0 : vector<16xi1>, vector<16xf32>
      %broadcast_in_dim3A_178 = vector.shape_cast %xor3A_4 : vector<16xi32> to vector<16x1xi32>
      %gather3A = vector.shape_cast %broadcast_in_dim3A_178 : vector<16x1xi32> to vector<16xi32>
      %gather3A_179 = tpu.dynamic_gather %select_n3A_177[%gather3A] in [0] : vector<16xf32>, vector<16xi32> -> vector<16xf32>
      %add3A_180 = arith.addf %select_n3A, %gather3A_179 : vector<16xf32>
      %select_n3A_181 = arith.select %eq3A_17, %scan3A_175#2, %scan3A_175#3 : vector<16xi1>, vector<16xf32>
      %select_n3A_182 = arith.select %eq3A_17, %scan3A_175#3, %scan3A_175#2 : vector<16xi1>, vector<16xf32>
      %broadcast_in_dim3A_183 = vector.shape_cast %xor3A_4 : vector<16xi32> to vector<16x1xi32>
      %gather3A_184 = vector.shape_cast %broadcast_in_dim3A_183 : vector<16x1xi32> to vector<16xi32>
      %gather3A_185 = tpu.dynamic_gather %select_n3A_182[%gather3A_184] in [0] : vector<16xf32>, vector<16xi32> -> vector<16xf32>
      %add3A_186 = arith.addf %select_n3A_181, %gather3A_185 : vector<16xf32>
      %select_n3A_187 = arith.select %eq3A_17, %scan3A_175#4, %scan3A_175#5 : vector<16xi1>, vector<16xf32>
      %select_n3A_188 = arith.select %eq3A_17, %scan3A_175#5, %scan3A_175#4 : vector<16xi1>, vector<16xf32>
      %broadcast_in_dim3A_189 = vector.shape_cast %xor3A_4 : vector<16xi32> to vector<16x1xi32>
      %gather3A_190 = vector.shape_cast %broadcast_in_dim3A_189 : vector<16x1xi32> to vector<16xi32>
      %gather3A_191 = tpu.dynamic_gather %select_n3A_188[%gather3A_190] in [0] : vector<16xf32>, vector<16xi32> -> vector<16xf32>
      %add3A_192 = arith.addf %select_n3A_187, %gather3A_191 : vector<16xf32>
      %select_n3A_193 = arith.select %eq3A_17, %scan3A_175#6, %scan3A_175#7 : vector<16xi1>, vector<16xf32>
      %select_n3A_194 = arith.select %eq3A_17, %scan3A_175#7, %scan3A_175#6 : vector<16xi1>, vector<16xf32>
      %broadcast_in_dim3A_195 = vector.shape_cast %xor3A_4 : vector<16xi32> to vector<16x1xi32>
      %gather3A_196 = vector.shape_cast %broadcast_in_dim3A_195 : vector<16x1xi32> to vector<16xi32>
      %gather3A_197 = tpu.dynamic_gather %select_n3A_194[%gather3A_196] in [0] : vector<16xf32>, vector<16xi32> -> vector<16xf32>
      %add3A_198 = arith.addf %select_n3A_193, %gather3A_197 : vector<16xf32>
      %select_n3A_199 = arith.select %eq3A_17, %scan3A_175#8, %scan3A_175#9 : vector<16xi1>, vector<16xf32>
      %select_n3A_200 = arith.select %eq3A_17, %scan3A_175#9, %scan3A_175#8 : vector<16xi1>, vector<16xf32>
      %broadcast_in_dim3A_201 = vector.shape_cast %xor3A_4 : vector<16xi32> to vector<16x1xi32>
      %gather3A_202 = vector.shape_cast %broadcast_in_dim3A_201 : vector<16x1xi32> to vector<16xi32>
      %gather3A_203 = tpu.dynamic_gather %select_n3A_200[%gather3A_202] in [0] : vector<16xf32>, vector<16xi32> -> vector<16xf32>
      %add3A_204 = arith.addf %select_n3A_199, %gather3A_203 : vector<16xf32>
      %select_n3A_205 = arith.select %eq3A_17, %scan3A_175#10, %scan3A_175#11 : vector<16xi1>, vector<16xf32>
      %select_n3A_206 = arith.select %eq3A_17, %scan3A_175#11, %scan3A_175#10 : vector<16xi1>, vector<16xf32>
      %broadcast_in_dim3A_207 = vector.shape_cast %xor3A_4 : vector<16xi32> to vector<16x1xi32>
      %gather3A_208 = vector.shape_cast %broadcast_in_dim3A_207 : vector<16x1xi32> to vector<16xi32>
      %gather3A_209 = tpu.dynamic_gather %select_n3A_206[%gather3A_208] in [0] : vector<16xf32>, vector<16xi32> -> vector<16xf32>
      %add3A_210 = arith.addf %select_n3A_205, %gather3A_209 : vector<16xf32>
      %select_n3A_211 = arith.select %eq3A_17, %scan3A_175#12, %scan3A_175#13 : vector<16xi1>, vector<16xf32>
      %select_n3A_212 = arith.select %eq3A_17, %scan3A_175#13, %scan3A_175#12 : vector<16xi1>, vector<16xf32>
      %broadcast_in_dim3A_213 = vector.shape_cast %xor3A_4 : vector<16xi32> to vector<16x1xi32>
      %gather3A_214 = vector.shape_cast %broadcast_in_dim3A_213 : vector<16x1xi32> to vector<16xi32>
      %gather3A_215 = tpu.dynamic_gather %select_n3A_212[%gather3A_214] in [0] : vector<16xf32>, vector<16xi32> -> vector<16xf32>
      %add3A_216 = arith.addf %select_n3A_211, %gather3A_215 : vector<16xf32>
      %select_n3A_217 = arith.select %eq3A_17, %scan3A_175#14, %scan3A_175#15 : vector<16xi1>, vector<16xf32>
      %select_n3A_218 = arith.select %eq3A_17, %scan3A_175#15, %scan3A_175#14 : vector<16xi1>, vector<16xf32>
      %broadcast_in_dim3A_219 = vector.shape_cast %xor3A_4 : vector<16xi32> to vector<16x1xi32>
      %gather3A_220 = vector.shape_cast %broadcast_in_dim3A_219 : vector<16x1xi32> to vector<16xi32>
      %gather3A_221 = tpu.dynamic_gather %select_n3A_218[%gather3A_220] in [0] : vector<16xf32>, vector<16xi32> -> vector<16xf32>
      %add3A_222 = arith.addf %select_n3A_217, %gather3A_221 : vector<16xf32>
      %select_n3A_223 = arith.select %eq3A_23, %add3A_180, %add3A_186 : vector<16xi1>, vector<16xf32>
      %select_n3A_224 = arith.select %eq3A_23, %add3A_186, %add3A_180 : vector<16xi1>, vector<16xf32>
      %broadcast_in_dim3A_225 = vector.shape_cast %xor3A_7 : vector<16xi32> to vector<16x1xi32>
      %gather3A_226 = vector.shape_cast %broadcast_in_dim3A_225 : vector<16x1xi32> to vector<16xi32>
      %gather3A_227 = tpu.dynamic_gather %select_n3A_224[%gather3A_226] in [0] : vector<16xf32>, vector<16xi32> -> vector<16xf32>
      %add3A_228 = arith.addf %select_n3A_223, %gather3A_227 : vector<16xf32>
      %select_n3A_229 = arith.select %eq3A_23, %add3A_192, %add3A_198 : vector<16xi1>, vector<16xf32>
      %select_n3A_230 = arith.select %eq3A_23, %add3A_198, %add3A_192 : vector<16xi1>, vector<16xf32>
      %broadcast_in_dim3A_231 = vector.shape_cast %xor3A_7 : vector<16xi32> to vector<16x1xi32>
      %gather3A_232 = vector.shape_cast %broadcast_in_dim3A_231 : vector<16x1xi32> to vector<16xi32>
      %gather3A_233 = tpu.dynamic_gather %select_n3A_230[%gather3A_232] in [0] : vector<16xf32>, vector<16xi32> -> vector<16xf32>
      %add3A_234 = arith.addf %select_n3A_229, %gather3A_233 : vector<16xf32>
      %select_n3A_235 = arith.select %eq3A_23, %add3A_204, %add3A_210 : vector<16xi1>, vector<16xf32>
      %select_n3A_236 = arith.select %eq3A_23, %add3A_210, %add3A_204 : vector<16xi1>, vector<16xf32>
      %broadcast_in_dim3A_237 = vector.shape_cast %xor3A_7 : vector<16xi32> to vector<16x1xi32>
      %gather3A_238 = vector.shape_cast %broadcast_in_dim3A_237 : vector<16x1xi32> to vector<16xi32>
      %gather3A_239 = tpu.dynamic_gather %select_n3A_236[%gather3A_238] in [0] : vector<16xf32>, vector<16xi32> -> vector<16xf32>
      %add3A_240 = arith.addf %select_n3A_235, %gather3A_239 : vector<16xf32>
      %select_n3A_241 = arith.select %eq3A_23, %add3A_216, %add3A_222 : vector<16xi1>, vector<16xf32>
      %select_n3A_242 = arith.select %eq3A_23, %add3A_222, %add3A_216 : vector<16xi1>, vector<16xf32>
      %broadcast_in_dim3A_243 = vector.shape_cast %xor3A_7 : vector<16xi32> to vector<16x1xi32>
      %gather3A_244 = vector.shape_cast %broadcast_in_dim3A_243 : vector<16x1xi32> to vector<16xi32>
      %gather3A_245 = tpu.dynamic_gather %select_n3A_242[%gather3A_244] in [0] : vector<16xf32>, vector<16xi32> -> vector<16xf32>
      %add3A_246 = arith.addf %select_n3A_241, %gather3A_245 : vector<16xf32>
      %select_n3A_247 = arith.select %eq3A_29, %add3A_228, %add3A_234 : vector<16xi1>, vector<16xf32>
      %select_n3A_248 = arith.select %eq3A_29, %add3A_234, %add3A_228 : vector<16xi1>, vector<16xf32>
      %broadcast_in_dim3A_249 = vector.shape_cast %xor3A_10 : vector<16xi32> to vector<16x1xi32>
      %gather3A_250 = vector.shape_cast %broadcast_in_dim3A_249 : vector<16x1xi32> to vector<16xi32>
      %gather3A_251 = tpu.dynamic_gather %select_n3A_248[%gather3A_250] in [0] : vector<16xf32>, vector<16xi32> -> vector<16xf32>
      %add3A_252 = arith.addf %select_n3A_247, %gather3A_251 : vector<16xf32>
      %select_n3A_253 = arith.select %eq3A_29, %add3A_240, %add3A_246 : vector<16xi1>, vector<16xf32>
      %select_n3A_254 = arith.select %eq3A_29, %add3A_246, %add3A_240 : vector<16xi1>, vector<16xf32>
      %broadcast_in_dim3A_255 = vector.shape_cast %xor3A_10 : vector<16xi32> to vector<16x1xi32>
      %gather3A_256 = vector.shape_cast %broadcast_in_dim3A_255 : vector<16x1xi32> to vector<16xi32>
      %gather3A_257 = tpu.dynamic_gather %select_n3A_254[%gather3A_256] in [0] : vector<16xf32>, vector<16xi32> -> vector<16xf32>
      %add3A_258 = arith.addf %select_n3A_253, %gather3A_257 : vector<16xf32>
      %select_n3A_259 = arith.select %eq3A_35, %add3A_252, %add3A_258 : vector<16xi1>, vector<16xf32>
      %select_n3A_260 = arith.select %eq3A_35, %add3A_258, %add3A_252 : vector<16xi1>, vector<16xf32>
      %broadcast_in_dim3A_261 = vector.shape_cast %xor3A_13 : vector<16xi32> to vector<16x1xi32>
      %gather3A_262 = vector.shape_cast %broadcast_in_dim3A_261 : vector<16x1xi32> to vector<16xi32>
      %gather3A_263 = tpu.dynamic_gather %select_n3A_260[%gather3A_262] in [0] : vector<16xf32>, vector<16xi32> -> vector<16xf32>
      %add3A_264 = arith.addf %select_n3A_259, %gather3A_263 : vector<16xf32>
      %add3A_265 = arith.constant 0 : i32
      %add3A_266 = arith.addi %add3A_265, %mul3A_139 : i32
      %swap3A = arith.index_cast %add3A_266 : i32 to index
      %swap3A_267 = tpu.vector_load %arg11[%swap3A] {strides = array<i32>} : memref<512xf32, #tpu.memory_space<vmem>>, vector<16xf32>,
      %swap3A_268 = vector.shape_cast %swap3A_267 : vector<16xf32> to vector<16xf32>
      %swap3A_269 = vector.shape_cast %add3A_264 : vector<16xf32> to vector<16xf32>
      tpu.vector_store %arg11[%swap3A], %swap3A_269 {strides = array<i32>} : memref<512xf32, #tpu.memory_space<vmem>>, vector<16xf32>,
    }
    %scan3A_69 = arith.constant 8 : i32
    %add3A_70 = arith.constant 256 : i32
    %add3A_71 = arith.addi %mul3A_2, %add3A_70 : i32
    %dma_start3A_72 = arith.constant 0 : i32
    %dma_start3A_73 = tpu.memref_slice %arg2[%add3A_71, %dma_start3A_72] : memref<16384x128xf32, #tpu.memory_space<hbm>> -> memref<128x128xf32, #tpu.memory_space<hbm>>
    %dma_start3A_74 = arith.constant 0 : i32
    %dma_start3A_75 = tpu.memref_slice %arg2[%add3A_71, %dma_start3A_74] : memref<16384x128xf32, #tpu.memory_space<hbm>> -> memref<128x128xf32, #tpu.memory_space<hbm>>
    tpu.enqueue_dma source(%dma_start3A_75 : memref<128x128xf32, #tpu.memory_space<hbm>>) target(%arg6 : memref<128x128xf32, #tpu.memory_space<vmem>>) target_semaphore(%arg12 : memref<!tpu.dma_semaphore, #tpu.memory_space<semaphore_mem>>)
    %dma_start3A_76 = arith.constant 256 : i32
    %dma_start3A_77 = tpu.memref_slice %arg10[%dma_start3A_76] : memref<512xi32, #tpu.memory_space<vmem>> -> memref<128xi32, #tpu.memory_space<vmem>>
    %dma_start3A_78 = arith.constant 0 : i32
    %dma_start3A_79 = arith.constant 0 : i32
    %dma_start3A_80 = tpu.memref_slice %arg4[%dma_start3A_78, %dma_start3A_79] : memref<100000x128xf32, #tpu.memory_space<hbm>> -> memref<100000x128xf32, #tpu.memory_space<hbm>>
    tpu.enqueue_indirect_dma source(%dma_start3A_80 : memref<100000x128xf32, #tpu.memory_space<hbm>>) target(%arg8 : memref<128x128xf32, #tpu.memory_space<vmem>>) offsets(%dma_start3A_77 : memref<128xi32, #tpu.memory_space<vmem>>) semaphore(%arg12 : memref<!tpu.dma_semaphore, #tpu.memory_space<semaphore_mem>>)
    %dma_wait3A_81 = arith.constant 0 : i32
    %dma_wait3A_82 = tpu.memref_slice %arg2[%add3A_47, %dma_wait3A_81] : memref<16384x128xf32, #tpu.memory_space<hbm>> -> memref<128x128xf32, #tpu.memory_space<hbm>>
    %dma_wait3A_83 = arith.constant 0 : i32
    %dma_wait3A_84 = tpu.memref_slice %arg2[%add3A_47, %dma_wait3A_83] : memref<16384x128xf32, #tpu.memory_space<hbm>> -> memref<128x128xf32, #tpu.memory_space<hbm>>
    tpu.wait_dma2 semaphore(%arg13 : memref<!tpu.dma_semaphore, #tpu.memory_space<semaphore_mem>>) src(%dma_wait3A_84 : memref<128x128xf32, #tpu.memory_space<hbm>>) dst(%arg7 : memref<128x128xf32, #tpu.memory_space<vmem>>)
    %dma_wait3A_85 = arith.constant 128 : i32
    %dma_wait3A_86 = tpu.memref_slice %arg10[%dma_wait3A_85] : memref<512xi32, #tpu.memory_space<vmem>> -> memref<128xi32, #tpu.memory_space<vmem>>
    %dma_wait3A_87 = arith.constant 0 : i32
    %dma_wait3A_88 = arith.constant 0 : i32
    %dma_wait3A_89 = tpu.memref_slice %arg4[%dma_wait3A_87, %dma_wait3A_88] : memref<100000x128xf32, #tpu.memory_space<hbm>> -> memref<100000x128xf32, #tpu.memory_space<hbm>>
    tpu.wait_indirect_dma semaphore(%arg13 : memref<!tpu.dma_semaphore, #tpu.memory_space<semaphore_mem>>) src(%dma_wait3A_89 : memref<100000x128xf32, #tpu.memory_space<hbm>>) dst(%arg9 : memref<128x128xf32, #tpu.memory_space<vmem>>)
    %scan3A_90 = arith.constant 0 : i32
    %scan3A_91 = arith.constant 0 : i32
    %scan3A_92 = arith.constant 8 : i32
    %scan3A_93 = arith.addi %scan3A_91, %scan3A_92 : i32
    %scan3A_94 = arith.constant 1 : i32
    scf.for %scan3A_137 = %scan3A_91 to %scan3A_93 step %scan3A_94  : i32 {
      %mul3A_138 = arith.constant 16 : i32
      %mul3A_139 = arith.muli %scan3A_137, %mul3A_138 : i32
      %broadcast_in_dim3A = arith.constant 0.000000e+00 : f32
      %broadcast_in_dim3A_140 = vector.broadcast %broadcast_in_dim3A : f32 to vector<16xf32>
      %broadcast_in_dim3A_141 = arith.constant 0.000000e+00 : f32
      %broadcast_in_dim3A_142 = vector.broadcast %broadcast_in_dim3A_141 : f32 to vector<16xf32>
      %broadcast_in_dim3A_143 = arith.constant 0.000000e+00 : f32
      %broadcast_in_dim3A_144 = vector.broadcast %broadcast_in_dim3A_143 : f32 to vector<16xf32>
      %broadcast_in_dim3A_145 = arith.constant 0.000000e+00 : f32
      %broadcast_in_dim3A_146 = vector.broadcast %broadcast_in_dim3A_145 : f32 to vector<16xf32>
      %broadcast_in_dim3A_147 = arith.constant 0.000000e+00 : f32
      %broadcast_in_dim3A_148 = vector.broadcast %broadcast_in_dim3A_147 : f32 to vector<16xf32>
      %broadcast_in_dim3A_149 = arith.constant 0.000000e+00 : f32
      %broadcast_in_dim3A_150 = vector.broadcast %broadcast_in_dim3A_149 : f32 to vector<16xf32>
      %broadcast_in_dim3A_151 = arith.constant 0.000000e+00 : f32
      %broadcast_in_dim3A_152 = vector.broadcast %broadcast_in_dim3A_151 : f32 to vector<16xf32>
      %broadcast_in_dim3A_153 = arith.constant 0.000000e+00 : f32
      %broadcast_in_dim3A_154 = vector.broadcast %broadcast_in_dim3A_153 : f32 to vector<16xf32>
      %broadcast_in_dim3A_155 = arith.constant 0.000000e+00 : f32
      %broadcast_in_dim3A_156 = vector.broadcast %broadcast_in_dim3A_155 : f32 to vector<16xf32>
      %broadcast_in_dim3A_157 = arith.constant 0.000000e+00 : f32
      %broadcast_in_dim3A_158 = vector.broadcast %broadcast_in_dim3A_157 : f32 to vector<16xf32>
      %broadcast_in_dim3A_159 = arith.constant 0.000000e+00 : f32
      %broadcast_in_dim3A_160 = vector.broadcast %broadcast_in_dim3A_159 : f32 to vector<16xf32>
      %broadcast_in_dim3A_161 = arith.constant 0.000000e+00 : f32
      %broadcast_in_dim3A_162 = vector.broadcast %broadcast_in_dim3A_161 : f32 to vector<16xf32>
      %broadcast_in_dim3A_163 = arith.constant 0.000000e+00 : f32
      %broadcast_in_dim3A_164 = vector.broadcast %broadcast_in_dim3A_163 : f32 to vector<16xf32>
      %broadcast_in_dim3A_165 = arith.constant 0.000000e+00 : f32
      %broadcast_in_dim3A_166 = vector.broadcast %broadcast_in_dim3A_165 : f32 to vector<16xf32>
      %broadcast_in_dim3A_167 = arith.constant 0.000000e+00 : f32
      %broadcast_in_dim3A_168 = vector.broadcast %broadcast_in_dim3A_167 : f32 to vector<16xf32>
      %broadcast_in_dim3A_169 = arith.constant 0.000000e+00 : f32
      %broadcast_in_dim3A_170 = vector.broadcast %broadcast_in_dim3A_169 : f32 to vector<16xf32>
      %scan3A_171 = arith.constant 0 : i32
      %scan3A_172 = arith.constant 8 : i32
      %scan3A_173 = arith.addi %scan3A_171, %scan3A_172 : i32
      %scan3A_174 = arith.constant 1 : i32
      %scan3A_175:16 = scf.for %scan3A_270 = %scan3A_171 to %scan3A_173 step %scan3A_174 iter_args(%scan3A_271 = %broadcast_in_dim3A_140, %scan3A_272 = %broadcast_in_dim3A_142, %scan3A_273 = %broadcast_in_dim3A_144, %scan3A_274 = %broadcast_in_dim3A_146, %scan3A_275 = %broadcast_in_dim3A_148, %scan3A_276 = %broadcast_in_dim3A_150, %scan3A_277 = %broadcast_in_dim3A_152, %scan3A_278 = %broadcast_in_dim3A_154, %scan3A_279 = %broadcast_in_dim3A_156, %scan3A_280 = %broadcast_in_dim3A_158, %scan3A_281 = %broadcast_in_dim3A_160, %scan3A_282 = %broadcast_in_dim3A_162, %scan3A_283 = %broadcast_in_dim3A_164, %scan3A_284 = %broadcast_in_dim3A_166, %scan3A_285 = %broadcast_in_dim3A_168, %scan3A_286 = %broadcast_in_dim3A_170) -> (vector<16xf32>, vector<16xf32>, vector<16xf32>, vector<16xf32>, vector<16xf32>, vector<16xf32>, vector<16xf32>, vector<16xf32>, vector<16xf32>, vector<16xf32>, vector<16xf32>, vector<16xf32>, vector<16xf32>, vector<16xf32>, vector<16xf32>, vector<16xf32>)  : i32 {
        %add3A_287 = arith.constant 0 : i32
        %add3A_288 = arith.addi %mul3A_139, %add3A_287 : i32
        %mul3A_289 = arith.constant 16 : i32
        %mul3A_290 = arith.muli %scan3A_270, %mul3A_289 : i32
        %get3A = arith.index_cast %add3A_288 : i32 to index
        %get3A_291 = arith.index_cast %mul3A_290 : i32 to index
        %get3A_292 = tpu.vector_load %arg7[%get3A, %get3A_291] {strides = array<i32>} : memref<128x128xf32, #tpu.memory_space<vmem>>, vector<1x16xf32>,
        %get3A_293 = vector.shape_cast %get3A_292 : vector<1x16xf32> to vector<16xf32>
        %add3A_294 = arith.constant 0 : i32
        %add3A_295 = arith.addi %mul3A_139, %add3A_294 : i32
        %mul3A_296 = arith.constant 16 : i32
        %mul3A_297 = arith.muli %scan3A_270, %mul3A_296 : i32
        %get3A_298 = arith.index_cast %add3A_295 : i32 to index
        %get3A_299 = arith.index_cast %mul3A_297 : i32 to index
        %get3A_300 = tpu.vector_load %arg9[%get3A_298, %get3A_299] {strides = array<i32>} : memref<128x128xf32, #tpu.memory_space<vmem>>, vector<1x16xf32>,
        %get3A_301 = vector.shape_cast %get3A_300 : vector<1x16xf32> to vector<16xf32>
        %sub3A = arith.subf %get3A_293, %get3A_301 : vector<16xf32>
        %mul3A_302 = arith.mulf %sub3A, %sub3A : vector<16xf32>
        %add3A_303 = arith.addf %scan3A_271, %mul3A_302 : vector<16xf32>
        %add3A_304 = arith.constant 1 : i32
        %add3A_305 = arith.addi %mul3A_139, %add3A_304 : i32
        %mul3A_306 = arith.constant 16 : i32
        %mul3A_307 = arith.muli %scan3A_270, %mul3A_306 : i32
        %get3A_308 = arith.index_cast %add3A_305 : i32 to index
        %get3A_309 = arith.index_cast %mul3A_307 : i32 to index
        %get3A_310 = tpu.vector_load %arg7[%get3A_308, %get3A_309] {strides = array<i32>} : memref<128x128xf32, #tpu.memory_space<vmem>>, vector<1x16xf32>,
        %get3A_311 = vector.shape_cast %get3A_310 : vector<1x16xf32> to vector<16xf32>
        %add3A_312 = arith.constant 1 : i32
        %add3A_313 = arith.addi %mul3A_139, %add3A_312 : i32
        %mul3A_314 = arith.constant 16 : i32
        %mul3A_315 = arith.muli %scan3A_270, %mul3A_314 : i32
        %get3A_316 = arith.index_cast %add3A_313 : i32 to index
        %get3A_317 = arith.index_cast %mul3A_315 : i32 to index
        %get3A_318 = tpu.vector_load %arg9[%get3A_316, %get3A_317] {strides = array<i32>} : memref<128x128xf32, #tpu.memory_space<vmem>>, vector<1x16xf32>,
        %get3A_319 = vector.shape_cast %get3A_318 : vector<1x16xf32> to vector<16xf32>
        %sub3A_320 = arith.subf %get3A_311, %get3A_319 : vector<16xf32>
        %mul3A_321 = arith.mulf %sub3A_320, %sub3A_320 : vector<16xf32>
        %add3A_322 = arith.addf %scan3A_272, %mul3A_321 : vector<16xf32>
        %add3A_323 = arith.constant 2 : i32
        %add3A_324 = arith.addi %mul3A_139, %add3A_323 : i32
        %mul3A_325 = arith.constant 16 : i32
        %mul3A_326 = arith.muli %scan3A_270, %mul3A_325 : i32
        %get3A_327 = arith.index_cast %add3A_324 : i32 to index
        %get3A_328 = arith.index_cast %mul3A_326 : i32 to index
        %get3A_329 = tpu.vector_load %arg7[%get3A_327, %get3A_328] {strides = array<i32>} : memref<128x128xf32, #tpu.memory_space<vmem>>, vector<1x16xf32>,
        %get3A_330 = vector.shape_cast %get3A_329 : vector<1x16xf32> to vector<16xf32>
        %add3A_331 = arith.constant 2 : i32
        %add3A_332 = arith.addi %mul3A_139, %add3A_331 : i32
        %mul3A_333 = arith.constant 16 : i32
        %mul3A_334 = arith.muli %scan3A_270, %mul3A_333 : i32
        %get3A_335 = arith.index_cast %add3A_332 : i32 to index
        %get3A_336 = arith.index_cast %mul3A_334 : i32 to index
        %get3A_337 = tpu.vector_load %arg9[%get3A_335, %get3A_336] {strides = array<i32>} : memref<128x128xf32, #tpu.memory_space<vmem>>, vector<1x16xf32>,
        %get3A_338 = vector.shape_cast %get3A_337 : vector<1x16xf32> to vector<16xf32>
        %sub3A_339 = arith.subf %get3A_330, %get3A_338 : vector<16xf32>
        %mul3A_340 = arith.mulf %sub3A_339, %sub3A_339 : vector<16xf32>
        %add3A_341 = arith.addf %scan3A_273, %mul3A_340 : vector<16xf32>
        %add3A_342 = arith.constant 3 : i32
        %add3A_343 = arith.addi %mul3A_139, %add3A_342 : i32
        %mul3A_344 = arith.constant 16 : i32
        %mul3A_345 = arith.muli %scan3A_270, %mul3A_344 : i32
        %get3A_346 = arith.index_cast %add3A_343 : i32 to index
        %get3A_347 = arith.index_cast %mul3A_345 : i32 to index
        %get3A_348 = tpu.vector_load %arg7[%get3A_346, %get3A_347] {strides = array<i32>} : memref<128x128xf32, #tpu.memory_space<vmem>>, vector<1x16xf32>,
        %get3A_349 = vector.shape_cast %get3A_348 : vector<1x16xf32> to vector<16xf32>
        %add3A_350 = arith.constant 3 : i32
        %add3A_351 = arith.addi %mul3A_139, %add3A_350 : i32
        %mul3A_352 = arith.constant 16 : i32
        %mul3A_353 = arith.muli %scan3A_270, %mul3A_352 : i32
        %get3A_354 = arith.index_cast %add3A_351 : i32 to index
        %get3A_355 = arith.index_cast %mul3A_353 : i32 to index
        %get3A_356 = tpu.vector_load %arg9[%get3A_354, %get3A_355] {strides = array<i32>} : memref<128x128xf32, #tpu.memory_space<vmem>>, vector<1x16xf32>,
        %get3A_357 = vector.shape_cast %get3A_356 : vector<1x16xf32> to vector<16xf32>
        %sub3A_358 = arith.subf %get3A_349, %get3A_357 : vector<16xf32>
        %mul3A_359 = arith.mulf %sub3A_358, %sub3A_358 : vector<16xf32>
        %add3A_360 = arith.addf %scan3A_274, %mul3A_359 : vector<16xf32>
        %add3A_361 = arith.constant 4 : i32
        %add3A_362 = arith.addi %mul3A_139, %add3A_361 : i32
        %mul3A_363 = arith.constant 16 : i32
        %mul3A_364 = arith.muli %scan3A_270, %mul3A_363 : i32
        %get3A_365 = arith.index_cast %add3A_362 : i32 to index
        %get3A_366 = arith.index_cast %mul3A_364 : i32 to index
        %get3A_367 = tpu.vector_load %arg7[%get3A_365, %get3A_366] {strides = array<i32>} : memref<128x128xf32, #tpu.memory_space<vmem>>, vector<1x16xf32>,
        %get3A_368 = vector.shape_cast %get3A_367 : vector<1x16xf32> to vector<16xf32>
        %add3A_369 = arith.constant 4 : i32
        %add3A_370 = arith.addi %mul3A_139, %add3A_369 : i32
        %mul3A_371 = arith.constant 16 : i32
        %mul3A_372 = arith.muli %scan3A_270, %mul3A_371 : i32
        %get3A_373 = arith.index_cast %add3A_370 : i32 to index
        %get3A_374 = arith.index_cast %mul3A_372 : i32 to index
        %get3A_375 = tpu.vector_load %arg9[%get3A_373, %get3A_374] {strides = array<i32>} : memref<128x128xf32, #tpu.memory_space<vmem>>, vector<1x16xf32>,
        %get3A_376 = vector.shape_cast %get3A_375 : vector<1x16xf32> to vector<16xf32>
        %sub3A_377 = arith.subf %get3A_368, %get3A_376 : vector<16xf32>
        %mul3A_378 = arith.mulf %sub3A_377, %sub3A_377 : vector<16xf32>
        %add3A_379 = arith.addf %scan3A_275, %mul3A_378 : vector<16xf32>
        %add3A_380 = arith.constant 5 : i32
        %add3A_381 = arith.addi %mul3A_139, %add3A_380 : i32
        %mul3A_382 = arith.constant 16 : i32
        %mul3A_383 = arith.muli %scan3A_270, %mul3A_382 : i32
        %get3A_384 = arith.index_cast %add3A_381 : i32 to index
        %get3A_385 = arith.index_cast %mul3A_383 : i32 to index
        %get3A_386 = tpu.vector_load %arg7[%get3A_384, %get3A_385] {strides = array<i32>} : memref<128x128xf32, #tpu.memory_space<vmem>>, vector<1x16xf32>,
        %get3A_387 = vector.shape_cast %get3A_386 : vector<1x16xf32> to vector<16xf32>
        %add3A_388 = arith.constant 5 : i32
        %add3A_389 = arith.addi %mul3A_139, %add3A_388 : i32
        %mul3A_390 = arith.constant 16 : i32
        %mul3A_391 = arith.muli %scan3A_270, %mul3A_390 : i32
        %get3A_392 = arith.index_cast %add3A_389 : i32 to index
        %get3A_393 = arith.index_cast %mul3A_391 : i32 to index
        %get3A_394 = tpu.vector_load %arg9[%get3A_392, %get3A_393] {strides = array<i32>} : memref<128x128xf32, #tpu.memory_space<vmem>>, vector<1x16xf32>,
        %get3A_395 = vector.shape_cast %get3A_394 : vector<1x16xf32> to vector<16xf32>
        %sub3A_396 = arith.subf %get3A_387, %get3A_395 : vector<16xf32>
        %mul3A_397 = arith.mulf %sub3A_396, %sub3A_396 : vector<16xf32>
        %add3A_398 = arith.addf %scan3A_276, %mul3A_397 : vector<16xf32>
        %add3A_399 = arith.constant 6 : i32
        %add3A_400 = arith.addi %mul3A_139, %add3A_399 : i32
        %mul3A_401 = arith.constant 16 : i32
        %mul3A_402 = arith.muli %scan3A_270, %mul3A_401 : i32
        %get3A_403 = arith.index_cast %add3A_400 : i32 to index
        %get3A_404 = arith.index_cast %mul3A_402 : i32 to index
        %get3A_405 = tpu.vector_load %arg7[%get3A_403, %get3A_404] {strides = array<i32>} : memref<128x128xf32, #tpu.memory_space<vmem>>, vector<1x16xf32>,
        %get3A_406 = vector.shape_cast %get3A_405 : vector<1x16xf32> to vector<16xf32>
        %add3A_407 = arith.constant 6 : i32
        %add3A_408 = arith.addi %mul3A_139, %add3A_407 : i32
        %mul3A_409 = arith.constant 16 : i32
        %mul3A_410 = arith.muli %scan3A_270, %mul3A_409 : i32
        %get3A_411 = arith.index_cast %add3A_408 : i32 to index
        %get3A_412 = arith.index_cast %mul3A_410 : i32 to index
        %get3A_413 = tpu.vector_load %arg9[%get3A_411, %get3A_412] {strides = array<i32>} : memref<128x128xf32, #tpu.memory_space<vmem>>, vector<1x16xf32>,
        %get3A_414 = vector.shape_cast %get3A_413 : vector<1x16xf32> to vector<16xf32>
        %sub3A_415 = arith.subf %get3A_406, %get3A_414 : vector<16xf32>
        %mul3A_416 = arith.mulf %sub3A_415, %sub3A_415 : vector<16xf32>
        %add3A_417 = arith.addf %scan3A_277, %mul3A_416 : vector<16xf32>
        %add3A_418 = arith.constant 7 : i32
        %add3A_419 = arith.addi %mul3A_139, %add3A_418 : i32
        %mul3A_420 = arith.constant 16 : i32
        %mul3A_421 = arith.muli %scan3A_270, %mul3A_420 : i32
        %get3A_422 = arith.index_cast %add3A_419 : i32 to index
        %get3A_423 = arith.index_cast %mul3A_421 : i32 to index
        %get3A_424 = tpu.vector_load %arg7[%get3A_422, %get3A_423] {strides = array<i32>} : memref<128x128xf32, #tpu.memory_space<vmem>>, vector<1x16xf32>,
        %get3A_425 = vector.shape_cast %get3A_424 : vector<1x16xf32> to vector<16xf32>
        %add3A_426 = arith.constant 7 : i32
        %add3A_427 = arith.addi %mul3A_139, %add3A_426 : i32
        %mul3A_428 = arith.constant 16 : i32
        %mul3A_429 = arith.muli %scan3A_270, %mul3A_428 : i32
        %get3A_430 = arith.index_cast %add3A_427 : i32 to index
        %get3A_431 = arith.index_cast %mul3A_429 : i32 to index
        %get3A_432 = tpu.vector_load %arg9[%get3A_430, %get3A_431] {strides = array<i32>} : memref<128x128xf32, #tpu.memory_space<vmem>>, vector<1x16xf32>,
        %get3A_433 = vector.shape_cast %get3A_432 : vector<1x16xf32> to vector<16xf32>
        %sub3A_434 = arith.subf %get3A_425, %get3A_433 : vector<16xf32>
        %mul3A_435 = arith.mulf %sub3A_434, %sub3A_434 : vector<16xf32>
        %add3A_436 = arith.addf %scan3A_278, %mul3A_435 : vector<16xf32>
        %add3A_437 = arith.constant 8 : i32
        %add3A_438 = arith.addi %mul3A_139, %add3A_437 : i32
        %mul3A_439 = arith.constant 16 : i32
        %mul3A_440 = arith.muli %scan3A_270, %mul3A_439 : i32
        %get3A_441 = arith.index_cast %add3A_438 : i32 to index
        %get3A_442 = arith.index_cast %mul3A_440 : i32 to index
        %get3A_443 = tpu.vector_load %arg7[%get3A_441, %get3A_442] {strides = array<i32>} : memref<128x128xf32, #tpu.memory_space<vmem>>, vector<1x16xf32>,
        %get3A_444 = vector.shape_cast %get3A_443 : vector<1x16xf32> to vector<16xf32>
        %add3A_445 = arith.constant 8 : i32
        %add3A_446 = arith.addi %mul3A_139, %add3A_445 : i32
        %mul3A_447 = arith.constant 16 : i32
        %mul3A_448 = arith.muli %scan3A_270, %mul3A_447 : i32
        %get3A_449 = arith.index_cast %add3A_446 : i32 to index
        %get3A_450 = arith.index_cast %mul3A_448 : i32 to index
        %get3A_451 = tpu.vector_load %arg9[%get3A_449, %get3A_450] {strides = array<i32>} : memref<128x128xf32, #tpu.memory_space<vmem>>, vector<1x16xf32>,
        %get3A_452 = vector.shape_cast %get3A_451 : vector<1x16xf32> to vector<16xf32>
        %sub3A_453 = arith.subf %get3A_444, %get3A_452 : vector<16xf32>
        %mul3A_454 = arith.mulf %sub3A_453, %sub3A_453 : vector<16xf32>
        %add3A_455 = arith.addf %scan3A_279, %mul3A_454 : vector<16xf32>
        %add3A_456 = arith.constant 9 : i32
        %add3A_457 = arith.addi %mul3A_139, %add3A_456 : i32
        %mul3A_458 = arith.constant 16 : i32
        %mul3A_459 = arith.muli %scan3A_270, %mul3A_458 : i32
        %get3A_460 = arith.index_cast %add3A_457 : i32 to index
        %get3A_461 = arith.index_cast %mul3A_459 : i32 to index
        %get3A_462 = tpu.vector_load %arg7[%get3A_460, %get3A_461] {strides = array<i32>} : memref<128x128xf32, #tpu.memory_space<vmem>>, vector<1x16xf32>,
        %get3A_463 = vector.shape_cast %get3A_462 : vector<1x16xf32> to vector<16xf32>
        %add3A_464 = arith.constant 9 : i32
        %add3A_465 = arith.addi %mul3A_139, %add3A_464 : i32
        %mul3A_466 = arith.constant 16 : i32
        %mul3A_467 = arith.muli %scan3A_270, %mul3A_466 : i32
        %get3A_468 = arith.index_cast %add3A_465 : i32 to index
        %get3A_469 = arith.index_cast %mul3A_467 : i32 to index
        %get3A_470 = tpu.vector_load %arg9[%get3A_468, %get3A_469] {strides = array<i32>} : memref<128x128xf32, #tpu.memory_space<vmem>>, vector<1x16xf32>,
        %get3A_471 = vector.shape_cast %get3A_470 : vector<1x16xf32> to vector<16xf32>
        %sub3A_472 = arith.subf %get3A_463, %get3A_471 : vector<16xf32>
        %mul3A_473 = arith.mulf %sub3A_472, %sub3A_472 : vector<16xf32>
        %add3A_474 = arith.addf %scan3A_280, %mul3A_473 : vector<16xf32>
        %add3A_475 = arith.constant 10 : i32
        %add3A_476 = arith.addi %mul3A_139, %add3A_475 : i32
        %mul3A_477 = arith.constant 16 : i32
        %mul3A_478 = arith.muli %scan3A_270, %mul3A_477 : i32
        %get3A_479 = arith.index_cast %add3A_476 : i32 to index
        %get3A_480 = arith.index_cast %mul3A_478 : i32 to index
        %get3A_481 = tpu.vector_load %arg7[%get3A_479, %get3A_480] {strides = array<i32>} : memref<128x128xf32, #tpu.memory_space<vmem>>, vector<1x16xf32>,
        %get3A_482 = vector.shape_cast %get3A_481 : vector<1x16xf32> to vector<16xf32>
        %add3A_483 = arith.constant 10 : i32
        %add3A_484 = arith.addi %mul3A_139, %add3A_483 : i32
        %mul3A_485 = arith.constant 16 : i32
        %mul3A_486 = arith.muli %scan3A_270, %mul3A_485 : i32
        %get3A_487 = arith.index_cast %add3A_484 : i32 to index
        %get3A_488 = arith.index_cast %mul3A_486 : i32 to index
        %get3A_489 = tpu.vector_load %arg9[%get3A_487, %get3A_488] {strides = array<i32>} : memref<128x128xf32, #tpu.memory_space<vmem>>, vector<1x16xf32>,
        %get3A_490 = vector.shape_cast %get3A_489 : vector<1x16xf32> to vector<16xf32>
        %sub3A_491 = arith.subf %get3A_482, %get3A_490 : vector<16xf32>
        %mul3A_492 = arith.mulf %sub3A_491, %sub3A_491 : vector<16xf32>
        %add3A_493 = arith.addf %scan3A_281, %mul3A_492 : vector<16xf32>
        %add3A_494 = arith.constant 11 : i32
        %add3A_495 = arith.addi %mul3A_139, %add3A_494 : i32
        %mul3A_496 = arith.constant 16 : i32
        %mul3A_497 = arith.muli %scan3A_270, %mul3A_496 : i32
        %get3A_498 = arith.index_cast %add3A_495 : i32 to index
        %get3A_499 = arith.index_cast %mul3A_497 : i32 to index
        %get3A_500 = tpu.vector_load %arg7[%get3A_498, %get3A_499] {strides = array<i32>} : memref<128x128xf32, #tpu.memory_space<vmem>>, vector<1x16xf32>,
        %get3A_501 = vector.shape_cast %get3A_500 : vector<1x16xf32> to vector<16xf32>
        %add3A_502 = arith.constant 11 : i32
        %add3A_503 = arith.addi %mul3A_139, %add3A_502 : i32
        %mul3A_504 = arith.constant 16 : i32
        %mul3A_505 = arith.muli %scan3A_270, %mul3A_504 : i32
        %get3A_506 = arith.index_cast %add3A_503 : i32 to index
        %get3A_507 = arith.index_cast %mul3A_505 : i32 to index
        %get3A_508 = tpu.vector_load %arg9[%get3A_506, %get3A_507] {strides = array<i32>} : memref<128x128xf32, #tpu.memory_space<vmem>>, vector<1x16xf32>,
        %get3A_509 = vector.shape_cast %get3A_508 : vector<1x16xf32> to vector<16xf32>
        %sub3A_510 = arith.subf %get3A_501, %get3A_509 : vector<16xf32>
        %mul3A_511 = arith.mulf %sub3A_510, %sub3A_510 : vector<16xf32>
        %add3A_512 = arith.addf %scan3A_282, %mul3A_511 : vector<16xf32>
        %add3A_513 = arith.constant 12 : i32
        %add3A_514 = arith.addi %mul3A_139, %add3A_513 : i32
        %mul3A_515 = arith.constant 16 : i32
        %mul3A_516 = arith.muli %scan3A_270, %mul3A_515 : i32
        %get3A_517 = arith.index_cast %add3A_514 : i32 to index
        %get3A_518 = arith.index_cast %mul3A_516 : i32 to index
        %get3A_519 = tpu.vector_load %arg7[%get3A_517, %get3A_518] {strides = array<i32>} : memref<128x128xf32, #tpu.memory_space<vmem>>, vector<1x16xf32>,
        %get3A_520 = vector.shape_cast %get3A_519 : vector<1x16xf32> to vector<16xf32>
        %add3A_521 = arith.constant 12 : i32
        %add3A_522 = arith.addi %mul3A_139, %add3A_521 : i32
        %mul3A_523 = arith.constant 16 : i32
        %mul3A_524 = arith.muli %scan3A_270, %mul3A_523 : i32
        %get3A_525 = arith.index_cast %add3A_522 : i32 to index
        %get3A_526 = arith.index_cast %mul3A_524 : i32 to index
        %get3A_527 = tpu.vector_load %arg9[%get3A_525, %get3A_526] {strides = array<i32>} : memref<128x128xf32, #tpu.memory_space<vmem>>, vector<1x16xf32>,
        %get3A_528 = vector.shape_cast %get3A_527 : vector<1x16xf32> to vector<16xf32>
        %sub3A_529 = arith.subf %get3A_520, %get3A_528 : vector<16xf32>
        %mul3A_530 = arith.mulf %sub3A_529, %sub3A_529 : vector<16xf32>
        %add3A_531 = arith.addf %scan3A_283, %mul3A_530 : vector<16xf32>
        %add3A_532 = arith.constant 13 : i32
        %add3A_533 = arith.addi %mul3A_139, %add3A_532 : i32
        %mul3A_534 = arith.constant 16 : i32
        %mul3A_535 = arith.muli %scan3A_270, %mul3A_534 : i32
        %get3A_536 = arith.index_cast %add3A_533 : i32 to index
        %get3A_537 = arith.index_cast %mul3A_535 : i32 to index
        %get3A_538 = tpu.vector_load %arg7[%get3A_536, %get3A_537] {strides = array<i32>} : memref<128x128xf32, #tpu.memory_space<vmem>>, vector<1x16xf32>,
        %get3A_539 = vector.shape_cast %get3A_538 : vector<1x16xf32> to vector<16xf32>
        %add3A_540 = arith.constant 13 : i32
        %add3A_541 = arith.addi %mul3A_139, %add3A_540 : i32
        %mul3A_542 = arith.constant 16 : i32
        %mul3A_543 = arith.muli %scan3A_270, %mul3A_542 : i32
        %get3A_544 = arith.index_cast %add3A_541 : i32 to index
        %get3A_545 = arith.index_cast %mul3A_543 : i32 to index
        %get3A_546 = tpu.vector_load %arg9[%get3A_544, %get3A_545] {strides = array<i32>} : memref<128x128xf32, #tpu.memory_space<vmem>>, vector<1x16xf32>,
        %get3A_547 = vector.shape_cast %get3A_546 : vector<1x16xf32> to vector<16xf32>
        %sub3A_548 = arith.subf %get3A_539, %get3A_547 : vector<16xf32>
        %mul3A_549 = arith.mulf %sub3A_548, %sub3A_548 : vector<16xf32>
        %add3A_550 = arith.addf %scan3A_284, %mul3A_549 : vector<16xf32>
        %add3A_551 = arith.constant 14 : i32
        %add3A_552 = arith.addi %mul3A_139, %add3A_551 : i32
        %mul3A_553 = arith.constant 16 : i32
        %mul3A_554 = arith.muli %scan3A_270, %mul3A_553 : i32
        %get3A_555 = arith.index_cast %add3A_552 : i32 to index
        %get3A_556 = arith.index_cast %mul3A_554 : i32 to index
        %get3A_557 = tpu.vector_load %arg7[%get3A_555, %get3A_556] {strides = array<i32>} : memref<128x128xf32, #tpu.memory_space<vmem>>, vector<1x16xf32>,
        %get3A_558 = vector.shape_cast %get3A_557 : vector<1x16xf32> to vector<16xf32>
        %add3A_559 = arith.constant 14 : i32
        %add3A_560 = arith.addi %mul3A_139, %add3A_559 : i32
        %mul3A_561 = arith.constant 16 : i32
        %mul3A_562 = arith.muli %scan3A_270, %mul3A_561 : i32
        %get3A_563 = arith.index_cast %add3A_560 : i32 to index
        %get3A_564 = arith.index_cast %mul3A_562 : i32 to index
        %get3A_565 = tpu.vector_load %arg9[%get3A_563, %get3A_564] {strides = array<i32>} : memref<128x128xf32, #tpu.memory_space<vmem>>, vector<1x16xf32>,
        %get3A_566 = vector.shape_cast %get3A_565 : vector<1x16xf32> to vector<16xf32>
        %sub3A_567 = arith.subf %get3A_558, %get3A_566 : vector<16xf32>
        %mul3A_568 = arith.mulf %sub3A_567, %sub3A_567 : vector<16xf32>
        %add3A_569 = arith.addf %scan3A_285, %mul3A_568 : vector<16xf32>
        %add3A_570 = arith.constant 15 : i32
        %add3A_571 = arith.addi %mul3A_139, %add3A_570 : i32
        %mul3A_572 = arith.constant 16 : i32
        %mul3A_573 = arith.muli %scan3A_270, %mul3A_572 : i32
        %get3A_574 = arith.index_cast %add3A_571 : i32 to index
        %get3A_575 = arith.index_cast %mul3A_573 : i32 to index
        %get3A_576 = tpu.vector_load %arg7[%get3A_574, %get3A_575] {strides = array<i32>} : memref<128x128xf32, #tpu.memory_space<vmem>>, vector<1x16xf32>,
        %get3A_577 = vector.shape_cast %get3A_576 : vector<1x16xf32> to vector<16xf32>
        %add3A_578 = arith.constant 15 : i32
        %add3A_579 = arith.addi %mul3A_139, %add3A_578 : i32
        %mul3A_580 = arith.constant 16 : i32
        %mul3A_581 = arith.muli %scan3A_270, %mul3A_580 : i32
        %get3A_582 = arith.index_cast %add3A_579 : i32 to index
        %get3A_583 = arith.index_cast %mul3A_581 : i32 to index
        %get3A_584 = tpu.vector_load %arg9[%get3A_582, %get3A_583] {strides = array<i32>} : memref<128x128xf32, #tpu.memory_space<vmem>>, vector<1x16xf32>,
        %get3A_585 = vector.shape_cast %get3A_584 : vector<1x16xf32> to vector<16xf32>
        %sub3A_586 = arith.subf %get3A_577, %get3A_585 : vector<16xf32>
        %mul3A_587 = arith.mulf %sub3A_586, %sub3A_586 : vector<16xf32>
        %add3A_588 = arith.addf %scan3A_286, %mul3A_587 : vector<16xf32>
        scf.yield %add3A_303, %add3A_322, %add3A_341, %add3A_360, %add3A_379, %add3A_398, %add3A_417, %add3A_436, %add3A_455, %add3A_474, %add3A_493, %add3A_512, %add3A_531, %add3A_550, %add3A_569, %add3A_588 : vector<16xf32>, vector<16xf32>, vector<16xf32>, vector<16xf32>, vector<16xf32>, vector<16xf32>, vector<16xf32>, vector<16xf32>, vector<16xf32>, vector<16xf32>, vector<16xf32>, vector<16xf32>, vector<16xf32>, vector<16xf32>, vector<16xf32>, vector<16xf32>
      }
      %scan3A_176 = arith.constant 8 : i32
      %select_n3A = arith.select %eq3A_17, %scan3A_175#0, %scan3A_175#1 : vector<16xi1>, vector<16xf32>
      %select_n3A_177 = arith.select %eq3A_17, %scan3A_175#1, %scan3A_175#0 : vector<16xi1>, vector<16xf32>
      %broadcast_in_dim3A_178 = vector.shape_cast %xor3A_4 : vector<16xi32> to vector<16x1xi32>
      %gather3A = vector.shape_cast %broadcast_in_dim3A_178 : vector<16x1xi32> to vector<16xi32>
      %gather3A_179 = tpu.dynamic_gather %select_n3A_177[%gather3A] in [0] : vector<16xf32>, vector<16xi32> -> vector<16xf32>
      %add3A_180 = arith.addf %select_n3A, %gather3A_179 : vector<16xf32>
      %select_n3A_181 = arith.select %eq3A_17, %scan3A_175#2, %scan3A_175#3 : vector<16xi1>, vector<16xf32>
      %select_n3A_182 = arith.select %eq3A_17, %scan3A_175#3, %scan3A_175#2 : vector<16xi1>, vector<16xf32>
      %broadcast_in_dim3A_183 = vector.shape_cast %xor3A_4 : vector<16xi32> to vector<16x1xi32>
      %gather3A_184 = vector.shape_cast %broadcast_in_dim3A_183 : vector<16x1xi32> to vector<16xi32>
      %gather3A_185 = tpu.dynamic_gather %select_n3A_182[%gather3A_184] in [0] : vector<16xf32>, vector<16xi32> -> vector<16xf32>
      %add3A_186 = arith.addf %select_n3A_181, %gather3A_185 : vector<16xf32>
      %select_n3A_187 = arith.select %eq3A_17, %scan3A_175#4, %scan3A_175#5 : vector<16xi1>, vector<16xf32>
      %select_n3A_188 = arith.select %eq3A_17, %scan3A_175#5, %scan3A_175#4 : vector<16xi1>, vector<16xf32>
      %broadcast_in_dim3A_189 = vector.shape_cast %xor3A_4 : vector<16xi32> to vector<16x1xi32>
      %gather3A_190 = vector.shape_cast %broadcast_in_dim3A_189 : vector<16x1xi32> to vector<16xi32>
      %gather3A_191 = tpu.dynamic_gather %select_n3A_188[%gather3A_190] in [0] : vector<16xf32>, vector<16xi32> -> vector<16xf32>
      %add3A_192 = arith.addf %select_n3A_187, %gather3A_191 : vector<16xf32>
      %select_n3A_193 = arith.select %eq3A_17, %scan3A_175#6, %scan3A_175#7 : vector<16xi1>, vector<16xf32>
      %select_n3A_194 = arith.select %eq3A_17, %scan3A_175#7, %scan3A_175#6 : vector<16xi1>, vector<16xf32>
      %broadcast_in_dim3A_195 = vector.shape_cast %xor3A_4 : vector<16xi32> to vector<16x1xi32>
      %gather3A_196 = vector.shape_cast %broadcast_in_dim3A_195 : vector<16x1xi32> to vector<16xi32>
      %gather3A_197 = tpu.dynamic_gather %select_n3A_194[%gather3A_196] in [0] : vector<16xf32>, vector<16xi32> -> vector<16xf32>
      %add3A_198 = arith.addf %select_n3A_193, %gather3A_197 : vector<16xf32>
      %select_n3A_199 = arith.select %eq3A_17, %scan3A_175#8, %scan3A_175#9 : vector<16xi1>, vector<16xf32>
      %select_n3A_200 = arith.select %eq3A_17, %scan3A_175#9, %scan3A_175#8 : vector<16xi1>, vector<16xf32>
      %broadcast_in_dim3A_201 = vector.shape_cast %xor3A_4 : vector<16xi32> to vector<16x1xi32>
      %gather3A_202 = vector.shape_cast %broadcast_in_dim3A_201 : vector<16x1xi32> to vector<16xi32>
      %gather3A_203 = tpu.dynamic_gather %select_n3A_200[%gather3A_202] in [0] : vector<16xf32>, vector<16xi32> -> vector<16xf32>
      %add3A_204 = arith.addf %select_n3A_199, %gather3A_203 : vector<16xf32>
      %select_n3A_205 = arith.select %eq3A_17, %scan3A_175#10, %scan3A_175#11 : vector<16xi1>, vector<16xf32>
      %select_n3A_206 = arith.select %eq3A_17, %scan3A_175#11, %scan3A_175#10 : vector<16xi1>, vector<16xf32>
      %broadcast_in_dim3A_207 = vector.shape_cast %xor3A_4 : vector<16xi32> to vector<16x1xi32>
      %gather3A_208 = vector.shape_cast %broadcast_in_dim3A_207 : vector<16x1xi32> to vector<16xi32>
      %gather3A_209 = tpu.dynamic_gather %select_n3A_206[%gather3A_208] in [0] : vector<16xf32>, vector<16xi32> -> vector<16xf32>
      %add3A_210 = arith.addf %select_n3A_205, %gather3A_209 : vector<16xf32>
      %select_n3A_211 = arith.select %eq3A_17, %scan3A_175#12, %scan3A_175#13 : vector<16xi1>, vector<16xf32>
      %select_n3A_212 = arith.select %eq3A_17, %scan3A_175#13, %scan3A_175#12 : vector<16xi1>, vector<16xf32>
      %broadcast_in_dim3A_213 = vector.shape_cast %xor3A_4 : vector<16xi32> to vector<16x1xi32>
      %gather3A_214 = vector.shape_cast %broadcast_in_dim3A_213 : vector<16x1xi32> to vector<16xi32>
      %gather3A_215 = tpu.dynamic_gather %select_n3A_212[%gather3A_214] in [0] : vector<16xf32>, vector<16xi32> -> vector<16xf32>
      %add3A_216 = arith.addf %select_n3A_211, %gather3A_215 : vector<16xf32>
      %select_n3A_217 = arith.select %eq3A_17, %scan3A_175#14, %scan3A_175#15 : vector<16xi1>, vector<16xf32>
      %select_n3A_218 = arith.select %eq3A_17, %scan3A_175#15, %scan3A_175#14 : vector<16xi1>, vector<16xf32>
      %broadcast_in_dim3A_219 = vector.shape_cast %xor3A_4 : vector<16xi32> to vector<16x1xi32>
      %gather3A_220 = vector.shape_cast %broadcast_in_dim3A_219 : vector<16x1xi32> to vector<16xi32>
      %gather3A_221 = tpu.dynamic_gather %select_n3A_218[%gather3A_220] in [0] : vector<16xf32>, vector<16xi32> -> vector<16xf32>
      %add3A_222 = arith.addf %select_n3A_217, %gather3A_221 : vector<16xf32>
      %select_n3A_223 = arith.select %eq3A_23, %add3A_180, %add3A_186 : vector<16xi1>, vector<16xf32>
      %select_n3A_224 = arith.select %eq3A_23, %add3A_186, %add3A_180 : vector<16xi1>, vector<16xf32>
      %broadcast_in_dim3A_225 = vector.shape_cast %xor3A_7 : vector<16xi32> to vector<16x1xi32>
      %gather3A_226 = vector.shape_cast %broadcast_in_dim3A_225 : vector<16x1xi32> to vector<16xi32>
      %gather3A_227 = tpu.dynamic_gather %select_n3A_224[%gather3A_226] in [0] : vector<16xf32>, vector<16xi32> -> vector<16xf32>
      %add3A_228 = arith.addf %select_n3A_223, %gather3A_227 : vector<16xf32>
      %select_n3A_229 = arith.select %eq3A_23, %add3A_192, %add3A_198 : vector<16xi1>, vector<16xf32>
      %select_n3A_230 = arith.select %eq3A_23, %add3A_198, %add3A_192 : vector<16xi1>, vector<16xf32>
      %broadcast_in_dim3A_231 = vector.shape_cast %xor3A_7 : vector<16xi32> to vector<16x1xi32>
      %gather3A_232 = vector.shape_cast %broadcast_in_dim3A_231 : vector<16x1xi32> to vector<16xi32>
      %gather3A_233 = tpu.dynamic_gather %select_n3A_230[%gather3A_232] in [0] : vector<16xf32>, vector<16xi32> -> vector<16xf32>
      %add3A_234 = arith.addf %select_n3A_229, %gather3A_233 : vector<16xf32>
      %select_n3A_235 = arith.select %eq3A_23, %add3A_204, %add3A_210 : vector<16xi1>, vector<16xf32>
      %select_n3A_236 = arith.select %eq3A_23, %add3A_210, %add3A_204 : vector<16xi1>, vector<16xf32>
      %broadcast_in_dim3A_237 = vector.shape_cast %xor3A_7 : vector<16xi32> to vector<16x1xi32>
      %gather3A_238 = vector.shape_cast %broadcast_in_dim3A_237 : vector<16x1xi32> to vector<16xi32>
      %gather3A_239 = tpu.dynamic_gather %select_n3A_236[%gather3A_238] in [0] : vector<16xf32>, vector<16xi32> -> vector<16xf32>
      %add3A_240 = arith.addf %select_n3A_235, %gather3A_239 : vector<16xf32>
      %select_n3A_241 = arith.select %eq3A_23, %add3A_216, %add3A_222 : vector<16xi1>, vector<16xf32>
      %select_n3A_242 = arith.select %eq3A_23, %add3A_222, %add3A_216 : vector<16xi1>, vector<16xf32>
      %broadcast_in_dim3A_243 = vector.shape_cast %xor3A_7 : vector<16xi32> to vector<16x1xi32>
      %gather3A_244 = vector.shape_cast %broadcast_in_dim3A_243 : vector<16x1xi32> to vector<16xi32>
      %gather3A_245 = tpu.dynamic_gather %select_n3A_242[%gather3A_244] in [0] : vector<16xf32>, vector<16xi32> -> vector<16xf32>
      %add3A_246 = arith.addf %select_n3A_241, %gather3A_245 : vector<16xf32>
      %select_n3A_247 = arith.select %eq3A_29, %add3A_228, %add3A_234 : vector<16xi1>, vector<16xf32>
      %select_n3A_248 = arith.select %eq3A_29, %add3A_234, %add3A_228 : vector<16xi1>, vector<16xf32>
      %broadcast_in_dim3A_249 = vector.shape_cast %xor3A_10 : vector<16xi32> to vector<16x1xi32>
      %gather3A_250 = vector.shape_cast %broadcast_in_dim3A_249 : vector<16x1xi32> to vector<16xi32>
      %gather3A_251 = tpu.dynamic_gather %select_n3A_248[%gather3A_250] in [0] : vector<16xf32>, vector<16xi32> -> vector<16xf32>
      %add3A_252 = arith.addf %select_n3A_247, %gather3A_251 : vector<16xf32>
      %select_n3A_253 = arith.select %eq3A_29, %add3A_240, %add3A_246 : vector<16xi1>, vector<16xf32>
      %select_n3A_254 = arith.select %eq3A_29, %add3A_246, %add3A_240 : vector<16xi1>, vector<16xf32>
      %broadcast_in_dim3A_255 = vector.shape_cast %xor3A_10 : vector<16xi32> to vector<16x1xi32>
      %gather3A_256 = vector.shape_cast %broadcast_in_dim3A_255 : vector<16x1xi32> to vector<16xi32>
      %gather3A_257 = tpu.dynamic_gather %select_n3A_254[%gather3A_256] in [0] : vector<16xf32>, vector<16xi32> -> vector<16xf32>
      %add3A_258 = arith.addf %select_n3A_253, %gather3A_257 : vector<16xf32>
      %select_n3A_259 = arith.select %eq3A_35, %add3A_252, %add3A_258 : vector<16xi1>, vector<16xf32>
      %select_n3A_260 = arith.select %eq3A_35, %add3A_258, %add3A_252 : vector<16xi1>, vector<16xf32>
      %broadcast_in_dim3A_261 = vector.shape_cast %xor3A_13 : vector<16xi32> to vector<16x1xi32>
      %gather3A_262 = vector.shape_cast %broadcast_in_dim3A_261 : vector<16x1xi32> to vector<16xi32>
      %gather3A_263 = tpu.dynamic_gather %select_n3A_260[%gather3A_262] in [0] : vector<16xf32>, vector<16xi32> -> vector<16xf32>
      %add3A_264 = arith.addf %select_n3A_259, %gather3A_263 : vector<16xf32>
      %add3A_265 = arith.constant 128 : i32
      %add3A_266 = arith.addi %add3A_265, %mul3A_139 : i32
      %swap3A = arith.index_cast %add3A_266 : i32 to index
      %swap3A_267 = tpu.vector_load %arg11[%swap3A] {strides = array<i32>} : memref<512xf32, #tpu.memory_space<vmem>>, vector<16xf32>,
      %swap3A_268 = vector.shape_cast %swap3A_267 : vector<16xf32> to vector<16xf32>
      %swap3A_269 = vector.shape_cast %add3A_264 : vector<16xf32> to vector<16xf32>
      tpu.vector_store %arg11[%swap3A], %swap3A_269 {strides = array<i32>} : memref<512xf32, #tpu.memory_space<vmem>>, vector<16xf32>,
    }
    %scan3A_95 = arith.constant 8 : i32
    %add3A_96 = arith.constant 384 : i32
    %add3A_97 = arith.addi %mul3A_2, %add3A_96 : i32
    %dma_start3A_98 = arith.constant 0 : i32
    %dma_start3A_99 = tpu.memref_slice %arg2[%add3A_97, %dma_start3A_98] : memref<16384x128xf32, #tpu.memory_space<hbm>> -> memref<128x128xf32, #tpu.memory_space<hbm>>
    %dma_start3A_100 = arith.constant 0 : i32
    %dma_start3A_101 = tpu.memref_slice %arg2[%add3A_97, %dma_start3A_100] : memref<16384x128xf32, #tpu.memory_space<hbm>> -> memref<128x128xf32, #tpu.memory_space<hbm>>
    tpu.enqueue_dma source(%dma_start3A_101 : memref<128x128xf32, #tpu.memory_space<hbm>>) target(%arg7 : memref<128x128xf32, #tpu.memory_space<vmem>>) target_semaphore(%arg13 : memref<!tpu.dma_semaphore, #tpu.memory_space<semaphore_mem>>)
    %dma_start3A_102 = arith.constant 384 : i32
    %dma_start3A_103 = tpu.memref_slice %arg10[%dma_start3A_102] : memref<512xi32, #tpu.memory_space<vmem>> -> memref<128xi32, #tpu.memory_space<vmem>>
    %dma_start3A_104 = arith.constant 0 : i32
    %dma_start3A_105 = arith.constant 0 : i32
    %dma_start3A_106 = tpu.memref_slice %arg4[%dma_start3A_104, %dma_start3A_105] : memref<100000x128xf32, #tpu.memory_space<hbm>> -> memref<100000x128xf32, #tpu.memory_space<hbm>>
    tpu.enqueue_indirect_dma source(%dma_start3A_106 : memref<100000x128xf32, #tpu.memory_space<hbm>>) target(%arg9 : memref<128x128xf32, #tpu.memory_space<vmem>>) offsets(%dma_start3A_103 : memref<128xi32, #tpu.memory_space<vmem>>) semaphore(%arg13 : memref<!tpu.dma_semaphore, #tpu.memory_space<semaphore_mem>>)
    %dma_wait3A_107 = arith.constant 0 : i32
    %dma_wait3A_108 = tpu.memref_slice %arg2[%add3A_71, %dma_wait3A_107] : memref<16384x128xf32, #tpu.memory_space<hbm>> -> memref<128x128xf32, #tpu.memory_space<hbm>>
    %dma_wait3A_109 = arith.constant 0 : i32
    %dma_wait3A_110 = tpu.memref_slice %arg2[%add3A_71, %dma_wait3A_109] : memref<16384x128xf32, #tpu.memory_space<hbm>> -> memref<128x128xf32, #tpu.memory_space<hbm>>
    tpu.wait_dma2 semaphore(%arg12 : memref<!tpu.dma_semaphore, #tpu.memory_space<semaphore_mem>>) src(%dma_wait3A_110 : memref<128x128xf32, #tpu.memory_space<hbm>>) dst(%arg6 : memref<128x128xf32, #tpu.memory_space<vmem>>)
    %dma_wait3A_111 = arith.constant 256 : i32
    %dma_wait3A_112 = tpu.memref_slice %arg10[%dma_wait3A_111] : memref<512xi32, #tpu.memory_space<vmem>> -> memref<128xi32, #tpu.memory_space<vmem>>
    %dma_wait3A_113 = arith.constant 0 : i32
    %dma_wait3A_114 = arith.constant 0 : i32
    %dma_wait3A_115 = tpu.memref_slice %arg4[%dma_wait3A_113, %dma_wait3A_114] : memref<100000x128xf32, #tpu.memory_space<hbm>> -> memref<100000x128xf32, #tpu.memory_space<hbm>>
    tpu.wait_indirect_dma semaphore(%arg12 : memref<!tpu.dma_semaphore, #tpu.memory_space<semaphore_mem>>) src(%dma_wait3A_115 : memref<100000x128xf32, #tpu.memory_space<hbm>>) dst(%arg8 : memref<128x128xf32, #tpu.memory_space<vmem>>)
    %scan3A_116 = arith.constant 0 : i32
    %scan3A_117 = arith.constant 0 : i32
    %scan3A_118 = arith.constant 8 : i32
    %scan3A_119 = arith.addi %scan3A_117, %scan3A_118 : i32
    %scan3A_120 = arith.constant 1 : i32
    scf.for %scan3A_137 = %scan3A_117 to %scan3A_119 step %scan3A_120  : i32 {
      %mul3A_138 = arith.constant 16 : i32
      %mul3A_139 = arith.muli %scan3A_137, %mul3A_138 : i32
      %broadcast_in_dim3A = arith.constant 0.000000e+00 : f32
      %broadcast_in_dim3A_140 = vector.broadcast %broadcast_in_dim3A : f32 to vector<16xf32>
      %broadcast_in_dim3A_141 = arith.constant 0.000000e+00 : f32
      %broadcast_in_dim3A_142 = vector.broadcast %broadcast_in_dim3A_141 : f32 to vector<16xf32>
      %broadcast_in_dim3A_143 = arith.constant 0.000000e+00 : f32
      %broadcast_in_dim3A_144 = vector.broadcast %broadcast_in_dim3A_143 : f32 to vector<16xf32>
      %broadcast_in_dim3A_145 = arith.constant 0.000000e+00 : f32
      %broadcast_in_dim3A_146 = vector.broadcast %broadcast_in_dim3A_145 : f32 to vector<16xf32>
      %broadcast_in_dim3A_147 = arith.constant 0.000000e+00 : f32
      %broadcast_in_dim3A_148 = vector.broadcast %broadcast_in_dim3A_147 : f32 to vector<16xf32>
      %broadcast_in_dim3A_149 = arith.constant 0.000000e+00 : f32
      %broadcast_in_dim3A_150 = vector.broadcast %broadcast_in_dim3A_149 : f32 to vector<16xf32>
      %broadcast_in_dim3A_151 = arith.constant 0.000000e+00 : f32
      %broadcast_in_dim3A_152 = vector.broadcast %broadcast_in_dim3A_151 : f32 to vector<16xf32>
      %broadcast_in_dim3A_153 = arith.constant 0.000000e+00 : f32
      %broadcast_in_dim3A_154 = vector.broadcast %broadcast_in_dim3A_153 : f32 to vector<16xf32>
      %broadcast_in_dim3A_155 = arith.constant 0.000000e+00 : f32
      %broadcast_in_dim3A_156 = vector.broadcast %broadcast_in_dim3A_155 : f32 to vector<16xf32>
      %broadcast_in_dim3A_157 = arith.constant 0.000000e+00 : f32
      %broadcast_in_dim3A_158 = vector.broadcast %broadcast_in_dim3A_157 : f32 to vector<16xf32>
      %broadcast_in_dim3A_159 = arith.constant 0.000000e+00 : f32
      %broadcast_in_dim3A_160 = vector.broadcast %broadcast_in_dim3A_159 : f32 to vector<16xf32>
      %broadcast_in_dim3A_161 = arith.constant 0.000000e+00 : f32
      %broadcast_in_dim3A_162 = vector.broadcast %broadcast_in_dim3A_161 : f32 to vector<16xf32>
      %broadcast_in_dim3A_163 = arith.constant 0.000000e+00 : f32
      %broadcast_in_dim3A_164 = vector.broadcast %broadcast_in_dim3A_163 : f32 to vector<16xf32>
      %broadcast_in_dim3A_165 = arith.constant 0.000000e+00 : f32
      %broadcast_in_dim3A_166 = vector.broadcast %broadcast_in_dim3A_165 : f32 to vector<16xf32>
      %broadcast_in_dim3A_167 = arith.constant 0.000000e+00 : f32
      %broadcast_in_dim3A_168 = vector.broadcast %broadcast_in_dim3A_167 : f32 to vector<16xf32>
      %broadcast_in_dim3A_169 = arith.constant 0.000000e+00 : f32
      %broadcast_in_dim3A_170 = vector.broadcast %broadcast_in_dim3A_169 : f32 to vector<16xf32>
      %scan3A_171 = arith.constant 0 : i32
      %scan3A_172 = arith.constant 8 : i32
      %scan3A_173 = arith.addi %scan3A_171, %scan3A_172 : i32
      %scan3A_174 = arith.constant 1 : i32
      %scan3A_175:16 = scf.for %scan3A_270 = %scan3A_171 to %scan3A_173 step %scan3A_174 iter_args(%scan3A_271 = %broadcast_in_dim3A_140, %scan3A_272 = %broadcast_in_dim3A_142, %scan3A_273 = %broadcast_in_dim3A_144, %scan3A_274 = %broadcast_in_dim3A_146, %scan3A_275 = %broadcast_in_dim3A_148, %scan3A_276 = %broadcast_in_dim3A_150, %scan3A_277 = %broadcast_in_dim3A_152, %scan3A_278 = %broadcast_in_dim3A_154, %scan3A_279 = %broadcast_in_dim3A_156, %scan3A_280 = %broadcast_in_dim3A_158, %scan3A_281 = %broadcast_in_dim3A_160, %scan3A_282 = %broadcast_in_dim3A_162, %scan3A_283 = %broadcast_in_dim3A_164, %scan3A_284 = %broadcast_in_dim3A_166, %scan3A_285 = %broadcast_in_dim3A_168, %scan3A_286 = %broadcast_in_dim3A_170) -> (vector<16xf32>, vector<16xf32>, vector<16xf32>, vector<16xf32>, vector<16xf32>, vector<16xf32>, vector<16xf32>, vector<16xf32>, vector<16xf32>, vector<16xf32>, vector<16xf32>, vector<16xf32>, vector<16xf32>, vector<16xf32>, vector<16xf32>, vector<16xf32>)  : i32 {
        %add3A_287 = arith.constant 0 : i32
        %add3A_288 = arith.addi %mul3A_139, %add3A_287 : i32
        %mul3A_289 = arith.constant 16 : i32
        %mul3A_290 = arith.muli %scan3A_270, %mul3A_289 : i32
        %get3A = arith.index_cast %add3A_288 : i32 to index
        %get3A_291 = arith.index_cast %mul3A_290 : i32 to index
        %get3A_292 = tpu.vector_load %arg6[%get3A, %get3A_291] {strides = array<i32>} : memref<128x128xf32, #tpu.memory_space<vmem>>, vector<1x16xf32>,
        %get3A_293 = vector.shape_cast %get3A_292 : vector<1x16xf32> to vector<16xf32>
        %add3A_294 = arith.constant 0 : i32
        %add3A_295 = arith.addi %mul3A_139, %add3A_294 : i32
        %mul3A_296 = arith.constant 16 : i32
        %mul3A_297 = arith.muli %scan3A_270, %mul3A_296 : i32
        %get3A_298 = arith.index_cast %add3A_295 : i32 to index
        %get3A_299 = arith.index_cast %mul3A_297 : i32 to index
        %get3A_300 = tpu.vector_load %arg8[%get3A_298, %get3A_299] {strides = array<i32>} : memref<128x128xf32, #tpu.memory_space<vmem>>, vector<1x16xf32>,
        %get3A_301 = vector.shape_cast %get3A_300 : vector<1x16xf32> to vector<16xf32>
        %sub3A = arith.subf %get3A_293, %get3A_301 : vector<16xf32>
        %mul3A_302 = arith.mulf %sub3A, %sub3A : vector<16xf32>
        %add3A_303 = arith.addf %scan3A_271, %mul3A_302 : vector<16xf32>
        %add3A_304 = arith.constant 1 : i32
        %add3A_305 = arith.addi %mul3A_139, %add3A_304 : i32
        %mul3A_306 = arith.constant 16 : i32
        %mul3A_307 = arith.muli %scan3A_270, %mul3A_306 : i32
        %get3A_308 = arith.index_cast %add3A_305 : i32 to index
        %get3A_309 = arith.index_cast %mul3A_307 : i32 to index
        %get3A_310 = tpu.vector_load %arg6[%get3A_308, %get3A_309] {strides = array<i32>} : memref<128x128xf32, #tpu.memory_space<vmem>>, vector<1x16xf32>,
        %get3A_311 = vector.shape_cast %get3A_310 : vector<1x16xf32> to vector<16xf32>
        %add3A_312 = arith.constant 1 : i32
        %add3A_313 = arith.addi %mul3A_139, %add3A_312 : i32
        %mul3A_314 = arith.constant 16 : i32
        %mul3A_315 = arith.muli %scan3A_270, %mul3A_314 : i32
        %get3A_316 = arith.index_cast %add3A_313 : i32 to index
        %get3A_317 = arith.index_cast %mul3A_315 : i32 to index
        %get3A_318 = tpu.vector_load %arg8[%get3A_316, %get3A_317] {strides = array<i32>} : memref<128x128xf32, #tpu.memory_space<vmem>>, vector<1x16xf32>,
        %get3A_319 = vector.shape_cast %get3A_318 : vector<1x16xf32> to vector<16xf32>
        %sub3A_320 = arith.subf %get3A_311, %get3A_319 : vector<16xf32>
        %mul3A_321 = arith.mulf %sub3A_320, %sub3A_320 : vector<16xf32>
        %add3A_322 = arith.addf %scan3A_272, %mul3A_321 : vector<16xf32>
        %add3A_323 = arith.constant 2 : i32
        %add3A_324 = arith.addi %mul3A_139, %add3A_323 : i32
        %mul3A_325 = arith.constant 16 : i32
        %mul3A_326 = arith.muli %scan3A_270, %mul3A_325 : i32
        %get3A_327 = arith.index_cast %add3A_324 : i32 to index
        %get3A_328 = arith.index_cast %mul3A_326 : i32 to index
        %get3A_329 = tpu.vector_load %arg6[%get3A_327, %get3A_328] {strides = array<i32>} : memref<128x128xf32, #tpu.memory_space<vmem>>, vector<1x16xf32>,
        %get3A_330 = vector.shape_cast %get3A_329 : vector<1x16xf32> to vector<16xf32>
        %add3A_331 = arith.constant 2 : i32
        %add3A_332 = arith.addi %mul3A_139, %add3A_331 : i32
        %mul3A_333 = arith.constant 16 : i32
        %mul3A_334 = arith.muli %scan3A_270, %mul3A_333 : i32
        %get3A_335 = arith.index_cast %add3A_332 : i32 to index
        %get3A_336 = arith.index_cast %mul3A_334 : i32 to index
        %get3A_337 = tpu.vector_load %arg8[%get3A_335, %get3A_336] {strides = array<i32>} : memref<128x128xf32, #tpu.memory_space<vmem>>, vector<1x16xf32>,
        %get3A_338 = vector.shape_cast %get3A_337 : vector<1x16xf32> to vector<16xf32>
        %sub3A_339 = arith.subf %get3A_330, %get3A_338 : vector<16xf32>
        %mul3A_340 = arith.mulf %sub3A_339, %sub3A_339 : vector<16xf32>
        %add3A_341 = arith.addf %scan3A_273, %mul3A_340 : vector<16xf32>
        %add3A_342 = arith.constant 3 : i32
        %add3A_343 = arith.addi %mul3A_139, %add3A_342 : i32
        %mul3A_344 = arith.constant 16 : i32
        %mul3A_345 = arith.muli %scan3A_270, %mul3A_344 : i32
        %get3A_346 = arith.index_cast %add3A_343 : i32 to index
        %get3A_347 = arith.index_cast %mul3A_345 : i32 to index
        %get3A_348 = tpu.vector_load %arg6[%get3A_346, %get3A_347] {strides = array<i32>} : memref<128x128xf32, #tpu.memory_space<vmem>>, vector<1x16xf32>,
        %get3A_349 = vector.shape_cast %get3A_348 : vector<1x16xf32> to vector<16xf32>
        %add3A_350 = arith.constant 3 : i32
        %add3A_351 = arith.addi %mul3A_139, %add3A_350 : i32
        %mul3A_352 = arith.constant 16 : i32
        %mul3A_353 = arith.muli %scan3A_270, %mul3A_352 : i32
        %get3A_354 = arith.index_cast %add3A_351 : i32 to index
        %get3A_355 = arith.index_cast %mul3A_353 : i32 to index
        %get3A_356 = tpu.vector_load %arg8[%get3A_354, %get3A_355] {strides = array<i32>} : memref<128x128xf32, #tpu.memory_space<vmem>>, vector<1x16xf32>,
        %get3A_357 = vector.shape_cast %get3A_356 : vector<1x16xf32> to vector<16xf32>
        %sub3A_358 = arith.subf %get3A_349, %get3A_357 : vector<16xf32>
        %mul3A_359 = arith.mulf %sub3A_358, %sub3A_358 : vector<16xf32>
        %add3A_360 = arith.addf %scan3A_274, %mul3A_359 : vector<16xf32>
        %add3A_361 = arith.constant 4 : i32
        %add3A_362 = arith.addi %mul3A_139, %add3A_361 : i32
        %mul3A_363 = arith.constant 16 : i32
        %mul3A_364 = arith.muli %scan3A_270, %mul3A_363 : i32
        %get3A_365 = arith.index_cast %add3A_362 : i32 to index
        %get3A_366 = arith.index_cast %mul3A_364 : i32 to index
        %get3A_367 = tpu.vector_load %arg6[%get3A_365, %get3A_366] {strides = array<i32>} : memref<128x128xf32, #tpu.memory_space<vmem>>, vector<1x16xf32>,
        %get3A_368 = vector.shape_cast %get3A_367 : vector<1x16xf32> to vector<16xf32>
        %add3A_369 = arith.constant 4 : i32
        %add3A_370 = arith.addi %mul3A_139, %add3A_369 : i32
        %mul3A_371 = arith.constant 16 : i32
        %mul3A_372 = arith.muli %scan3A_270, %mul3A_371 : i32
        %get3A_373 = arith.index_cast %add3A_370 : i32 to index
        %get3A_374 = arith.index_cast %mul3A_372 : i32 to index
        %get3A_375 = tpu.vector_load %arg8[%get3A_373, %get3A_374] {strides = array<i32>} : memref<128x128xf32, #tpu.memory_space<vmem>>, vector<1x16xf32>,
        %get3A_376 = vector.shape_cast %get3A_375 : vector<1x16xf32> to vector<16xf32>
        %sub3A_377 = arith.subf %get3A_368, %get3A_376 : vector<16xf32>
        %mul3A_378 = arith.mulf %sub3A_377, %sub3A_377 : vector<16xf32>
        %add3A_379 = arith.addf %scan3A_275, %mul3A_378 : vector<16xf32>
        %add3A_380 = arith.constant 5 : i32
        %add3A_381 = arith.addi %mul3A_139, %add3A_380 : i32
        %mul3A_382 = arith.constant 16 : i32
        %mul3A_383 = arith.muli %scan3A_270, %mul3A_382 : i32
        %get3A_384 = arith.index_cast %add3A_381 : i32 to index
        %get3A_385 = arith.index_cast %mul3A_383 : i32 to index
        %get3A_386 = tpu.vector_load %arg6[%get3A_384, %get3A_385] {strides = array<i32>} : memref<128x128xf32, #tpu.memory_space<vmem>>, vector<1x16xf32>,
        %get3A_387 = vector.shape_cast %get3A_386 : vector<1x16xf32> to vector<16xf32>
        %add3A_388 = arith.constant 5 : i32
        %add3A_389 = arith.addi %mul3A_139, %add3A_388 : i32
        %mul3A_390 = arith.constant 16 : i32
        %mul3A_391 = arith.muli %scan3A_270, %mul3A_390 : i32
        %get3A_392 = arith.index_cast %add3A_389 : i32 to index
        %get3A_393 = arith.index_cast %mul3A_391 : i32 to index
        %get3A_394 = tpu.vector_load %arg8[%get3A_392, %get3A_393] {strides = array<i32>} : memref<128x128xf32, #tpu.memory_space<vmem>>, vector<1x16xf32>,
        %get3A_395 = vector.shape_cast %get3A_394 : vector<1x16xf32> to vector<16xf32>
        %sub3A_396 = arith.subf %get3A_387, %get3A_395 : vector<16xf32>
        %mul3A_397 = arith.mulf %sub3A_396, %sub3A_396 : vector<16xf32>
        %add3A_398 = arith.addf %scan3A_276, %mul3A_397 : vector<16xf32>
        %add3A_399 = arith.constant 6 : i32
        %add3A_400 = arith.addi %mul3A_139, %add3A_399 : i32
        %mul3A_401 = arith.constant 16 : i32
        %mul3A_402 = arith.muli %scan3A_270, %mul3A_401 : i32
        %get3A_403 = arith.index_cast %add3A_400 : i32 to index
        %get3A_404 = arith.index_cast %mul3A_402 : i32 to index
        %get3A_405 = tpu.vector_load %arg6[%get3A_403, %get3A_404] {strides = array<i32>} : memref<128x128xf32, #tpu.memory_space<vmem>>, vector<1x16xf32>,
        %get3A_406 = vector.shape_cast %get3A_405 : vector<1x16xf32> to vector<16xf32>
        %add3A_407 = arith.constant 6 : i32
        %add3A_408 = arith.addi %mul3A_139, %add3A_407 : i32
        %mul3A_409 = arith.constant 16 : i32
        %mul3A_410 = arith.muli %scan3A_270, %mul3A_409 : i32
        %get3A_411 = arith.index_cast %add3A_408 : i32 to index
        %get3A_412 = arith.index_cast %mul3A_410 : i32 to index
        %get3A_413 = tpu.vector_load %arg8[%get3A_411, %get3A_412] {strides = array<i32>} : memref<128x128xf32, #tpu.memory_space<vmem>>, vector<1x16xf32>,
        %get3A_414 = vector.shape_cast %get3A_413 : vector<1x16xf32> to vector<16xf32>
        %sub3A_415 = arith.subf %get3A_406, %get3A_414 : vector<16xf32>
        %mul3A_416 = arith.mulf %sub3A_415, %sub3A_415 : vector<16xf32>
        %add3A_417 = arith.addf %scan3A_277, %mul3A_416 : vector<16xf32>
        %add3A_418 = arith.constant 7 : i32
        %add3A_419 = arith.addi %mul3A_139, %add3A_418 : i32
        %mul3A_420 = arith.constant 16 : i32
        %mul3A_421 = arith.muli %scan3A_270, %mul3A_420 : i32
        %get3A_422 = arith.index_cast %add3A_419 : i32 to index
        %get3A_423 = arith.index_cast %mul3A_421 : i32 to index
        %get3A_424 = tpu.vector_load %arg6[%get3A_422, %get3A_423] {strides = array<i32>} : memref<128x128xf32, #tpu.memory_space<vmem>>, vector<1x16xf32>,
        %get3A_425 = vector.shape_cast %get3A_424 : vector<1x16xf32> to vector<16xf32>
        %add3A_426 = arith.constant 7 : i32
        %add3A_427 = arith.addi %mul3A_139, %add3A_426 : i32
        %mul3A_428 = arith.constant 16 : i32
        %mul3A_429 = arith.muli %scan3A_270, %mul3A_428 : i32
        %get3A_430 = arith.index_cast %add3A_427 : i32 to index
        %get3A_431 = arith.index_cast %mul3A_429 : i32 to index
        %get3A_432 = tpu.vector_load %arg8[%get3A_430, %get3A_431] {strides = array<i32>} : memref<128x128xf32, #tpu.memory_space<vmem>>, vector<1x16xf32>,
        %get3A_433 = vector.shape_cast %get3A_432 : vector<1x16xf32> to vector<16xf32>
        %sub3A_434 = arith.subf %get3A_425, %get3A_433 : vector<16xf32>
        %mul3A_435 = arith.mulf %sub3A_434, %sub3A_434 : vector<16xf32>
        %add3A_436 = arith.addf %scan3A_278, %mul3A_435 : vector<16xf32>
        %add3A_437 = arith.constant 8 : i32
        %add3A_438 = arith.addi %mul3A_139, %add3A_437 : i32
        %mul3A_439 = arith.constant 16 : i32
        %mul3A_440 = arith.muli %scan3A_270, %mul3A_439 : i32
        %get3A_441 = arith.index_cast %add3A_438 : i32 to index
        %get3A_442 = arith.index_cast %mul3A_440 : i32 to index
        %get3A_443 = tpu.vector_load %arg6[%get3A_441, %get3A_442] {strides = array<i32>} : memref<128x128xf32, #tpu.memory_space<vmem>>, vector<1x16xf32>,
        %get3A_444 = vector.shape_cast %get3A_443 : vector<1x16xf32> to vector<16xf32>
        %add3A_445 = arith.constant 8 : i32
        %add3A_446 = arith.addi %mul3A_139, %add3A_445 : i32
        %mul3A_447 = arith.constant 16 : i32
        %mul3A_448 = arith.muli %scan3A_270, %mul3A_447 : i32
        %get3A_449 = arith.index_cast %add3A_446 : i32 to index
        %get3A_450 = arith.index_cast %mul3A_448 : i32 to index
        %get3A_451 = tpu.vector_load %arg8[%get3A_449, %get3A_450] {strides = array<i32>} : memref<128x128xf32, #tpu.memory_space<vmem>>, vector<1x16xf32>,
        %get3A_452 = vector.shape_cast %get3A_451 : vector<1x16xf32> to vector<16xf32>
        %sub3A_453 = arith.subf %get3A_444, %get3A_452 : vector<16xf32>
        %mul3A_454 = arith.mulf %sub3A_453, %sub3A_453 : vector<16xf32>
        %add3A_455 = arith.addf %scan3A_279, %mul3A_454 : vector<16xf32>
        %add3A_456 = arith.constant 9 : i32
        %add3A_457 = arith.addi %mul3A_139, %add3A_456 : i32
        %mul3A_458 = arith.constant 16 : i32
        %mul3A_459 = arith.muli %scan3A_270, %mul3A_458 : i32
        %get3A_460 = arith.index_cast %add3A_457 : i32 to index
        %get3A_461 = arith.index_cast %mul3A_459 : i32 to index
        %get3A_462 = tpu.vector_load %arg6[%get3A_460, %get3A_461] {strides = array<i32>} : memref<128x128xf32, #tpu.memory_space<vmem>>, vector<1x16xf32>,
        %get3A_463 = vector.shape_cast %get3A_462 : vector<1x16xf32> to vector<16xf32>
        %add3A_464 = arith.constant 9 : i32
        %add3A_465 = arith.addi %mul3A_139, %add3A_464 : i32
        %mul3A_466 = arith.constant 16 : i32
        %mul3A_467 = arith.muli %scan3A_270, %mul3A_466 : i32
        %get3A_468 = arith.index_cast %add3A_465 : i32 to index
        %get3A_469 = arith.index_cast %mul3A_467 : i32 to index
        %get3A_470 = tpu.vector_load %arg8[%get3A_468, %get3A_469] {strides = array<i32>} : memref<128x128xf32, #tpu.memory_space<vmem>>, vector<1x16xf32>,
        %get3A_471 = vector.shape_cast %get3A_470 : vector<1x16xf32> to vector<16xf32>
        %sub3A_472 = arith.subf %get3A_463, %get3A_471 : vector<16xf32>
        %mul3A_473 = arith.mulf %sub3A_472, %sub3A_472 : vector<16xf32>
        %add3A_474 = arith.addf %scan3A_280, %mul3A_473 : vector<16xf32>
        %add3A_475 = arith.constant 10 : i32
        %add3A_476 = arith.addi %mul3A_139, %add3A_475 : i32
        %mul3A_477 = arith.constant 16 : i32
        %mul3A_478 = arith.muli %scan3A_270, %mul3A_477 : i32
        %get3A_479 = arith.index_cast %add3A_476 : i32 to index
        %get3A_480 = arith.index_cast %mul3A_478 : i32 to index
        %get3A_481 = tpu.vector_load %arg6[%get3A_479, %get3A_480] {strides = array<i32>} : memref<128x128xf32, #tpu.memory_space<vmem>>, vector<1x16xf32>,
        %get3A_482 = vector.shape_cast %get3A_481 : vector<1x16xf32> to vector<16xf32>
        %add3A_483 = arith.constant 10 : i32
        %add3A_484 = arith.addi %mul3A_139, %add3A_483 : i32
        %mul3A_485 = arith.constant 16 : i32
        %mul3A_486 = arith.muli %scan3A_270, %mul3A_485 : i32
        %get3A_487 = arith.index_cast %add3A_484 : i32 to index
        %get3A_488 = arith.index_cast %mul3A_486 : i32 to index
        %get3A_489 = tpu.vector_load %arg8[%get3A_487, %get3A_488] {strides = array<i32>} : memref<128x128xf32, #tpu.memory_space<vmem>>, vector<1x16xf32>,
        %get3A_490 = vector.shape_cast %get3A_489 : vector<1x16xf32> to vector<16xf32>
        %sub3A_491 = arith.subf %get3A_482, %get3A_490 : vector<16xf32>
        %mul3A_492 = arith.mulf %sub3A_491, %sub3A_491 : vector<16xf32>
        %add3A_493 = arith.addf %scan3A_281, %mul3A_492 : vector<16xf32>
        %add3A_494 = arith.constant 11 : i32
        %add3A_495 = arith.addi %mul3A_139, %add3A_494 : i32
        %mul3A_496 = arith.constant 16 : i32
        %mul3A_497 = arith.muli %scan3A_270, %mul3A_496 : i32
        %get3A_498 = arith.index_cast %add3A_495 : i32 to index
        %get3A_499 = arith.index_cast %mul3A_497 : i32 to index
        %get3A_500 = tpu.vector_load %arg6[%get3A_498, %get3A_499] {strides = array<i32>} : memref<128x128xf32, #tpu.memory_space<vmem>>, vector<1x16xf32>,
        %get3A_501 = vector.shape_cast %get3A_500 : vector<1x16xf32> to vector<16xf32>
        %add3A_502 = arith.constant 11 : i32
        %add3A_503 = arith.addi %mul3A_139, %add3A_502 : i32
        %mul3A_504 = arith.constant 16 : i32
        %mul3A_505 = arith.muli %scan3A_270, %mul3A_504 : i32
        %get3A_506 = arith.index_cast %add3A_503 : i32 to index
        %get3A_507 = arith.index_cast %mul3A_505 : i32 to index
        %get3A_508 = tpu.vector_load %arg8[%get3A_506, %get3A_507] {strides = array<i32>} : memref<128x128xf32, #tpu.memory_space<vmem>>, vector<1x16xf32>,
        %get3A_509 = vector.shape_cast %get3A_508 : vector<1x16xf32> to vector<16xf32>
        %sub3A_510 = arith.subf %get3A_501, %get3A_509 : vector<16xf32>
        %mul3A_511 = arith.mulf %sub3A_510, %sub3A_510 : vector<16xf32>
        %add3A_512 = arith.addf %scan3A_282, %mul3A_511 : vector<16xf32>
        %add3A_513 = arith.constant 12 : i32
        %add3A_514 = arith.addi %mul3A_139, %add3A_513 : i32
        %mul3A_515 = arith.constant 16 : i32
        %mul3A_516 = arith.muli %scan3A_270, %mul3A_515 : i32
        %get3A_517 = arith.index_cast %add3A_514 : i32 to index
        %get3A_518 = arith.index_cast %mul3A_516 : i32 to index
        %get3A_519 = tpu.vector_load %arg6[%get3A_517, %get3A_518] {strides = array<i32>} : memref<128x128xf32, #tpu.memory_space<vmem>>, vector<1x16xf32>,
        %get3A_520 = vector.shape_cast %get3A_519 : vector<1x16xf32> to vector<16xf32>
        %add3A_521 = arith.constant 12 : i32
        %add3A_522 = arith.addi %mul3A_139, %add3A_521 : i32
        %mul3A_523 = arith.constant 16 : i32
        %mul3A_524 = arith.muli %scan3A_270, %mul3A_523 : i32
        %get3A_525 = arith.index_cast %add3A_522 : i32 to index
        %get3A_526 = arith.index_cast %mul3A_524 : i32 to index
        %get3A_527 = tpu.vector_load %arg8[%get3A_525, %get3A_526] {strides = array<i32>} : memref<128x128xf32, #tpu.memory_space<vmem>>, vector<1x16xf32>,
        %get3A_528 = vector.shape_cast %get3A_527 : vector<1x16xf32> to vector<16xf32>
        %sub3A_529 = arith.subf %get3A_520, %get3A_528 : vector<16xf32>
        %mul3A_530 = arith.mulf %sub3A_529, %sub3A_529 : vector<16xf32>
        %add3A_531 = arith.addf %scan3A_283, %mul3A_530 : vector<16xf32>
        %add3A_532 = arith.constant 13 : i32
        %add3A_533 = arith.addi %mul3A_139, %add3A_532 : i32
        %mul3A_534 = arith.constant 16 : i32
        %mul3A_535 = arith.muli %scan3A_270, %mul3A_534 : i32
        %get3A_536 = arith.index_cast %add3A_533 : i32 to index
        %get3A_537 = arith.index_cast %mul3A_535 : i32 to index
        %get3A_538 = tpu.vector_load %arg6[%get3A_536, %get3A_537] {strides = array<i32>} : memref<128x128xf32, #tpu.memory_space<vmem>>, vector<1x16xf32>,
        %get3A_539 = vector.shape_cast %get3A_538 : vector<1x16xf32> to vector<16xf32>
        %add3A_540 = arith.constant 13 : i32
        %add3A_541 = arith.addi %mul3A_139, %add3A_540 : i32
        %mul3A_542 = arith.constant 16 : i32
        %mul3A_543 = arith.muli %scan3A_270, %mul3A_542 : i32
        %get3A_544 = arith.index_cast %add3A_541 : i32 to index
        %get3A_545 = arith.index_cast %mul3A_543 : i32 to index
        %get3A_546 = tpu.vector_load %arg8[%get3A_544, %get3A_545] {strides = array<i32>} : memref<128x128xf32, #tpu.memory_space<vmem>>, vector<1x16xf32>,
        %get3A_547 = vector.shape_cast %get3A_546 : vector<1x16xf32> to vector<16xf32>
        %sub3A_548 = arith.subf %get3A_539, %get3A_547 : vector<16xf32>
        %mul3A_549 = arith.mulf %sub3A_548, %sub3A_548 : vector<16xf32>
        %add3A_550 = arith.addf %scan3A_284, %mul3A_549 : vector<16xf32>
        %add3A_551 = arith.constant 14 : i32
        %add3A_552 = arith.addi %mul3A_139, %add3A_551 : i32
        %mul3A_553 = arith.constant 16 : i32
        %mul3A_554 = arith.muli %scan3A_270, %mul3A_553 : i32
        %get3A_555 = arith.index_cast %add3A_552 : i32 to index
        %get3A_556 = arith.index_cast %mul3A_554 : i32 to index
        %get3A_557 = tpu.vector_load %arg6[%get3A_555, %get3A_556] {strides = array<i32>} : memref<128x128xf32, #tpu.memory_space<vmem>>, vector<1x16xf32>,
        %get3A_558 = vector.shape_cast %get3A_557 : vector<1x16xf32> to vector<16xf32>
        %add3A_559 = arith.constant 14 : i32
        %add3A_560 = arith.addi %mul3A_139, %add3A_559 : i32
        %mul3A_561 = arith.constant 16 : i32
        %mul3A_562 = arith.muli %scan3A_270, %mul3A_561 : i32
        %get3A_563 = arith.index_cast %add3A_560 : i32 to index
        %get3A_564 = arith.index_cast %mul3A_562 : i32 to index
        %get3A_565 = tpu.vector_load %arg8[%get3A_563, %get3A_564] {strides = array<i32>} : memref<128x128xf32, #tpu.memory_space<vmem>>, vector<1x16xf32>,
        %get3A_566 = vector.shape_cast %get3A_565 : vector<1x16xf32> to vector<16xf32>
        %sub3A_567 = arith.subf %get3A_558, %get3A_566 : vector<16xf32>
        %mul3A_568 = arith.mulf %sub3A_567, %sub3A_567 : vector<16xf32>
        %add3A_569 = arith.addf %scan3A_285, %mul3A_568 : vector<16xf32>
        %add3A_570 = arith.constant 15 : i32
        %add3A_571 = arith.addi %mul3A_139, %add3A_570 : i32
        %mul3A_572 = arith.constant 16 : i32
        %mul3A_573 = arith.muli %scan3A_270, %mul3A_572 : i32
        %get3A_574 = arith.index_cast %add3A_571 : i32 to index
        %get3A_575 = arith.index_cast %mul3A_573 : i32 to index
        %get3A_576 = tpu.vector_load %arg6[%get3A_574, %get3A_575] {strides = array<i32>} : memref<128x128xf32, #tpu.memory_space<vmem>>, vector<1x16xf32>,
        %get3A_577 = vector.shape_cast %get3A_576 : vector<1x16xf32> to vector<16xf32>
        %add3A_578 = arith.constant 15 : i32
        %add3A_579 = arith.addi %mul3A_139, %add3A_578 : i32
        %mul3A_580 = arith.constant 16 : i32
        %mul3A_581 = arith.muli %scan3A_270, %mul3A_580 : i32
        %get3A_582 = arith.index_cast %add3A_579 : i32 to index
        %get3A_583 = arith.index_cast %mul3A_581 : i32 to index
        %get3A_584 = tpu.vector_load %arg8[%get3A_582, %get3A_583] {strides = array<i32>} : memref<128x128xf32, #tpu.memory_space<vmem>>, vector<1x16xf32>,
        %get3A_585 = vector.shape_cast %get3A_584 : vector<1x16xf32> to vector<16xf32>
        %sub3A_586 = arith.subf %get3A_577, %get3A_585 : vector<16xf32>
        %mul3A_587 = arith.mulf %sub3A_586, %sub3A_586 : vector<16xf32>
        %add3A_588 = arith.addf %scan3A_286, %mul3A_587 : vector<16xf32>
        scf.yield %add3A_303, %add3A_322, %add3A_341, %add3A_360, %add3A_379, %add3A_398, %add3A_417, %add3A_436, %add3A_455, %add3A_474, %add3A_493, %add3A_512, %add3A_531, %add3A_550, %add3A_569, %add3A_588 : vector<16xf32>, vector<16xf32>, vector<16xf32>, vector<16xf32>, vector<16xf32>, vector<16xf32>, vector<16xf32>, vector<16xf32>, vector<16xf32>, vector<16xf32>, vector<16xf32>, vector<16xf32>, vector<16xf32>, vector<16xf32>, vector<16xf32>, vector<16xf32>
      }
      %scan3A_176 = arith.constant 8 : i32
      %select_n3A = arith.select %eq3A_17, %scan3A_175#0, %scan3A_175#1 : vector<16xi1>, vector<16xf32>
      %select_n3A_177 = arith.select %eq3A_17, %scan3A_175#1, %scan3A_175#0 : vector<16xi1>, vector<16xf32>
      %broadcast_in_dim3A_178 = vector.shape_cast %xor3A_4 : vector<16xi32> to vector<16x1xi32>
      %gather3A = vector.shape_cast %broadcast_in_dim3A_178 : vector<16x1xi32> to vector<16xi32>
      %gather3A_179 = tpu.dynamic_gather %select_n3A_177[%gather3A] in [0] : vector<16xf32>, vector<16xi32> -> vector<16xf32>
      %add3A_180 = arith.addf %select_n3A, %gather3A_179 : vector<16xf32>
      %select_n3A_181 = arith.select %eq3A_17, %scan3A_175#2, %scan3A_175#3 : vector<16xi1>, vector<16xf32>
      %select_n3A_182 = arith.select %eq3A_17, %scan3A_175#3, %scan3A_175#2 : vector<16xi1>, vector<16xf32>
      %broadcast_in_dim3A_183 = vector.shape_cast %xor3A_4 : vector<16xi32> to vector<16x1xi32>
      %gather3A_184 = vector.shape_cast %broadcast_in_dim3A_183 : vector<16x1xi32> to vector<16xi32>
      %gather3A_185 = tpu.dynamic_gather %select_n3A_182[%gather3A_184] in [0] : vector<16xf32>, vector<16xi32> -> vector<16xf32>
      %add3A_186 = arith.addf %select_n3A_181, %gather3A_185 : vector<16xf32>
      %select_n3A_187 = arith.select %eq3A_17, %scan3A_175#4, %scan3A_175#5 : vector<16xi1>, vector<16xf32>
      %select_n3A_188 = arith.select %eq3A_17, %scan3A_175#5, %scan3A_175#4 : vector<16xi1>, vector<16xf32>
      %broadcast_in_dim3A_189 = vector.shape_cast %xor3A_4 : vector<16xi32> to vector<16x1xi32>
      %gather3A_190 = vector.shape_cast %broadcast_in_dim3A_189 : vector<16x1xi32> to vector<16xi32>
      %gather3A_191 = tpu.dynamic_gather %select_n3A_188[%gather3A_190] in [0] : vector<16xf32>, vector<16xi32> -> vector<16xf32>
      %add3A_192 = arith.addf %select_n3A_187, %gather3A_191 : vector<16xf32>
      %select_n3A_193 = arith.select %eq3A_17, %scan3A_175#6, %scan3A_175#7 : vector<16xi1>, vector<16xf32>
      %select_n3A_194 = arith.select %eq3A_17, %scan3A_175#7, %scan3A_175#6 : vector<16xi1>, vector<16xf32>
      %broadcast_in_dim3A_195 = vector.shape_cast %xor3A_4 : vector<16xi32> to vector<16x1xi32>
      %gather3A_196 = vector.shape_cast %broadcast_in_dim3A_195 : vector<16x1xi32> to vector<16xi32>
      %gather3A_197 = tpu.dynamic_gather %select_n3A_194[%gather3A_196] in [0] : vector<16xf32>, vector<16xi32> -> vector<16xf32>
      %add3A_198 = arith.addf %select_n3A_193, %gather3A_197 : vector<16xf32>
      %select_n3A_199 = arith.select %eq3A_17, %scan3A_175#8, %scan3A_175#9 : vector<16xi1>, vector<16xf32>
      %select_n3A_200 = arith.select %eq3A_17, %scan3A_175#9, %scan3A_175#8 : vector<16xi1>, vector<16xf32>
      %broadcast_in_dim3A_201 = vector.shape_cast %xor3A_4 : vector<16xi32> to vector<16x1xi32>
      %gather3A_202 = vector.shape_cast %broadcast_in_dim3A_201 : vector<16x1xi32> to vector<16xi32>
      %gather3A_203 = tpu.dynamic_gather %select_n3A_200[%gather3A_202] in [0] : vector<16xf32>, vector<16xi32> -> vector<16xf32>
      %add3A_204 = arith.addf %select_n3A_199, %gather3A_203 : vector<16xf32>
      %select_n3A_205 = arith.select %eq3A_17, %scan3A_175#10, %scan3A_175#11 : vector<16xi1>, vector<16xf32>
      %select_n3A_206 = arith.select %eq3A_17, %scan3A_175#11, %scan3A_175#10 : vector<16xi1>, vector<16xf32>
      %broadcast_in_dim3A_207 = vector.shape_cast %xor3A_4 : vector<16xi32> to vector<16x1xi32>
      %gather3A_208 = vector.shape_cast %broadcast_in_dim3A_207 : vector<16x1xi32> to vector<16xi32>
      %gather3A_209 = tpu.dynamic_gather %select_n3A_206[%gather3A_208] in [0] : vector<16xf32>, vector<16xi32> -> vector<16xf32>
      %add3A_210 = arith.addf %select_n3A_205, %gather3A_209 : vector<16xf32>
      %select_n3A_211 = arith.select %eq3A_17, %scan3A_175#12, %scan3A_175#13 : vector<16xi1>, vector<16xf32>
      %select_n3A_212 = arith.select %eq3A_17, %scan3A_175#13, %scan3A_175#12 : vector<16xi1>, vector<16xf32>
      %broadcast_in_dim3A_213 = vector.shape_cast %xor3A_4 : vector<16xi32> to vector<16x1xi32>
      %gather3A_214 = vector.shape_cast %broadcast_in_dim3A_213 : vector<16x1xi32> to vector<16xi32>
      %gather3A_215 = tpu.dynamic_gather %select_n3A_212[%gather3A_214] in [0] : vector<16xf32>, vector<16xi32> -> vector<16xf32>
      %add3A_216 = arith.addf %select_n3A_211, %gather3A_215 : vector<16xf32>
      %select_n3A_217 = arith.select %eq3A_17, %scan3A_175#14, %scan3A_175#15 : vector<16xi1>, vector<16xf32>
      %select_n3A_218 = arith.select %eq3A_17, %scan3A_175#15, %scan3A_175#14 : vector<16xi1>, vector<16xf32>
      %broadcast_in_dim3A_219 = vector.shape_cast %xor3A_4 : vector<16xi32> to vector<16x1xi32>
      %gather3A_220 = vector.shape_cast %broadcast_in_dim3A_219 : vector<16x1xi32> to vector<16xi32>
      %gather3A_221 = tpu.dynamic_gather %select_n3A_218[%gather3A_220] in [0] : vector<16xf32>, vector<16xi32> -> vector<16xf32>
      %add3A_222 = arith.addf %select_n3A_217, %gather3A_221 : vector<16xf32>
      %select_n3A_223 = arith.select %eq3A_23, %add3A_180, %add3A_186 : vector<16xi1>, vector<16xf32>
      %select_n3A_224 = arith.select %eq3A_23, %add3A_186, %add3A_180 : vector<16xi1>, vector<16xf32>
      %broadcast_in_dim3A_225 = vector.shape_cast %xor3A_7 : vector<16xi32> to vector<16x1xi32>
      %gather3A_226 = vector.shape_cast %broadcast_in_dim3A_225 : vector<16x1xi32> to vector<16xi32>
      %gather3A_227 = tpu.dynamic_gather %select_n3A_224[%gather3A_226] in [0] : vector<16xf32>, vector<16xi32> -> vector<16xf32>
      %add3A_228 = arith.addf %select_n3A_223, %gather3A_227 : vector<16xf32>
      %select_n3A_229 = arith.select %eq3A_23, %add3A_192, %add3A_198 : vector<16xi1>, vector<16xf32>
      %select_n3A_230 = arith.select %eq3A_23, %add3A_198, %add3A_192 : vector<16xi1>, vector<16xf32>
      %broadcast_in_dim3A_231 = vector.shape_cast %xor3A_7 : vector<16xi32> to vector<16x1xi32>
      %gather3A_232 = vector.shape_cast %broadcast_in_dim3A_231 : vector<16x1xi32> to vector<16xi32>
      %gather3A_233 = tpu.dynamic_gather %select_n3A_230[%gather3A_232] in [0] : vector<16xf32>, vector<16xi32> -> vector<16xf32>
      %add3A_234 = arith.addf %select_n3A_229, %gather3A_233 : vector<16xf32>
      %select_n3A_235 = arith.select %eq3A_23, %add3A_204, %add3A_210 : vector<16xi1>, vector<16xf32>
      %select_n3A_236 = arith.select %eq3A_23, %add3A_210, %add3A_204 : vector<16xi1>, vector<16xf32>
      %broadcast_in_dim3A_237 = vector.shape_cast %xor3A_7 : vector<16xi32> to vector<16x1xi32>
      %gather3A_238 = vector.shape_cast %broadcast_in_dim3A_237 : vector<16x1xi32> to vector<16xi32>
      %gather3A_239 = tpu.dynamic_gather %select_n3A_236[%gather3A_238] in [0] : vector<16xf32>, vector<16xi32> -> vector<16xf32>
      %add3A_240 = arith.addf %select_n3A_235, %gather3A_239 : vector<16xf32>
      %select_n3A_241 = arith.select %eq3A_23, %add3A_216, %add3A_222 : vector<16xi1>, vector<16xf32>
      %select_n3A_242 = arith.select %eq3A_23, %add3A_222, %add3A_216 : vector<16xi1>, vector<16xf32>
      %broadcast_in_dim3A_243 = vector.shape_cast %xor3A_7 : vector<16xi32> to vector<16x1xi32>
      %gather3A_244 = vector.shape_cast %broadcast_in_dim3A_243 : vector<16x1xi32> to vector<16xi32>
      %gather3A_245 = tpu.dynamic_gather %select_n3A_242[%gather3A_244] in [0] : vector<16xf32>, vector<16xi32> -> vector<16xf32>
      %add3A_246 = arith.addf %select_n3A_241, %gather3A_245 : vector<16xf32>
      %select_n3A_247 = arith.select %eq3A_29, %add3A_228, %add3A_234 : vector<16xi1>, vector<16xf32>
      %select_n3A_248 = arith.select %eq3A_29, %add3A_234, %add3A_228 : vector<16xi1>, vector<16xf32>
      %broadcast_in_dim3A_249 = vector.shape_cast %xor3A_10 : vector<16xi32> to vector<16x1xi32>
      %gather3A_250 = vector.shape_cast %broadcast_in_dim3A_249 : vector<16x1xi32> to vector<16xi32>
      %gather3A_251 = tpu.dynamic_gather %select_n3A_248[%gather3A_250] in [0] : vector<16xf32>, vector<16xi32> -> vector<16xf32>
      %add3A_252 = arith.addf %select_n3A_247, %gather3A_251 : vector<16xf32>
      %select_n3A_253 = arith.select %eq3A_29, %add3A_240, %add3A_246 : vector<16xi1>, vector<16xf32>
      %select_n3A_254 = arith.select %eq3A_29, %add3A_246, %add3A_240 : vector<16xi1>, vector<16xf32>
      %broadcast_in_dim3A_255 = vector.shape_cast %xor3A_10 : vector<16xi32> to vector<16x1xi32>
      %gather3A_256 = vector.shape_cast %broadcast_in_dim3A_255 : vector<16x1xi32> to vector<16xi32>
      %gather3A_257 = tpu.dynamic_gather %select_n3A_254[%gather3A_256] in [0] : vector<16xf32>, vector<16xi32> -> vector<16xf32>
      %add3A_258 = arith.addf %select_n3A_253, %gather3A_257 : vector<16xf32>
      %select_n3A_259 = arith.select %eq3A_35, %add3A_252, %add3A_258 : vector<16xi1>, vector<16xf32>
      %select_n3A_260 = arith.select %eq3A_35, %add3A_258, %add3A_252 : vector<16xi1>, vector<16xf32>
      %broadcast_in_dim3A_261 = vector.shape_cast %xor3A_13 : vector<16xi32> to vector<16x1xi32>
      %gather3A_262 = vector.shape_cast %broadcast_in_dim3A_261 : vector<16x1xi32> to vector<16xi32>
      %gather3A_263 = tpu.dynamic_gather %select_n3A_260[%gather3A_262] in [0] : vector<16xf32>, vector<16xi32> -> vector<16xf32>
      %add3A_264 = arith.addf %select_n3A_259, %gather3A_263 : vector<16xf32>
      %add3A_265 = arith.constant 256 : i32
      %add3A_266 = arith.addi %add3A_265, %mul3A_139 : i32
      %swap3A = arith.index_cast %add3A_266 : i32 to index
      %swap3A_267 = tpu.vector_load %arg11[%swap3A] {strides = array<i32>} : memref<512xf32, #tpu.memory_space<vmem>>, vector<16xf32>,
      %swap3A_268 = vector.shape_cast %swap3A_267 : vector<16xf32> to vector<16xf32>
      %swap3A_269 = vector.shape_cast %add3A_264 : vector<16xf32> to vector<16xf32>
      tpu.vector_store %arg11[%swap3A], %swap3A_269 {strides = array<i32>} : memref<512xf32, #tpu.memory_space<vmem>>, vector<16xf32>,
    }
    %scan3A_121 = arith.constant 8 : i32
    %dma_wait3A_122 = arith.constant 0 : i32
    %dma_wait3A_123 = tpu.memref_slice %arg2[%add3A_97, %dma_wait3A_122] : memref<16384x128xf32, #tpu.memory_space<hbm>> -> memref<128x128xf32, #tpu.memory_space<hbm>>
    %dma_wait3A_124 = arith.constant 0 : i32
    %dma_wait3A_125 = tpu.memref_slice %arg2[%add3A_97, %dma_wait3A_124] : memref<16384x128xf32, #tpu.memory_space<hbm>> -> memref<128x128xf32, #tpu.memory_space<hbm>>
    tpu.wait_dma2 semaphore(%arg13 : memref<!tpu.dma_semaphore, #tpu.memory_space<semaphore_mem>>) src(%dma_wait3A_125 : memref<128x128xf32, #tpu.memory_space<hbm>>) dst(%arg7 : memref<128x128xf32, #tpu.memory_space<vmem>>)
    %dma_wait3A_126 = arith.constant 384 : i32
    %dma_wait3A_127 = tpu.memref_slice %arg10[%dma_wait3A_126] : memref<512xi32, #tpu.memory_space<vmem>> -> memref<128xi32, #tpu.memory_space<vmem>>
    %dma_wait3A_128 = arith.constant 0 : i32
    %dma_wait3A_129 = arith.constant 0 : i32
    %dma_wait3A_130 = tpu.memref_slice %arg4[%dma_wait3A_128, %dma_wait3A_129] : memref<100000x128xf32, #tpu.memory_space<hbm>> -> memref<100000x128xf32, #tpu.memory_space<hbm>>
    tpu.wait_indirect_dma semaphore(%arg13 : memref<!tpu.dma_semaphore, #tpu.memory_space<semaphore_mem>>) src(%dma_wait3A_130 : memref<100000x128xf32, #tpu.memory_space<hbm>>) dst(%arg9 : memref<128x128xf32, #tpu.memory_space<vmem>>)
    %scan3A_131 = arith.constant 0 : i32
    %scan3A_132 = arith.constant 0 : i32
    %scan3A_133 = arith.constant 8 : i32
    %scan3A_134 = arith.addi %scan3A_132, %scan3A_133 : i32
    %scan3A_135 = arith.constant 1 : i32
    scf.for %scan3A_137 = %scan3A_132 to %scan3A_134 step %scan3A_135  : i32 {
      %mul3A_138 = arith.constant 16 : i32
      %mul3A_139 = arith.muli %scan3A_137, %mul3A_138 : i32
      %broadcast_in_dim3A = arith.constant 0.000000e+00 : f32
      %broadcast_in_dim3A_140 = vector.broadcast %broadcast_in_dim3A : f32 to vector<16xf32>
      %broadcast_in_dim3A_141 = arith.constant 0.000000e+00 : f32
      %broadcast_in_dim3A_142 = vector.broadcast %broadcast_in_dim3A_141 : f32 to vector<16xf32>
      %broadcast_in_dim3A_143 = arith.constant 0.000000e+00 : f32
      %broadcast_in_dim3A_144 = vector.broadcast %broadcast_in_dim3A_143 : f32 to vector<16xf32>
      %broadcast_in_dim3A_145 = arith.constant 0.000000e+00 : f32
      %broadcast_in_dim3A_146 = vector.broadcast %broadcast_in_dim3A_145 : f32 to vector<16xf32>
      %broadcast_in_dim3A_147 = arith.constant 0.000000e+00 : f32
      %broadcast_in_dim3A_148 = vector.broadcast %broadcast_in_dim3A_147 : f32 to vector<16xf32>
      %broadcast_in_dim3A_149 = arith.constant 0.000000e+00 : f32
      %broadcast_in_dim3A_150 = vector.broadcast %broadcast_in_dim3A_149 : f32 to vector<16xf32>
      %broadcast_in_dim3A_151 = arith.constant 0.000000e+00 : f32
      %broadcast_in_dim3A_152 = vector.broadcast %broadcast_in_dim3A_151 : f32 to vector<16xf32>
      %broadcast_in_dim3A_153 = arith.constant 0.000000e+00 : f32
      %broadcast_in_dim3A_154 = vector.broadcast %broadcast_in_dim3A_153 : f32 to vector<16xf32>
      %broadcast_in_dim3A_155 = arith.constant 0.000000e+00 : f32
      %broadcast_in_dim3A_156 = vector.broadcast %broadcast_in_dim3A_155 : f32 to vector<16xf32>
      %broadcast_in_dim3A_157 = arith.constant 0.000000e+00 : f32
      %broadcast_in_dim3A_158 = vector.broadcast %broadcast_in_dim3A_157 : f32 to vector<16xf32>
      %broadcast_in_dim3A_159 = arith.constant 0.000000e+00 : f32
      %broadcast_in_dim3A_160 = vector.broadcast %broadcast_in_dim3A_159 : f32 to vector<16xf32>
      %broadcast_in_dim3A_161 = arith.constant 0.000000e+00 : f32
      %broadcast_in_dim3A_162 = vector.broadcast %broadcast_in_dim3A_161 : f32 to vector<16xf32>
      %broadcast_in_dim3A_163 = arith.constant 0.000000e+00 : f32
      %broadcast_in_dim3A_164 = vector.broadcast %broadcast_in_dim3A_163 : f32 to vector<16xf32>
      %broadcast_in_dim3A_165 = arith.constant 0.000000e+00 : f32
      %broadcast_in_dim3A_166 = vector.broadcast %broadcast_in_dim3A_165 : f32 to vector<16xf32>
      %broadcast_in_dim3A_167 = arith.constant 0.000000e+00 : f32
      %broadcast_in_dim3A_168 = vector.broadcast %broadcast_in_dim3A_167 : f32 to vector<16xf32>
      %broadcast_in_dim3A_169 = arith.constant 0.000000e+00 : f32
      %broadcast_in_dim3A_170 = vector.broadcast %broadcast_in_dim3A_169 : f32 to vector<16xf32>
      %scan3A_171 = arith.constant 0 : i32
      %scan3A_172 = arith.constant 8 : i32
      %scan3A_173 = arith.addi %scan3A_171, %scan3A_172 : i32
      %scan3A_174 = arith.constant 1 : i32
      %scan3A_175:16 = scf.for %scan3A_270 = %scan3A_171 to %scan3A_173 step %scan3A_174 iter_args(%scan3A_271 = %broadcast_in_dim3A_140, %scan3A_272 = %broadcast_in_dim3A_142, %scan3A_273 = %broadcast_in_dim3A_144, %scan3A_274 = %broadcast_in_dim3A_146, %scan3A_275 = %broadcast_in_dim3A_148, %scan3A_276 = %broadcast_in_dim3A_150, %scan3A_277 = %broadcast_in_dim3A_152, %scan3A_278 = %broadcast_in_dim3A_154, %scan3A_279 = %broadcast_in_dim3A_156, %scan3A_280 = %broadcast_in_dim3A_158, %scan3A_281 = %broadcast_in_dim3A_160, %scan3A_282 = %broadcast_in_dim3A_162, %scan3A_283 = %broadcast_in_dim3A_164, %scan3A_284 = %broadcast_in_dim3A_166, %scan3A_285 = %broadcast_in_dim3A_168, %scan3A_286 = %broadcast_in_dim3A_170) -> (vector<16xf32>, vector<16xf32>, vector<16xf32>, vector<16xf32>, vector<16xf32>, vector<16xf32>, vector<16xf32>, vector<16xf32>, vector<16xf32>, vector<16xf32>, vector<16xf32>, vector<16xf32>, vector<16xf32>, vector<16xf32>, vector<16xf32>, vector<16xf32>)  : i32 {
        %add3A_287 = arith.constant 0 : i32
        %add3A_288 = arith.addi %mul3A_139, %add3A_287 : i32
        %mul3A_289 = arith.constant 16 : i32
        %mul3A_290 = arith.muli %scan3A_270, %mul3A_289 : i32
        %get3A = arith.index_cast %add3A_288 : i32 to index
        %get3A_291 = arith.index_cast %mul3A_290 : i32 to index
        %get3A_292 = tpu.vector_load %arg7[%get3A, %get3A_291] {strides = array<i32>} : memref<128x128xf32, #tpu.memory_space<vmem>>, vector<1x16xf32>,
        %get3A_293 = vector.shape_cast %get3A_292 : vector<1x16xf32> to vector<16xf32>
        %add3A_294 = arith.constant 0 : i32
        %add3A_295 = arith.addi %mul3A_139, %add3A_294 : i32
        %mul3A_296 = arith.constant 16 : i32
        %mul3A_297 = arith.muli %scan3A_270, %mul3A_296 : i32
        %get3A_298 = arith.index_cast %add3A_295 : i32 to index
        %get3A_299 = arith.index_cast %mul3A_297 : i32 to index
        %get3A_300 = tpu.vector_load %arg9[%get3A_298, %get3A_299] {strides = array<i32>} : memref<128x128xf32, #tpu.memory_space<vmem>>, vector<1x16xf32>,
        %get3A_301 = vector.shape_cast %get3A_300 : vector<1x16xf32> to vector<16xf32>
        %sub3A = arith.subf %get3A_293, %get3A_301 : vector<16xf32>
        %mul3A_302 = arith.mulf %sub3A, %sub3A : vector<16xf32>
        %add3A_303 = arith.addf %scan3A_271, %mul3A_302 : vector<16xf32>
        %add3A_304 = arith.constant 1 : i32
        %add3A_305 = arith.addi %mul3A_139, %add3A_304 : i32
        %mul3A_306 = arith.constant 16 : i32
        %mul3A_307 = arith.muli %scan3A_270, %mul3A_306 : i32
        %get3A_308 = arith.index_cast %add3A_305 : i32 to index
        %get3A_309 = arith.index_cast %mul3A_307 : i32 to index
        %get3A_310 = tpu.vector_load %arg7[%get3A_308, %get3A_309] {strides = array<i32>} : memref<128x128xf32, #tpu.memory_space<vmem>>, vector<1x16xf32>,
        %get3A_311 = vector.shape_cast %get3A_310 : vector<1x16xf32> to vector<16xf32>
        %add3A_312 = arith.constant 1 : i32
        %add3A_313 = arith.addi %mul3A_139, %add3A_312 : i32
        %mul3A_314 = arith.constant 16 : i32
        %mul3A_315 = arith.muli %scan3A_270, %mul3A_314 : i32
        %get3A_316 = arith.index_cast %add3A_313 : i32 to index
        %get3A_317 = arith.index_cast %mul3A_315 : i32 to index
        %get3A_318 = tpu.vector_load %arg9[%get3A_316, %get3A_317] {strides = array<i32>} : memref<128x128xf32, #tpu.memory_space<vmem>>, vector<1x16xf32>,
        %get3A_319 = vector.shape_cast %get3A_318 : vector<1x16xf32> to vector<16xf32>
        %sub3A_320 = arith.subf %get3A_311, %get3A_319 : vector<16xf32>
        %mul3A_321 = arith.mulf %sub3A_320, %sub3A_320 : vector<16xf32>
        %add3A_322 = arith.addf %scan3A_272, %mul3A_321 : vector<16xf32>
        %add3A_323 = arith.constant 2 : i32
        %add3A_324 = arith.addi %mul3A_139, %add3A_323 : i32
        %mul3A_325 = arith.constant 16 : i32
        %mul3A_326 = arith.muli %scan3A_270, %mul3A_325 : i32
        %get3A_327 = arith.index_cast %add3A_324 : i32 to index
        %get3A_328 = arith.index_cast %mul3A_326 : i32 to index
        %get3A_329 = tpu.vector_load %arg7[%get3A_327, %get3A_328] {strides = array<i32>} : memref<128x128xf32, #tpu.memory_space<vmem>>, vector<1x16xf32>,
        %get3A_330 = vector.shape_cast %get3A_329 : vector<1x16xf32> to vector<16xf32>
        %add3A_331 = arith.constant 2 : i32
        %add3A_332 = arith.addi %mul3A_139, %add3A_331 : i32
        %mul3A_333 = arith.constant 16 : i32
        %mul3A_334 = arith.muli %scan3A_270, %mul3A_333 : i32
        %get3A_335 = arith.index_cast %add3A_332 : i32 to index
        %get3A_336 = arith.index_cast %mul3A_334 : i32 to index
        %get3A_337 = tpu.vector_load %arg9[%get3A_335, %get3A_336] {strides = array<i32>} : memref<128x128xf32, #tpu.memory_space<vmem>>, vector<1x16xf32>,
        %get3A_338 = vector.shape_cast %get3A_337 : vector<1x16xf32> to vector<16xf32>
        %sub3A_339 = arith.subf %get3A_330, %get3A_338 : vector<16xf32>
        %mul3A_340 = arith.mulf %sub3A_339, %sub3A_339 : vector<16xf32>
        %add3A_341 = arith.addf %scan3A_273, %mul3A_340 : vector<16xf32>
        %add3A_342 = arith.constant 3 : i32
        %add3A_343 = arith.addi %mul3A_139, %add3A_342 : i32
        %mul3A_344 = arith.constant 16 : i32
        %mul3A_345 = arith.muli %scan3A_270, %mul3A_344 : i32
        %get3A_346 = arith.index_cast %add3A_343 : i32 to index
        %get3A_347 = arith.index_cast %mul3A_345 : i32 to index
        %get3A_348 = tpu.vector_load %arg7[%get3A_346, %get3A_347] {strides = array<i32>} : memref<128x128xf32, #tpu.memory_space<vmem>>, vector<1x16xf32>,
        %get3A_349 = vector.shape_cast %get3A_348 : vector<1x16xf32> to vector<16xf32>
        %add3A_350 = arith.constant 3 : i32
        %add3A_351 = arith.addi %mul3A_139, %add3A_350 : i32
        %mul3A_352 = arith.constant 16 : i32
        %mul3A_353 = arith.muli %scan3A_270, %mul3A_352 : i32
        %get3A_354 = arith.index_cast %add3A_351 : i32 to index
        %get3A_355 = arith.index_cast %mul3A_353 : i32 to index
        %get3A_356 = tpu.vector_load %arg9[%get3A_354, %get3A_355] {strides = array<i32>} : memref<128x128xf32, #tpu.memory_space<vmem>>, vector<1x16xf32>,
        %get3A_357 = vector.shape_cast %get3A_356 : vector<1x16xf32> to vector<16xf32>
        %sub3A_358 = arith.subf %get3A_349, %get3A_357 : vector<16xf32>
        %mul3A_359 = arith.mulf %sub3A_358, %sub3A_358 : vector<16xf32>
        %add3A_360 = arith.addf %scan3A_274, %mul3A_359 : vector<16xf32>
        %add3A_361 = arith.constant 4 : i32
        %add3A_362 = arith.addi %mul3A_139, %add3A_361 : i32
        %mul3A_363 = arith.constant 16 : i32
        %mul3A_364 = arith.muli %scan3A_270, %mul3A_363 : i32
        %get3A_365 = arith.index_cast %add3A_362 : i32 to index
        %get3A_366 = arith.index_cast %mul3A_364 : i32 to index
        %get3A_367 = tpu.vector_load %arg7[%get3A_365, %get3A_366] {strides = array<i32>} : memref<128x128xf32, #tpu.memory_space<vmem>>, vector<1x16xf32>,
        %get3A_368 = vector.shape_cast %get3A_367 : vector<1x16xf32> to vector<16xf32>
        %add3A_369 = arith.constant 4 : i32
        %add3A_370 = arith.addi %mul3A_139, %add3A_369 : i32
        %mul3A_371 = arith.constant 16 : i32
        %mul3A_372 = arith.muli %scan3A_270, %mul3A_371 : i32
        %get3A_373 = arith.index_cast %add3A_370 : i32 to index
        %get3A_374 = arith.index_cast %mul3A_372 : i32 to index
        %get3A_375 = tpu.vector_load %arg9[%get3A_373, %get3A_374] {strides = array<i32>} : memref<128x128xf32, #tpu.memory_space<vmem>>, vector<1x16xf32>,
        %get3A_376 = vector.shape_cast %get3A_375 : vector<1x16xf32> to vector<16xf32>
        %sub3A_377 = arith.subf %get3A_368, %get3A_376 : vector<16xf32>
        %mul3A_378 = arith.mulf %sub3A_377, %sub3A_377 : vector<16xf32>
        %add3A_379 = arith.addf %scan3A_275, %mul3A_378 : vector<16xf32>
        %add3A_380 = arith.constant 5 : i32
        %add3A_381 = arith.addi %mul3A_139, %add3A_380 : i32
        %mul3A_382 = arith.constant 16 : i32
        %mul3A_383 = arith.muli %scan3A_270, %mul3A_382 : i32
        %get3A_384 = arith.index_cast %add3A_381 : i32 to index
        %get3A_385 = arith.index_cast %mul3A_383 : i32 to index
        %get3A_386 = tpu.vector_load %arg7[%get3A_384, %get3A_385] {strides = array<i32>} : memref<128x128xf32, #tpu.memory_space<vmem>>, vector<1x16xf32>,
        %get3A_387 = vector.shape_cast %get3A_386 : vector<1x16xf32> to vector<16xf32>
        %add3A_388 = arith.constant 5 : i32
        %add3A_389 = arith.addi %mul3A_139, %add3A_388 : i32
        %mul3A_390 = arith.constant 16 : i32
        %mul3A_391 = arith.muli %scan3A_270, %mul3A_390 : i32
        %get3A_392 = arith.index_cast %add3A_389 : i32 to index
        %get3A_393 = arith.index_cast %mul3A_391 : i32 to index
        %get3A_394 = tpu.vector_load %arg9[%get3A_392, %get3A_393] {strides = array<i32>} : memref<128x128xf32, #tpu.memory_space<vmem>>, vector<1x16xf32>,
        %get3A_395 = vector.shape_cast %get3A_394 : vector<1x16xf32> to vector<16xf32>
        %sub3A_396 = arith.subf %get3A_387, %get3A_395 : vector<16xf32>
        %mul3A_397 = arith.mulf %sub3A_396, %sub3A_396 : vector<16xf32>
        %add3A_398 = arith.addf %scan3A_276, %mul3A_397 : vector<16xf32>
        %add3A_399 = arith.constant 6 : i32
        %add3A_400 = arith.addi %mul3A_139, %add3A_399 : i32
        %mul3A_401 = arith.constant 16 : i32
        %mul3A_402 = arith.muli %scan3A_270, %mul3A_401 : i32
        %get3A_403 = arith.index_cast %add3A_400 : i32 to index
        %get3A_404 = arith.index_cast %mul3A_402 : i32 to index
        %get3A_405 = tpu.vector_load %arg7[%get3A_403, %get3A_404] {strides = array<i32>} : memref<128x128xf32, #tpu.memory_space<vmem>>, vector<1x16xf32>,
        %get3A_406 = vector.shape_cast %get3A_405 : vector<1x16xf32> to vector<16xf32>
        %add3A_407 = arith.constant 6 : i32
        %add3A_408 = arith.addi %mul3A_139, %add3A_407 : i32
        %mul3A_409 = arith.constant 16 : i32
        %mul3A_410 = arith.muli %scan3A_270, %mul3A_409 : i32
        %get3A_411 = arith.index_cast %add3A_408 : i32 to index
        %get3A_412 = arith.index_cast %mul3A_410 : i32 to index
        %get3A_413 = tpu.vector_load %arg9[%get3A_411, %get3A_412] {strides = array<i32>} : memref<128x128xf32, #tpu.memory_space<vmem>>, vector<1x16xf32>,
        %get3A_414 = vector.shape_cast %get3A_413 : vector<1x16xf32> to vector<16xf32>
        %sub3A_415 = arith.subf %get3A_406, %get3A_414 : vector<16xf32>
        %mul3A_416 = arith.mulf %sub3A_415, %sub3A_415 : vector<16xf32>
        %add3A_417 = arith.addf %scan3A_277, %mul3A_416 : vector<16xf32>
        %add3A_418 = arith.constant 7 : i32
        %add3A_419 = arith.addi %mul3A_139, %add3A_418 : i32
        %mul3A_420 = arith.constant 16 : i32
        %mul3A_421 = arith.muli %scan3A_270, %mul3A_420 : i32
        %get3A_422 = arith.index_cast %add3A_419 : i32 to index
        %get3A_423 = arith.index_cast %mul3A_421 : i32 to index
        %get3A_424 = tpu.vector_load %arg7[%get3A_422, %get3A_423] {strides = array<i32>} : memref<128x128xf32, #tpu.memory_space<vmem>>, vector<1x16xf32>,
        %get3A_425 = vector.shape_cast %get3A_424 : vector<1x16xf32> to vector<16xf32>
        %add3A_426 = arith.constant 7 : i32
        %add3A_427 = arith.addi %mul3A_139, %add3A_426 : i32
        %mul3A_428 = arith.constant 16 : i32
        %mul3A_429 = arith.muli %scan3A_270, %mul3A_428 : i32
        %get3A_430 = arith.index_cast %add3A_427 : i32 to index
        %get3A_431 = arith.index_cast %mul3A_429 : i32 to index
        %get3A_432 = tpu.vector_load %arg9[%get3A_430, %get3A_431] {strides = array<i32>} : memref<128x128xf32, #tpu.memory_space<vmem>>, vector<1x16xf32>,
        %get3A_433 = vector.shape_cast %get3A_432 : vector<1x16xf32> to vector<16xf32>
        %sub3A_434 = arith.subf %get3A_425, %get3A_433 : vector<16xf32>
        %mul3A_435 = arith.mulf %sub3A_434, %sub3A_434 : vector<16xf32>
        %add3A_436 = arith.addf %scan3A_278, %mul3A_435 : vector<16xf32>
        %add3A_437 = arith.constant 8 : i32
        %add3A_438 = arith.addi %mul3A_139, %add3A_437 : i32
        %mul3A_439 = arith.constant 16 : i32
        %mul3A_440 = arith.muli %scan3A_270, %mul3A_439 : i32
        %get3A_441 = arith.index_cast %add3A_438 : i32 to index
        %get3A_442 = arith.index_cast %mul3A_440 : i32 to index
        %get3A_443 = tpu.vector_load %arg7[%get3A_441, %get3A_442] {strides = array<i32>} : memref<128x128xf32, #tpu.memory_space<vmem>>, vector<1x16xf32>,
        %get3A_444 = vector.shape_cast %get3A_443 : vector<1x16xf32> to vector<16xf32>
        %add3A_445 = arith.constant 8 : i32
        %add3A_446 = arith.addi %mul3A_139, %add3A_445 : i32
        %mul3A_447 = arith.constant 16 : i32
        %mul3A_448 = arith.muli %scan3A_270, %mul3A_447 : i32
        %get3A_449 = arith.index_cast %add3A_446 : i32 to index
        %get3A_450 = arith.index_cast %mul3A_448 : i32 to index
        %get3A_451 = tpu.vector_load %arg9[%get3A_449, %get3A_450] {strides = array<i32>} : memref<128x128xf32, #tpu.memory_space<vmem>>, vector<1x16xf32>,
        %get3A_452 = vector.shape_cast %get3A_451 : vector<1x16xf32> to vector<16xf32>
        %sub3A_453 = arith.subf %get3A_444, %get3A_452 : vector<16xf32>
        %mul3A_454 = arith.mulf %sub3A_453, %sub3A_453 : vector<16xf32>
        %add3A_455 = arith.addf %scan3A_279, %mul3A_454 : vector<16xf32>
        %add3A_456 = arith.constant 9 : i32
        %add3A_457 = arith.addi %mul3A_139, %add3A_456 : i32
        %mul3A_458 = arith.constant 16 : i32
        %mul3A_459 = arith.muli %scan3A_270, %mul3A_458 : i32
        %get3A_460 = arith.index_cast %add3A_457 : i32 to index
        %get3A_461 = arith.index_cast %mul3A_459 : i32 to index
        %get3A_462 = tpu.vector_load %arg7[%get3A_460, %get3A_461] {strides = array<i32>} : memref<128x128xf32, #tpu.memory_space<vmem>>, vector<1x16xf32>,
        %get3A_463 = vector.shape_cast %get3A_462 : vector<1x16xf32> to vector<16xf32>
        %add3A_464 = arith.constant 9 : i32
        %add3A_465 = arith.addi %mul3A_139, %add3A_464 : i32
        %mul3A_466 = arith.constant 16 : i32
        %mul3A_467 = arith.muli %scan3A_270, %mul3A_466 : i32
        %get3A_468 = arith.index_cast %add3A_465 : i32 to index
        %get3A_469 = arith.index_cast %mul3A_467 : i32 to index
        %get3A_470 = tpu.vector_load %arg9[%get3A_468, %get3A_469] {strides = array<i32>} : memref<128x128xf32, #tpu.memory_space<vmem>>, vector<1x16xf32>,
        %get3A_471 = vector.shape_cast %get3A_470 : vector<1x16xf32> to vector<16xf32>
        %sub3A_472 = arith.subf %get3A_463, %get3A_471 : vector<16xf32>
        %mul3A_473 = arith.mulf %sub3A_472, %sub3A_472 : vector<16xf32>
        %add3A_474 = arith.addf %scan3A_280, %mul3A_473 : vector<16xf32>
        %add3A_475 = arith.constant 10 : i32
        %add3A_476 = arith.addi %mul3A_139, %add3A_475 : i32
        %mul3A_477 = arith.constant 16 : i32
        %mul3A_478 = arith.muli %scan3A_270, %mul3A_477 : i32
        %get3A_479 = arith.index_cast %add3A_476 : i32 to index
        %get3A_480 = arith.index_cast %mul3A_478 : i32 to index
        %get3A_481 = tpu.vector_load %arg7[%get3A_479, %get3A_480] {strides = array<i32>} : memref<128x128xf32, #tpu.memory_space<vmem>>, vector<1x16xf32>,
        %get3A_482 = vector.shape_cast %get3A_481 : vector<1x16xf32> to vector<16xf32>
        %add3A_483 = arith.constant 10 : i32
        %add3A_484 = arith.addi %mul3A_139, %add3A_483 : i32
        %mul3A_485 = arith.constant 16 : i32
        %mul3A_486 = arith.muli %scan3A_270, %mul3A_485 : i32
        %get3A_487 = arith.index_cast %add3A_484 : i32 to index
        %get3A_488 = arith.index_cast %mul3A_486 : i32 to index
        %get3A_489 = tpu.vector_load %arg9[%get3A_487, %get3A_488] {strides = array<i32>} : memref<128x128xf32, #tpu.memory_space<vmem>>, vector<1x16xf32>,
        %get3A_490 = vector.shape_cast %get3A_489 : vector<1x16xf32> to vector<16xf32>
        %sub3A_491 = arith.subf %get3A_482, %get3A_490 : vector<16xf32>
        %mul3A_492 = arith.mulf %sub3A_491, %sub3A_491 : vector<16xf32>
        %add3A_493 = arith.addf %scan3A_281, %mul3A_492 : vector<16xf32>
        %add3A_494 = arith.constant 11 : i32
        %add3A_495 = arith.addi %mul3A_139, %add3A_494 : i32
        %mul3A_496 = arith.constant 16 : i32
        %mul3A_497 = arith.muli %scan3A_270, %mul3A_496 : i32
        %get3A_498 = arith.index_cast %add3A_495 : i32 to index
        %get3A_499 = arith.index_cast %mul3A_497 : i32 to index
        %get3A_500 = tpu.vector_load %arg7[%get3A_498, %get3A_499] {strides = array<i32>} : memref<128x128xf32, #tpu.memory_space<vmem>>, vector<1x16xf32>,
        %get3A_501 = vector.shape_cast %get3A_500 : vector<1x16xf32> to vector<16xf32>
        %add3A_502 = arith.constant 11 : i32
        %add3A_503 = arith.addi %mul3A_139, %add3A_502 : i32
        %mul3A_504 = arith.constant 16 : i32
        %mul3A_505 = arith.muli %scan3A_270, %mul3A_504 : i32
        %get3A_506 = arith.index_cast %add3A_503 : i32 to index
        %get3A_507 = arith.index_cast %mul3A_505 : i32 to index
        %get3A_508 = tpu.vector_load %arg9[%get3A_506, %get3A_507] {strides = array<i32>} : memref<128x128xf32, #tpu.memory_space<vmem>>, vector<1x16xf32>,
        %get3A_509 = vector.shape_cast %get3A_508 : vector<1x16xf32> to vector<16xf32>
        %sub3A_510 = arith.subf %get3A_501, %get3A_509 : vector<16xf32>
        %mul3A_511 = arith.mulf %sub3A_510, %sub3A_510 : vector<16xf32>
        %add3A_512 = arith.addf %scan3A_282, %mul3A_511 : vector<16xf32>
        %add3A_513 = arith.constant 12 : i32
        %add3A_514 = arith.addi %mul3A_139, %add3A_513 : i32
        %mul3A_515 = arith.constant 16 : i32
        %mul3A_516 = arith.muli %scan3A_270, %mul3A_515 : i32
        %get3A_517 = arith.index_cast %add3A_514 : i32 to index
        %get3A_518 = arith.index_cast %mul3A_516 : i32 to index
        %get3A_519 = tpu.vector_load %arg7[%get3A_517, %get3A_518] {strides = array<i32>} : memref<128x128xf32, #tpu.memory_space<vmem>>, vector<1x16xf32>,
        %get3A_520 = vector.shape_cast %get3A_519 : vector<1x16xf32> to vector<16xf32>
        %add3A_521 = arith.constant 12 : i32
        %add3A_522 = arith.addi %mul3A_139, %add3A_521 : i32
        %mul3A_523 = arith.constant 16 : i32
        %mul3A_524 = arith.muli %scan3A_270, %mul3A_523 : i32
        %get3A_525 = arith.index_cast %add3A_522 : i32 to index
        %get3A_526 = arith.index_cast %mul3A_524 : i32 to index
        %get3A_527 = tpu.vector_load %arg9[%get3A_525, %get3A_526] {strides = array<i32>} : memref<128x128xf32, #tpu.memory_space<vmem>>, vector<1x16xf32>,
        %get3A_528 = vector.shape_cast %get3A_527 : vector<1x16xf32> to vector<16xf32>
        %sub3A_529 = arith.subf %get3A_520, %get3A_528 : vector<16xf32>
        %mul3A_530 = arith.mulf %sub3A_529, %sub3A_529 : vector<16xf32>
        %add3A_531 = arith.addf %scan3A_283, %mul3A_530 : vector<16xf32>
        %add3A_532 = arith.constant 13 : i32
        %add3A_533 = arith.addi %mul3A_139, %add3A_532 : i32
        %mul3A_534 = arith.constant 16 : i32
        %mul3A_535 = arith.muli %scan3A_270, %mul3A_534 : i32
        %get3A_536 = arith.index_cast %add3A_533 : i32 to index
        %get3A_537 = arith.index_cast %mul3A_535 : i32 to index
        %get3A_538 = tpu.vector_load %arg7[%get3A_536, %get3A_537] {strides = array<i32>} : memref<128x128xf32, #tpu.memory_space<vmem>>, vector<1x16xf32>,
        %get3A_539 = vector.shape_cast %get3A_538 : vector<1x16xf32> to vector<16xf32>
        %add3A_540 = arith.constant 13 : i32
        %add3A_541 = arith.addi %mul3A_139, %add3A_540 : i32
        %mul3A_542 = arith.constant 16 : i32
        %mul3A_543 = arith.muli %scan3A_270, %mul3A_542 : i32
        %get3A_544 = arith.index_cast %add3A_541 : i32 to index
        %get3A_545 = arith.index_cast %mul3A_543 : i32 to index
        %get3A_546 = tpu.vector_load %arg9[%get3A_544, %get3A_545] {strides = array<i32>} : memref<128x128xf32, #tpu.memory_space<vmem>>, vector<1x16xf32>,
        %get3A_547 = vector.shape_cast %get3A_546 : vector<1x16xf32> to vector<16xf32>
        %sub3A_548 = arith.subf %get3A_539, %get3A_547 : vector<16xf32>
        %mul3A_549 = arith.mulf %sub3A_548, %sub3A_548 : vector<16xf32>
        %add3A_550 = arith.addf %scan3A_284, %mul3A_549 : vector<16xf32>
        %add3A_551 = arith.constant 14 : i32
        %add3A_552 = arith.addi %mul3A_139, %add3A_551 : i32
        %mul3A_553 = arith.constant 16 : i32
        %mul3A_554 = arith.muli %scan3A_270, %mul3A_553 : i32
        %get3A_555 = arith.index_cast %add3A_552 : i32 to index
        %get3A_556 = arith.index_cast %mul3A_554 : i32 to index
        %get3A_557 = tpu.vector_load %arg7[%get3A_555, %get3A_556] {strides = array<i32>} : memref<128x128xf32, #tpu.memory_space<vmem>>, vector<1x16xf32>,
        %get3A_558 = vector.shape_cast %get3A_557 : vector<1x16xf32> to vector<16xf32>
        %add3A_559 = arith.constant 14 : i32
        %add3A_560 = arith.addi %mul3A_139, %add3A_559 : i32
        %mul3A_561 = arith.constant 16 : i32
        %mul3A_562 = arith.muli %scan3A_270, %mul3A_561 : i32
        %get3A_563 = arith.index_cast %add3A_560 : i32 to index
        %get3A_564 = arith.index_cast %mul3A_562 : i32 to index
        %get3A_565 = tpu.vector_load %arg9[%get3A_563, %get3A_564] {strides = array<i32>} : memref<128x128xf32, #tpu.memory_space<vmem>>, vector<1x16xf32>,
        %get3A_566 = vector.shape_cast %get3A_565 : vector<1x16xf32> to vector<16xf32>
        %sub3A_567 = arith.subf %get3A_558, %get3A_566 : vector<16xf32>
        %mul3A_568 = arith.mulf %sub3A_567, %sub3A_567 : vector<16xf32>
        %add3A_569 = arith.addf %scan3A_285, %mul3A_568 : vector<16xf32>
        %add3A_570 = arith.constant 15 : i32
        %add3A_571 = arith.addi %mul3A_139, %add3A_570 : i32
        %mul3A_572 = arith.constant 16 : i32
        %mul3A_573 = arith.muli %scan3A_270, %mul3A_572 : i32
        %get3A_574 = arith.index_cast %add3A_571 : i32 to index
        %get3A_575 = arith.index_cast %mul3A_573 : i32 to index
        %get3A_576 = tpu.vector_load %arg7[%get3A_574, %get3A_575] {strides = array<i32>} : memref<128x128xf32, #tpu.memory_space<vmem>>, vector<1x16xf32>,
        %get3A_577 = vector.shape_cast %get3A_576 : vector<1x16xf32> to vector<16xf32>
        %add3A_578 = arith.constant 15 : i32
        %add3A_579 = arith.addi %mul3A_139, %add3A_578 : i32
        %mul3A_580 = arith.constant 16 : i32
        %mul3A_581 = arith.muli %scan3A_270, %mul3A_580 : i32
        %get3A_582 = arith.index_cast %add3A_579 : i32 to index
        %get3A_583 = arith.index_cast %mul3A_581 : i32 to index
        %get3A_584 = tpu.vector_load %arg9[%get3A_582, %get3A_583] {strides = array<i32>} : memref<128x128xf32, #tpu.memory_space<vmem>>, vector<1x16xf32>,
        %get3A_585 = vector.shape_cast %get3A_584 : vector<1x16xf32> to vector<16xf32>
        %sub3A_586 = arith.subf %get3A_577, %get3A_585 : vector<16xf32>
        %mul3A_587 = arith.mulf %sub3A_586, %sub3A_586 : vector<16xf32>
        %add3A_588 = arith.addf %scan3A_286, %mul3A_587 : vector<16xf32>
        scf.yield %add3A_303, %add3A_322, %add3A_341, %add3A_360, %add3A_379, %add3A_398, %add3A_417, %add3A_436, %add3A_455, %add3A_474, %add3A_493, %add3A_512, %add3A_531, %add3A_550, %add3A_569, %add3A_588 : vector<16xf32>, vector<16xf32>, vector<16xf32>, vector<16xf32>, vector<16xf32>, vector<16xf32>, vector<16xf32>, vector<16xf32>, vector<16xf32>, vector<16xf32>, vector<16xf32>, vector<16xf32>, vector<16xf32>, vector<16xf32>, vector<16xf32>, vector<16xf32>
      }
      %scan3A_176 = arith.constant 8 : i32
      %select_n3A = arith.select %eq3A_17, %scan3A_175#0, %scan3A_175#1 : vector<16xi1>, vector<16xf32>
      %select_n3A_177 = arith.select %eq3A_17, %scan3A_175#1, %scan3A_175#0 : vector<16xi1>, vector<16xf32>
      %broadcast_in_dim3A_178 = vector.shape_cast %xor3A_4 : vector<16xi32> to vector<16x1xi32>
      %gather3A = vector.shape_cast %broadcast_in_dim3A_178 : vector<16x1xi32> to vector<16xi32>
      %gather3A_179 = tpu.dynamic_gather %select_n3A_177[%gather3A] in [0] : vector<16xf32>, vector<16xi32> -> vector<16xf32>
      %add3A_180 = arith.addf %select_n3A, %gather3A_179 : vector<16xf32>
      %select_n3A_181 = arith.select %eq3A_17, %scan3A_175#2, %scan3A_175#3 : vector<16xi1>, vector<16xf32>
      %select_n3A_182 = arith.select %eq3A_17, %scan3A_175#3, %scan3A_175#2 : vector<16xi1>, vector<16xf32>
      %broadcast_in_dim3A_183 = vector.shape_cast %xor3A_4 : vector<16xi32> to vector<16x1xi32>
      %gather3A_184 = vector.shape_cast %broadcast_in_dim3A_183 : vector<16x1xi32> to vector<16xi32>
      %gather3A_185 = tpu.dynamic_gather %select_n3A_182[%gather3A_184] in [0] : vector<16xf32>, vector<16xi32> -> vector<16xf32>
      %add3A_186 = arith.addf %select_n3A_181, %gather3A_185 : vector<16xf32>
      %select_n3A_187 = arith.select %eq3A_17, %scan3A_175#4, %scan3A_175#5 : vector<16xi1>, vector<16xf32>
      %select_n3A_188 = arith.select %eq3A_17, %scan3A_175#5, %scan3A_175#4 : vector<16xi1>, vector<16xf32>
      %broadcast_in_dim3A_189 = vector.shape_cast %xor3A_4 : vector<16xi32> to vector<16x1xi32>
      %gather3A_190 = vector.shape_cast %broadcast_in_dim3A_189 : vector<16x1xi32> to vector<16xi32>
      %gather3A_191 = tpu.dynamic_gather %select_n3A_188[%gather3A_190] in [0] : vector<16xf32>, vector<16xi32> -> vector<16xf32>
      %add3A_192 = arith.addf %select_n3A_187, %gather3A_191 : vector<16xf32>
      %select_n3A_193 = arith.select %eq3A_17, %scan3A_175#6, %scan3A_175#7 : vector<16xi1>, vector<16xf32>
      %select_n3A_194 = arith.select %eq3A_17, %scan3A_175#7, %scan3A_175#6 : vector<16xi1>, vector<16xf32>
      %broadcast_in_dim3A_195 = vector.shape_cast %xor3A_4 : vector<16xi32> to vector<16x1xi32>
      %gather3A_196 = vector.shape_cast %broadcast_in_dim3A_195 : vector<16x1xi32> to vector<16xi32>
      %gather3A_197 = tpu.dynamic_gather %select_n3A_194[%gather3A_196] in [0] : vector<16xf32>, vector<16xi32> -> vector<16xf32>
      %add3A_198 = arith.addf %select_n3A_193, %gather3A_197 : vector<16xf32>
      %select_n3A_199 = arith.select %eq3A_17, %scan3A_175#8, %scan3A_175#9 : vector<16xi1>, vector<16xf32>
      %select_n3A_200 = arith.select %eq3A_17, %scan3A_175#9, %scan3A_175#8 : vector<16xi1>, vector<16xf32>
      %broadcast_in_dim3A_201 = vector.shape_cast %xor3A_4 : vector<16xi32> to vector<16x1xi32>
      %gather3A_202 = vector.shape_cast %broadcast_in_dim3A_201 : vector<16x1xi32> to vector<16xi32>
      %gather3A_203 = tpu.dynamic_gather %select_n3A_200[%gather3A_202] in [0] : vector<16xf32>, vector<16xi32> -> vector<16xf32>
      %add3A_204 = arith.addf %select_n3A_199, %gather3A_203 : vector<16xf32>
      %select_n3A_205 = arith.select %eq3A_17, %scan3A_175#10, %scan3A_175#11 : vector<16xi1>, vector<16xf32>
      %select_n3A_206 = arith.select %eq3A_17, %scan3A_175#11, %scan3A_175#10 : vector<16xi1>, vector<16xf32>
      %broadcast_in_dim3A_207 = vector.shape_cast %xor3A_4 : vector<16xi32> to vector<16x1xi32>
      %gather3A_208 = vector.shape_cast %broadcast_in_dim3A_207 : vector<16x1xi32> to vector<16xi32>
      %gather3A_209 = tpu.dynamic_gather %select_n3A_206[%gather3A_208] in [0] : vector<16xf32>, vector<16xi32> -> vector<16xf32>
      %add3A_210 = arith.addf %select_n3A_205, %gather3A_209 : vector<16xf32>
      %select_n3A_211 = arith.select %eq3A_17, %scan3A_175#12, %scan3A_175#13 : vector<16xi1>, vector<16xf32>
      %select_n3A_212 = arith.select %eq3A_17, %scan3A_175#13, %scan3A_175#12 : vector<16xi1>, vector<16xf32>
      %broadcast_in_dim3A_213 = vector.shape_cast %xor3A_4 : vector<16xi32> to vector<16x1xi32>
      %gather3A_214 = vector.shape_cast %broadcast_in_dim3A_213 : vector<16x1xi32> to vector<16xi32>
      %gather3A_215 = tpu.dynamic_gather %select_n3A_212[%gather3A_214] in [0] : vector<16xf32>, vector<16xi32> -> vector<16xf32>
      %add3A_216 = arith.addf %select_n3A_211, %gather3A_215 : vector<16xf32>
      %select_n3A_217 = arith.select %eq3A_17, %scan3A_175#14, %scan3A_175#15 : vector<16xi1>, vector<16xf32>
      %select_n3A_218 = arith.select %eq3A_17, %scan3A_175#15, %scan3A_175#14 : vector<16xi1>, vector<16xf32>
      %broadcast_in_dim3A_219 = vector.shape_cast %xor3A_4 : vector<16xi32> to vector<16x1xi32>
      %gather3A_220 = vector.shape_cast %broadcast_in_dim3A_219 : vector<16x1xi32> to vector<16xi32>
      %gather3A_221 = tpu.dynamic_gather %select_n3A_218[%gather3A_220] in [0] : vector<16xf32>, vector<16xi32> -> vector<16xf32>
      %add3A_222 = arith.addf %select_n3A_217, %gather3A_221 : vector<16xf32>
      %select_n3A_223 = arith.select %eq3A_23, %add3A_180, %add3A_186 : vector<16xi1>, vector<16xf32>
      %select_n3A_224 = arith.select %eq3A_23, %add3A_186, %add3A_180 : vector<16xi1>, vector<16xf32>
      %broadcast_in_dim3A_225 = vector.shape_cast %xor3A_7 : vector<16xi32> to vector<16x1xi32>
      %gather3A_226 = vector.shape_cast %broadcast_in_dim3A_225 : vector<16x1xi32> to vector<16xi32>
      %gather3A_227 = tpu.dynamic_gather %select_n3A_224[%gather3A_226] in [0] : vector<16xf32>, vector<16xi32> -> vector<16xf32>
      %add3A_228 = arith.addf %select_n3A_223, %gather3A_227 : vector<16xf32>
      %select_n3A_229 = arith.select %eq3A_23, %add3A_192, %add3A_198 : vector<16xi1>, vector<16xf32>
      %select_n3A_230 = arith.select %eq3A_23, %add3A_198, %add3A_192 : vector<16xi1>, vector<16xf32>
      %broadcast_in_dim3A_231 = vector.shape_cast %xor3A_7 : vector<16xi32> to vector<16x1xi32>
      %gather3A_232 = vector.shape_cast %broadcast_in_dim3A_231 : vector<16x1xi32> to vector<16xi32>
      %gather3A_233 = tpu.dynamic_gather %select_n3A_230[%gather3A_232] in [0] : vector<16xf32>, vector<16xi32> -> vector<16xf32>
      %add3A_234 = arith.addf %select_n3A_229, %gather3A_233 : vector<16xf32>
      %select_n3A_235 = arith.select %eq3A_23, %add3A_204, %add3A_210 : vector<16xi1>, vector<16xf32>
      %select_n3A_236 = arith.select %eq3A_23, %add3A_210, %add3A_204 : vector<16xi1>, vector<16xf32>
      %broadcast_in_dim3A_237 = vector.shape_cast %xor3A_7 : vector<16xi32> to vector<16x1xi32>
      %gather3A_238 = vector.shape_cast %broadcast_in_dim3A_237 : vector<16x1xi32> to vector<16xi32>
      %gather3A_239 = tpu.dynamic_gather %select_n3A_236[%gather3A_238] in [0] : vector<16xf32>, vector<16xi32> -> vector<16xf32>
      %add3A_240 = arith.addf %select_n3A_235, %gather3A_239 : vector<16xf32>
      %select_n3A_241 = arith.select %eq3A_23, %add3A_216, %add3A_222 : vector<16xi1>, vector<16xf32>
      %select_n3A_242 = arith.select %eq3A_23, %add3A_222, %add3A_216 : vector<16xi1>, vector<16xf32>
      %broadcast_in_dim3A_243 = vector.shape_cast %xor3A_7 : vector<16xi32> to vector<16x1xi32>
      %gather3A_244 = vector.shape_cast %broadcast_in_dim3A_243 : vector<16x1xi32> to vector<16xi32>
      %gather3A_245 = tpu.dynamic_gather %select_n3A_242[%gather3A_244] in [0] : vector<16xf32>, vector<16xi32> -> vector<16xf32>
      %add3A_246 = arith.addf %select_n3A_241, %gather3A_245 : vector<16xf32>
      %select_n3A_247 = arith.select %eq3A_29, %add3A_228, %add3A_234 : vector<16xi1>, vector<16xf32>
      %select_n3A_248 = arith.select %eq3A_29, %add3A_234, %add3A_228 : vector<16xi1>, vector<16xf32>
      %broadcast_in_dim3A_249 = vector.shape_cast %xor3A_10 : vector<16xi32> to vector<16x1xi32>
      %gather3A_250 = vector.shape_cast %broadcast_in_dim3A_249 : vector<16x1xi32> to vector<16xi32>
      %gather3A_251 = tpu.dynamic_gather %select_n3A_248[%gather3A_250] in [0] : vector<16xf32>, vector<16xi32> -> vector<16xf32>
      %add3A_252 = arith.addf %select_n3A_247, %gather3A_251 : vector<16xf32>
      %select_n3A_253 = arith.select %eq3A_29, %add3A_240, %add3A_246 : vector<16xi1>, vector<16xf32>
      %select_n3A_254 = arith.select %eq3A_29, %add3A_246, %add3A_240 : vector<16xi1>, vector<16xf32>
      %broadcast_in_dim3A_255 = vector.shape_cast %xor3A_10 : vector<16xi32> to vector<16x1xi32>
      %gather3A_256 = vector.shape_cast %broadcast_in_dim3A_255 : vector<16x1xi32> to vector<16xi32>
      %gather3A_257 = tpu.dynamic_gather %select_n3A_254[%gather3A_256] in [0] : vector<16xf32>, vector<16xi32> -> vector<16xf32>
      %add3A_258 = arith.addf %select_n3A_253, %gather3A_257 : vector<16xf32>
      %select_n3A_259 = arith.select %eq3A_35, %add3A_252, %add3A_258 : vector<16xi1>, vector<16xf32>
      %select_n3A_260 = arith.select %eq3A_35, %add3A_258, %add3A_252 : vector<16xi1>, vector<16xf32>
      %broadcast_in_dim3A_261 = vector.shape_cast %xor3A_13 : vector<16xi32> to vector<16x1xi32>
      %gather3A_262 = vector.shape_cast %broadcast_in_dim3A_261 : vector<16x1xi32> to vector<16xi32>
      %gather3A_263 = tpu.dynamic_gather %select_n3A_260[%gather3A_262] in [0] : vector<16xf32>, vector<16xi32> -> vector<16xf32>
      %add3A_264 = arith.addf %select_n3A_259, %gather3A_263 : vector<16xf32>
      %add3A_265 = arith.constant 384 : i32
      %add3A_266 = arith.addi %add3A_265, %mul3A_139 : i32
      %swap3A = arith.index_cast %add3A_266 : i32 to index
      %swap3A_267 = tpu.vector_load %arg11[%swap3A] {strides = array<i32>} : memref<512xf32, #tpu.memory_space<vmem>>, vector<16xf32>,
      %swap3A_268 = vector.shape_cast %swap3A_267 : vector<16xf32> to vector<16xf32>
      %swap3A_269 = vector.shape_cast %add3A_264 : vector<16xf32> to vector<16xf32>
      tpu.vector_store %arg11[%swap3A], %swap3A_269 {strides = array<i32>} : memref<512xf32, #tpu.memory_space<vmem>>, vector<16xf32>,
    }
    %scan3A_136 = arith.constant 8 : i32
    "tpu.region"() ({
      %run_scoped3A = tpu.sem_alloc : memref<!tpu.dma_semaphore, #tpu.memory_space<semaphore_mem>>
      %dma_start3A_137 = tpu.memref_slice %arg5[%mul3A_2] : memref<16384xf32, #tpu.memory_space<hbm>> -> memref<512xf32, #tpu.memory_space<hbm>>
      %dma_start3A_138 = tpu.memref_slice %arg5[%mul3A_2] : memref<16384xf32, #tpu.memory_space<hbm>> -> memref<512xf32, #tpu.memory_space<hbm>>
      tpu.enqueue_dma source(%arg11 : memref<512xf32, #tpu.memory_space<vmem>>) target(%dma_start3A_138 : memref<512xf32, #tpu.memory_space<hbm>>) target_semaphore(%run_scoped3A : memref<!tpu.dma_semaphore, #tpu.memory_space<semaphore_mem>>)
      %dma_wait3A_139 = tpu.memref_slice %arg5[%mul3A_2] : memref<16384xf32, #tpu.memory_space<hbm>> -> memref<512xf32, #tpu.memory_space<hbm>>
      %dma_wait3A_140 = tpu.memref_slice %arg5[%mul3A_2] : memref<16384xf32, #tpu.memory_space<hbm>> -> memref<512xf32, #tpu.memory_space<hbm>>
      tpu.wait_dma2 semaphore(%run_scoped3A : memref<!tpu.dma_semaphore, #tpu.memory_space<semaphore_mem>>) src(%arg11 : memref<512xf32, #tpu.memory_space<vmem>>) dst(%dma_wait3A_140 : memref<512xf32, #tpu.memory_space<hbm>>)
      tpu.yield
    }) : () -> ()
    return
  }
}

module attributes {stable_mosaic.version = 14 : i64} {
  func.func @_tc_body(%arg0: memref<128x128xf32, #tpu.memory_space<vmem>>, %arg1: memref<1x1xf32, #tpu.memory_space<smem>>) attributes {dimension_semantics = [], scalar_prefetch = 0 : i64, scratch_operands = 0 : i64, tpu.core_type = #tpu.core_type<tc>} {
    %get3A = arith.constant 0 : index
    %get3A_0 = arith.constant 0 : index
    %get3A_1 = vector.load %arg0[%get3A, %get3A_0] : memref<128x128xf32, #tpu.memory_space<vmem>>, vector<128x128xf32>
    %sqrt3A = math.sqrt %get3A_1 : vector<128x128xf32>
    %jit3A = arith.constant 9.99999996E-13 : f32
    %jit3A_2 = arith.constant 9.99999995E+11 : f32
    %max3A = vector.broadcast %jit3A : f32 to vector<128x128xf32>
    %max3A_3 = arith.maximumf %max3A, %sqrt3A : vector<128x128xf32>
    %min3A = vector.broadcast %jit3A_2 : f32 to vector<128x128xf32>
    %min3A_4 = arith.minimumf %min3A, %max3A_3 : vector<128x128xf32>
    %reduce_sum3A = vector.shape_cast %min3A_4 : vector<128x128xf32> to vector<1x128x128xf32>
    %reduce_sum3A_5 = arith.constant dense<0.000000e+00> : vector<1xf32>
    %reduce_sum3A_6 = vector.multi_reduction <add>, %reduce_sum3A, %reduce_sum3A_5 [1, 2] : vector<1x128x128xf32> to vector<1xf32>
    %reduce_sum3A_7 = vector.shape_cast %reduce_sum3A_6 : vector<1xf32> to vector<1x1x1xf32>
    %reduce_sum3A_8 = vector.extract %reduce_sum3A_7[0, 0, 0] : f32 from vector<1x1x1xf32>
    %div3A = arith.constant 3.276800e+04 : f32
    %div3A_9 = arith.divf %reduce_sum3A_8, %div3A : f32
    %swap3A = arith.constant 0 : index
    %swap3A_10 = arith.constant 0 : index
    %swap3A_11 = memref.load %arg1[%swap3A, %swap3A_10] : memref<1x1xf32, #tpu.memory_space<smem>>
    memref.store %div3A_9, %arg1[%swap3A, %swap3A_10] : memref<1x1xf32, #tpu.memory_space<smem>>
    return
  }
}

</mosaic_0001>

<sc_bundles>
// kernel: kernel.4.cloned.1.call-start
scs
__scs_entry_jumppad:
0x0: {  	(pc) =	sbr.rel $0x88, $3  }
0x1: {  	(tag) =	ssettag $0x0;
	lr =	simm.s32 $0x1  }
0x2: {  	[smem:$0x3F9E] =	sst lr;
	_ =	strace $0xD0000000  }
0x3: {  	_ = 	snop  }
0x4: {  	_ = 	snop  }
0x5: {  	_ = 	snop  }
0x6: {  	_ = 	snop  }
0x7: {  	_ = 	snop  }
__scs_overlays_trampoline_lowered:
0x8: {  	[smem:$0x3FAD] =	sst s0  }
0x9: {  	[smem:$0x3FAE] =	sst s1  }
0xa: {  	[smem:$0x3FAF] =	sst s2  }
0xb: {  	[smem:$0x3FB0] =	sst s3  }
0xc: {  	[smem:$0x3FB1] =	sst s4  }
0xd: {  	[smem:$0x3FB2] =	sst s5  }
0xe: {  	[smem:$0x3FB3] =	sst s6  }
0xf: {  	[smem:$0x3FB4] =	sst s7  }
0x10: {  	[smem:$0x3FB5] =	sst s8  }
0x11: {  	[smem:$0x3FB6] =	sst s9;
	s0 =	simm.s32 @!p0 $0x0  }
0x12: {  	s1 =	sld [smem:$0x3F9C];
	s0 =	simm.s32 @p0 $0x1  }
0x13: {  	[smem:$0x3FB7] =	sst s0;
	s0 =	simm.s32 @!p1 $0x0  }
0x14: {  	s2 =	sld [smem:$0x3F9B];
	s0 =	simm.s32 @p1 $0x1  }
0x15: {  	[smem:$0x3FB8] =	sst s0;
	s0 =	simm.s32 @!p2 $0x0  }
0x16: {  	s3 =	sld [smem:$0x3FDB];
	s0 =	simm.s32 @p2 $0x1  }
0x17: {  	s4 =	simm.s32 $0x1BF5;
	[smem:$0x3FBA] =	sst s0  }
0x18: {  	s0 =	sld [smem:$0x3F9D];
	_ =	swait.ge [sflag:s4], $0x0  }
0x19: {  	s7 =	sld [smem:$0x3F9E]  }
0x1a: {  	s8 =	sadd.s32 $0xFFFFE003, lr  }
0x1b: {  	s9 =	sadd.s32 $0xFFFFFEF7, lr;
	s5 =	simm.s32 $0xFFFFFFFF;
	p2 =	slt.u32 s8, $0xFFFFF086  }
0x1c: {  	p1 =	slt.u32 s9, $0xF7A;
	s5 =	simm.s32 @!p2 $0x0  }
0x1d: {  	s5 =	simm.s32 @p1 $0x1;
	p0 =	seq.s32 s7, s2  }
0x1e: {  	s7 =	smul.u32 @!p0 $0xF7A, s2;
	p2 =	seq.s32 @!p0 s5, $0x0  }
0x1f: {  	s9 =	smul.u32 $0xF7A, s1;
	s8 =	simm.s32 @!p0 $0x1BF5;
	p2 =	por !p2, p0  }
0x20: {  	[sflag:s8] =	ssyncset.s32 @!p0 $0xFFFFF086;
	s6 =	sadd.s32 @!p0 s3, s7;
	s7 =	simm.s32 @!p0 $0x108  }
0x21: {  	s3 =	sadd.s32 s3, s9;
	s6 =	sadd.s32 @!p0 $0x88, s6;
	s7 =	simm.s32 @p2 $0x1082  }
0x22: {  	[simem:s7], [sflag:s8] =	dma.local @!p0 [hbm:s6], $0xF7A  }
0x23: {  	s9 =	sor.u32 $0xD0000000, s2;
	s6 =	simm.s32 $0x108;
	_ =	swait.ge @!p0 [sflag:s8], $0x0  }
0x24: {  	s3 =	sadd.s32 $0x88, s3;
	s6 =	simm.s32 @!p1 $0x1082;
	[sflag:s4] =	ssyncset.s32 $0xFFFFF086  }
0x25: {  	[simem:s6], [sflag:s4] =	dma.local [hbm:s3], $0xF7A  }
0x26: {  	[smem:$0x3F9E] =	sst s1;
	(tag) =	ssettag s2;
	_ =	strace s9  }
0x27: {  	s1 =	sld [smem:$0x3FAE]  }
0x28: {  	s2 =	sld [smem:$0x3FAF]  }
0x29: {  	s4 =	sld [smem:$0x3FB1]  }
0x2a: {  	p0 =	seq.s32 s5, $0x0;
	s5 =	sld [smem:$0x3FB2]  }
0x2b: {  	s6 =	sld [smem:$0x3FB3]  }
0x2c: {  	s7 =	sld [smem:$0x3FB4]  }
0x2d: {  	s3 =	simm.s32 $0x108;
	s8 =	sld [smem:$0x3FB5]  }
0x2e: {  	s3 =	simm.s32 @!p0 $0x1082;
	s9 =	sld [smem:$0x3FB6]  }
0x2f: {  	lr =	sadd.s32 s0, s3;
	s0 =	sld [smem:$0x3FAD]  }
0x30: {  	s3 =	sld [smem:$0x3FB0]  }
0x31: {  	[smem:$0x3FB9] =	sst s10  }
0x32: {  	s10 =	sld [smem:$0x3FB7];
	_ =	sdelay $0x3  }
0x33: {  	p0 =	seq.s32 s10, $0x1;
	s10 =	sld [smem:$0x3FB9];
	_ =	sdelay $0x3  }
0x34: {  	[smem:$0x3FB9] =	sst s10  }
0x35: {  	s10 =	sld [smem:$0x3FB8];
	_ =	sdelay $0x3  }
0x36: {  	p1 =	seq.s32 s10, $0x1;
	s10 =	sld [smem:$0x3FB9];
	_ =	sdelay $0x3  }
0x37: {  	[smem:$0x3FB9] =	sst s10  }
0x38: {  	s10 =	sld [smem:$0x3FBA]  }
0x39: {  	_ = 	snop;
	(pc) =	sbr.ind lr, $3  }
0x3a: {  	_ = 	snop  }
0x3b: {  	_ = 	snop  }
0x3c: {  	p2 =	seq.s32 s10, $0x1;
	s10 =	sld [smem:$0x3FB9]  }
0x3d: {  	_ =	shalt  }
0x3e: {  	_ =	shalt  }
0x3f: {  	_ =	shalt  }
0x40: {  	_ =	shalt  }
0x41: {  	_ =	shalt  }
0x42: {  	_ =	shalt  }
0x43: {  	_ =	shalt  }
0x44: {  	_ =	shalt  }
0x45: {  	_ =	shalt  }
0x46: {  	_ =	shalt  }
0x47: {  	_ =	shalt  }
0x48: {  	_ =	shalt  }
0x49: {  	_ =	shalt  }
0x4a: {  	_ =	shalt  }
0x4b: {  	_ =	shalt  }
0x4c: {  	_ =	shalt  }
0x4d: {  	_ =	shalt  }
0x4e: {  	_ =	shalt  }
0x4f: {  	_ =	shalt  }
0x50: {  	_ =	shalt  }
0x51: {  	_ =	shalt  }
0x52: {  	_ =	shalt  }
0x53: {  	_ =	shalt  }
0x54: {  	_ =	shalt  }
0x55: {  	_ =	shalt  }
0x56: {  	_ =	shalt  }
0x57: {  	_ =	shalt  }
0x58: {  	_ =	shalt  }
0x59: {  	_ =	shalt  }
0x5a: {  	_ =	shalt  }
0x5b: {  	_ =	shalt  }
0x5c: {  	_ =	shalt  }
0x5d: {  	_ =	shalt  }
0x5e: {  	_ =	shalt  }
0x5f: {  	_ =	shalt  }
0x60: {  	_ =	shalt  }
0x61: {  	_ =	shalt  }
0x62: {  	_ =	shalt  }
0x63: {  	_ =	shalt  }
0x64: {  	_ =	shalt  }
0x65: {  	_ =	shalt  }
0x66: {  	_ =	shalt  }
0x67: {  	_ =	shalt  }
0x68: {  	_ =	shalt  }
0x69: {  	_ =	shalt  }
0x6a: {  	_ =	shalt  }
0x6b: {  	_ =	shalt  }
0x6c: {  	_ =	shalt  }
0x6d: {  	_ =	shalt  }
0x6e: {  	_ =	shalt  }
0x6f: {  	_ =	shalt  }
0x70: {  	_ =	shalt  }
0x71: {  	_ =	shalt  }
0x72: {  	_ =	shalt  }
0x73: {  	_ =	shalt  }
0x74: {  	_ =	shalt  }
0x75: {  	_ =	shalt  }
0x76: {  	_ =	shalt  }
0x77: {  	_ =	shalt  }
0x78: {  	_ =	shalt  }
0x79: {  	_ =	shalt  }
0x7a: {  	_ =	shalt  }
0x7b: {  	_ =	shalt  }
0x7c: {  	_ =	shalt  }
0x7d: {  	_ =	shalt  }
0x7e: {  	_ =	shalt  }
0x7f: {  	_ =	shalt  }
0x80: {  	_ =	shalt  }
0x81: {  	_ =	shalt  }
0x82: {  	_ =	shalt  }
0x83: {  	_ =	shalt  }
0x84: {  	_ =	shalt  }
0x85: {  	_ =	shalt  }
0x86: {  	_ =	shalt  }
0x87: {  	_ =	shalt  }
.Lfunc_end0:
.L_simem_size_0:
called_computation_lowered:
.L_overlay_start_0:
0x88: {  	s2 =	sld [smem:$0x3FD9]  }
0x89: {  	s3 =	sld [smem:$0x3FFE];
	_ =	sdelay $0x1  }
0x8a: {  	s1 =	srdreg.scid  }
0x8b: {  	s0 =	sand.u32 $0x1, s1  }
0x8c: {  	s17 =	sshll.u32 s0, $0xA;
	s2 =	sadd.s32 s3, s2  }
0x8d: {  	s2 =	sadd.s32 s2, s17  }
0x8e: {  	[smem:$0x3FC5] =	sst s2  }
0x8f: {  	_ = 	snop  }
0x90: {  	s2 =	sld [smem:$0x3FC9]  }
0x91: {  	s18 =	sld [smem:$0x3FC8]  }
0x92: {  	s4 =	sld [smem:$0x3FC7];
	(tm) =	ssettm $0x1  }
0x93: {  	s5 =	sld [smem:$0x3FFB];
	_ =	sdelay $0x3  }
0x94: {  	_ =	strace s5  }
0x95: {  	s5 =	sld [smem:$0x3FFC];
	_ =	sdelay $0x3  }
0x96: {  	_ =	strace s5  }
0x97: {  	s5 =	sld [smem:$0x3FFD];
	_ =	sdelay $0x3  }
0x98: {  	_ =	strace s5  }
0x99: {  	_ =	strace $0x8FFFFFFF  }
0x9a: {  	s19 =	sld [smem:$0x3FDB];
	_ =	sdelay $0x1  }
0x9b: {  	s6 =	simm.s32 $_scs_section_size  }
0x9c: {  	s7 =	simm.s32 $_size__tile_overlayer_lowered;
	s8 =	simm.s32 $_tile_overlayer_lowered  }
0x9d: {  	s22 =	simm.s32 $0x1BFF;
	s21 =	sshll.u32 s8, $0x1;
	s5 =	sadd.s32 s6, s19  }
0x9e: {  	s9 =	simm.s32 $0x0;
	s20 =	sshll.u32 s7, $0x1;
	s7 =	sadd.s32 s21, s5  }
0x9f: {  	[timem:s9], [sflag:s22] =	dma.local [hbm:s7], s20  }
0xa0: {  	_ =	swait.ge [sflag:s22], s20  }
0xa1: {  	s6 =	ssub.s32 $0x0, s20;
	[sflag:s22] =	ssyncset.done $0x0  }
0xa2: {  	[sflag:s22] =	ssyncadd.s32 s6;
	_ =	sdelay $0x1  }
0xa3: {  	s23 =	simm.s32 $0x1B8B  }
0xa4: {  	_ =	swait.ge [sflag:s23], $0x1  }
0xa5: {  	[sflag:s23] =	ssyncset.done $0x0  }
0xa6: {  	s25 =	simm.s32 $0x1B8E;
	s24 =	sld [smem:$0x3FFE];
	[sflag:s23] =	ssyncadd.s32 $0xFFFFFFFF  }
0xa7: {  	s26 =	simm.s32 $execute0_lowered;
	[smem:$0x3FD2] =	sst s25  }
0xa8: {  	s7 =	sshll.u32 s26, $0x1;
	_ =	strace $0x80000046;
	[dreg:$0x1] =	wrdreg $0xFFFFFFFF  }
0xa9: {  	s28 =	simm.s32 $_size_execute0_lowered;
	s5 =	sadd.s32 s5, s7;
	[dreg:$0x0] =	wrdreg $0x0  }
0xaa: {  	s7 =	sshll.u32 s28, $0x1;
	[dreg:$0x2] =	wrdreg s5  }
0xab: {  	[dreg:$0x3] =	wrdreg s7  }
0xac: {  	[dreg:$0x4] =	wrdreg $0xC0  }
0xad: {  	_ =	task [dreg:s9], $0x5FFFF  }
0xae: {  	[dreg:$0x1] =	wrdreg $0xFFFFFFFF  }
0xaf: {  	[dreg:$0x0] =	wrdreg $0x60  }
0xb0: {  	[dreg:$0x2] =	wrdreg s2  }
0xb1: {  	[dreg:$0x3] =	wrdreg s18  }
0xb2: {  	[dreg:$0x4] =	wrdreg s4  }
0xb3: {  	[dreg:$0x5] =	wrdreg s24  }
0xb4: {  	[dreg:$0x6] =	wrdreg $0x9  }
0xb5: {  	_ =	task.clear_ibuf [dreg:s9], $0x7FFFF;
	_ =	strace $0x90000046  }
0xb6: {  	s29 =	simm.s32 $0x9;
	_ =	strace $0x80000048  }
0xb7: {  	_ =	swait.ge [sflag:s29], $0x1  }
0xb8: {  	[sflag:s29] =	ssyncadd.s32 $0xFFFFFFFF  }
0xb9: {  	_ =	strace $0x90000048  }
0xba: {  	_ =	sfence  }
0xbb: {  	s30 =	sld [smem:$0x0];
	_ =	sdelay $0x2  }
0xbc: {  	s31 =	sshll.u32 s1, $0xD;
	s1 =	sshrl.u32 s1, $0x2  }
0xbd: {  	s3 =	sand.u32 $0x4000, s31;
	s1 =	sadd.s32 s1, s30  }
0xbe: {  	s0 =	sor.u32 s3, s0;
	s1 =	sshll.u32 s1, $0x11  }
0xbf: {  	s0 =	sor.u32 s1, s0  }
0xc0: {  	s0 =	sadd.s32 $0x8F2B, s0  }
0xc1: {  	[sflag:s0] =	ssyncadd.remote.s32 $0x1  }
0xc2: {  	_ =	sfence.sel $0xFFFF  }
0xc3: {  	[dreg:$0x0] =	wrdreg $0xFFFFFFFF;
	(pc) =	sbr.abs _section_cstart, $3  }
0xc4: {  	[dreg:$0x1] =	wrdreg $0xFFFFFFFF  }
0xc5: {  	_ =	task.clear_ibuf [dreg:s9], $0x2FFFF;
	_ =	strace $0x9FFFFFFF  }
0xc6: {  	(tm) =	ssettm $0x7FFFFFFF  }
0xc7: {  	_ =	shalt  }
tec
execute0_lowered:
.L_overlay_start_1:
0x0: {  	(tag) =	ssettag $0x1  }
0x1: {  	vm0 =	vcmask $0xB08  }
0x2: {  	vm1 =	vcmask $0x300;
	v0 =	vimm.s32 $0xEFCDAB89;
	v1 =	vimm.s32 $0x67452301  }
0x3: {  	v2 =	vimm.s32 $0xDCFE98BA;
	v3 =	vimm.s32 $0xBA98FEDC;
	v4 =	vimm.s32 $0x32107654  }
0x4: {  	vm2 =	vcmask $0x700;
	vm0 =	vmor vm1, vm0;
	vm1 =	vcmask $0x1310  }
0x5: {  	s5 =	rddreg [dreg:$0x0];
	v0 =	vunpack.c.l.s4.s8 v0;
	v1 =	vunpack.c.l.s4.s8 v1;
	v3 =	vunpack.c.l.s4.s8 v3  }
0x6: {  	s4 =	rddreg [dreg:$0x1];
	v4 =	vunpack.c.l.s4.s8 v4;
	vm0 =	vmor vm0, vm1;
	vm1 =	vcmask $0x1B18  }
0x7: {  	s0 =	rddreg [dreg:$0x2];
	vm0 =	vmor vm0, vm1;
	v0 =	vunpack.c.0.s8.s32 v0;
	v1 =	vunpack.c.0.s8.s32 v1  }
0x8: {  	s6 =	rddreg [dreg:$0x3];
	s3 =	srdreg.scid;
	vm1 =	vcmask $0x2320;
	v3 =	vunpack.c.0.s8.s32 v3;
	v4 =	vunpack.c.0.s8.s32 v4  }
0x9: {  	s1 =	rddreg [dreg:$0x4];
	s2 =	stileid.u32;
	v0 =	vcombine.low v1, v0;
	v1 =	vunpack.c.l.s4.s8 v2;
	v2 =	vimm.s32 $0x54761032  }
0xa: {  	s12 =	simm.s32 $0x3;
	s13 =	simm.s32 $0x80;
	s14 =	simm.s32 $0x8000;
	vm0 =	vmor vm0, vm1;
	vm1 =	vcmask $0x2B28;
	v2 =	vunpack.c.l.s4.s8 v2  }
0xb: {  	s15 =	simm.s32 $0x4000;
	s16 =	simm.s32 $0x10080;
	s17 =	simm.s32 $0xC000;
	vm3 =	vcmask $0xF00;
	vm0 =	vmor vm0, vm1;
	vm1 =	vcmask $0x3330  }
0xc: {  	s18 =	simm.s32 $0x1;
	s19 =	simm.s32 $0x10100;
	s20 =	simm.s32 $0x2;
	v3 =	vcombine.low v4, v3;
	v1 =	vunpack.c.0.s8.s32 v1;
	v2 =	vunpack.c.0.s8.s32 v2  }
0xd: {  	s21 =	simm.s32 $0x10180;
	s22 =	simm.s32 $0x10200;
	s23 =	simm.s32 $0x0;
	v4 =	vimm.s32 $0x76543210;
	vm0 =	vmor vm0, vm1;
	vm1 =	vcmask $0x3B38  }
0xe: {  	s7 =	sand.u32 $0x1, s3;
	s3 =	simm.s32 $0x0;
	s8 =	sshll.u32 s2, $0xA;
	v4 =	vunpack.c.l.s4.s8 v4;
	v1 =	vcombine.low v2, v1;
	v2 =	vimm.s32 $0xFEDCBA98  }
0xf: {  	s9 =	sshll.u32 s7, $0x9;
	[smem:$0x7FF] =	sst s3;
	s7 =	ssub.s32 $0x2, s7;
	vm0 =	vmor vm0, vm1;
	vm1 =	vcmask $0x1710;
	v2 =	vunpack.c.l.s4.s8 v2  }
0x10: {  	s8 =	sor.u32 s9, s8;
	_ =	strace $0x80000047;
	s31 =	sshrl.u32 s7, $0x1;
	v0 =	vand.u32 $0xF, v0;
	vm1 =	vmor vm2, vm1;
	vm2 =	vcmask $0x2720  }
0x11: {  	s9 =	sshrl.u32 s8, $0x3;
	s8 =	sshll.u32 s8, $0x4;
	s11 =	ssub.s32 s7, s31;
	vm1 =	vmor vm1, vm2;
	vm2 =	vcmask $0x3730;
	v2 =	vunpack.c.0.s8.s32 v2  }
0x12: {  	s10 =	sadd.s32 s9, s6;
	s4 =	sadd.s32 s4, s9;
	s5 =	sadd.s32 s5, s8;
	v4 =	vunpack.c.0.s8.s32 v4;
	vm1 =	vmor vm1, vm2;
	vm2 =	vcmask $0x2F20  }
0x13: {  	s6 =	sadd.s32 $0x800, s5;
	s7 =	sadd.s32 $0x1000, s5;
	s8 =	sadd.s32 $0x1800, s5;
	vm2 =	vmor vm3, vm2;
	vm3 =	vmmov $0xff;
	v5 =	vand.u32 $0xF, v2  }
0x14: {  	s9 =	sadd.s32 $0x600, s10;
	s10 =	smax.u32 s11, $0x1;
	s11 =	simm.s32 $0x10000;
	v1 =	vand.u32 $0xF, v1;
	v2 =	vand.u32 $0xF, v3;
	v3 =	vcombine.low v5, v4  }
.LBB2_1:
0x15: {  	[tilespmem:s11], [sflag:$0x3] =	stream.linear.gather [hbm4b:s4+s3], $0x200, $0x38;
	[tilespmem:$0x10400] =	vst v63  }
0x16: {  	_ =	swait.ge [sflag:s12], $0x200  }
0x17: {  	[sflag:s12] =	ssyncset.done $0x0  }
0x18: {  	[sflag:s12] =	ssyncadd.s32 $0xFFFFFE00  }
0x19: {  	[tilespmem:s3], [sflag:$0x1] =	stream.linear.gather [hbm4b:s5+s3], $0x4000, $0x38;
	[tilespmem:$0x10400] =	vst v63  }
0x1a: {  	_ = 	snop  }
0x1b: {  	[tilespmem:s14], [sflag:$0x1] =	stream.indirect.gather [hbm4b:s0+s13], $0x80, s11, s13, $0xb8;
	[tilespmem:$0x10400] =	vst v63  }
0x1c: {  	_ = 	snop  }
0x1d: {  	[tilespmem:s15], [sflag:$0x2] =	stream.linear.gather [hbm4b:s6+s3], $0x4000, $0x38;
	[tilespmem:$0x10400] =	vst v63  }
0x1e: {  	_ = 	snop  }
0x1f: {  	[tilespmem:s17], [sflag:$0x2] =	stream.indirect.gather [hbm4b:s0+s13], $0x80, s16, s13, $0xb8;
	[tilespmem:$0x10400] =	vst v63  }
0x20: {  	_ =	swait.ge [sflag:s18], $0x4000  }
0x21: {  	[sflag:s18] =	ssyncset.done $0x0  }
0x22: {  	[sflag:s18] =	ssyncadd.s32 $0xFFFFC000  }
0x23: {  	_ =	swait.ge [sflag:s18], $0x4000  }
0x24: {  	s24 =	simm.s32 $0x8400;
	[sflag:s18] =	ssyncset.done $0x0  }
0x25: {  	s25 =	simm.s32 $0x0;
	s26 =	simm.s32 $0x0;
	[sflag:s18] =	ssyncadd.s32 $0xFFFFC000  }
.LBB2_2:
0x26: {  	v5 =	vmov s25  }
0x27: {  	v4 =	vmov s24;
	_ =	sdelay $0x2  }
0x28: {  	s29 =	simm.s32 $0x0  }
0x29: {  	v6 =	vld.idx.msk [tilespmem:v5+s29+$0x780 ss:$0x1], $0xffff  }
0x2a: {  	v7 =	vld.idx.msk [tilespmem:v4+s29+$0x380 ss:$0x1], $0xffff  }
0x2b: {  	v8 =	vld.idx.msk [tilespmem:v5+s29+$0x0 ss:$0x1], $0xffff  }
0x2c: {  	v9 =	vld.idx.msk [tilespmem:v4+s29+$0xFFFFFC00 ss:$0x1], $0xffff  }
0x2d: {  	v10 =	vld.idx.msk [tilespmem:v5+s29+$0x80 ss:$0x1], $0xffff  }
0x2e: {  	v11 =	vld.idx.msk [tilespmem:v4+s29+$0xFFFFFC80 ss:$0x1], $0xffff  }
0x2f: {  	v12 =	vld.idx.msk [tilespmem:v5+s29+$0x100 ss:$0x1], $0xffff  }
0x30: {  	v13 =	vld.idx.msk [tilespmem:v4+s29+$0xFFFFFD00 ss:$0x1], $0xffff  }
0x31: {  	v14 =	vld.idx.msk [tilespmem:v5+s29+$0x180 ss:$0x1], $0xffff  }
0x32: {  	v15 =	vld.idx.msk [tilespmem:v4+s29+$0xFFFFFD80 ss:$0x1], $0xffff  }
0x33: {  	v16 =	vld.idx.msk [tilespmem:v5+s29+$0x200 ss:$0x1], $0xffff  }
0x34: {  	v18 =	vld.idx.msk [tilespmem:v4+s29+$0xFFFFFE00 ss:$0x1], $0xffff  }
0x35: {  	v19 =	vld.idx.msk [tilespmem:v5+s29+$0x280 ss:$0x1], $0xffff  }
0x36: {  	v20 =	vld.idx.msk [tilespmem:v4+s29+$0xFFFFFE80 ss:$0x1], $0xffff  }
0x37: {  	v21 =	vld.idx.msk [tilespmem:v5+s29+$0x300 ss:$0x1], $0xffff  }
0x38: {  	v22 =	vld.idx.msk [tilespmem:v4+s29+$0xFFFFFF00 ss:$0x1], $0xffff  }
0x39: {  	v23 =	vld.idx.msk [tilespmem:v5+s29+$0x380 ss:$0x1], $0xffff  }
0x3a: {  	v24 =	vld.idx.msk [tilespmem:v4+s29+$0x0 ss:$0x1], $0xffff;
	v6 =	vsub.f32 v6, v7  }
0x3b: {  	v25 =	vld.idx.msk [tilespmem:v5+s29+$0x480 ss:$0x1], $0xffff;
	v7 =	vsub.f32 v8, v9;
	v8 =	vsub.f32 v10, v11  }
0x3c: {  	v27 =	vld.idx.msk [tilespmem:v5+s29+$0x500 ss:$0x1], $0xffff;
	v10 =	vsub.f32 v12, v13  }
0x3d: {  	v9 =	vld.idx.msk [tilespmem:v4+s29+$0xFFFFFF80 ss:$0x1], $0xffff;
	v7 =	vmul.f32 v7, v7;
	v8 =	vmul.f32 v8, v8  }
0x3e: {  	v17 =	vimm.f32 $0.0e+00;
	v11 =	vld.idx.msk [tilespmem:v5+s29+$0x400 ss:$0x1], $0xffff;
	v15 =	vsub.f32 v14, v15;
	v10 =	vmul.f32 v10, v10  }
0x3f: {  	v6 =	vmul.f32 v6, v6;
	v12 =	vadd.f32 v7, v17;
	v7 =	vld.idx.msk [tilespmem:v4+s29+$0x80 ss:$0x1], $0xffff;
	v13 =	vadd.f32 v8, v17  }
0x40: {  	v8 =	vadd.f32 v10, v17;
	v10 =	vsub.f32 v16, v18;
	v16 =	vld.idx.msk [tilespmem:v4+s29+$0x100 ss:$0x1], $0xffff  }
0x41: {  	v14 =	vadd.f32 v6, v17;
	v6 =	vmul.f32 v15, v15;
	v15 =	vsub.f32 v19, v20;
	v19 =	vld.idx.msk [tilespmem:v5+s29+$0x580 ss:$0x1], $0xffff  }
0x42: {  	v18 =	vsub.f32 v21, v22;
	v21 =	vld.idx.msk [tilespmem:v4+s29+$0x180 ss:$0x1], $0xffff  }
0x43: {  	v20 =	vsub.f32 v23, v9;
	v10 =	vmul.f32 v10, v10;
	v15 =	vmul.f32 v15, v15  }
0x44: {  	v26 =	vld.idx.msk [tilespmem:v4+s29+$0x200 ss:$0x1], $0xffff;
	v22 =	vsub.f32 v11, v24;
	v6 =	vadd.f32 v6, v17;
	v18 =	vmul.f32 v18, v18  }
0x45: {  	v28 =	vld.idx.msk [tilespmem:v4+s29+$0x300 ss:$0x1], $0xffff;
	v9 =	vadd.f32 v10, v17;
	v10 =	vadd.f32 v15, v17  }
0x46: {  	v23 =	vld.idx.msk [tilespmem:v5+s29+$0x600 ss:$0x1], $0xffff;
	v15 =	vmul.f32 v20, v20;
	v11 =	vadd.f32 v18, v17;
	v7 =	vsub.f32 v25, v7  }
0x47: {  	v18 =	vmul.f32 v22, v22;
	v22 =	vld.idx.msk [tilespmem:v5+s29+$0x680 ss:$0x1], $0xffff;
	v20 =	vsub.f32 v27, v16;
	v30 =	vsub.f32 v19, v21  }
0x48: {  	v25 =	vld.idx.msk [tilespmem:v4+s29+$0x280 ss:$0x1], $0xffff;
	v21 =	vimm.f32 $0.0e+00;
	v19 =	vimm.f32 $0.0e+00;
	v7 =	vmul.f32 v7, v7  }
0x49: {  	s28 =	simm.s32 $0x10;
	v24 =	vld.idx.msk [tilespmem:v5+s29+$0x700 ss:$0x1], $0xffff;
	v15 =	vadd.f32 v15, v17;
	v16 =	vadd.f32 v18, v17;
	v29 =	vmul.f32 v20, v20  }
0x4a: {  	v27 =	vld.idx.msk [tilespmem:v5+s28+$0x780 ss:$0x1], $0xffff;
	s29 =	simm.s32 $0x80;
	v18 =	vimm.f32 $0.0e+00;
	v20 =	vimm.f32 $0.0e+00;
	v7 =	vadd.f32 v7, v17  }
.LBB2_3:
0x4b: {  	p0 =	sne.s32 s29, $0x1C0;
	v31 =	vld.idx.msk [tilespmem:v4+s28+$0x380 ss:$0x1], $0xffff;
	v17 =	vadd.f32 v29, v17;
	v29 =	vmul.f32 v30, v30;
	v23 =	vsub.f32 v23, v26  }
0x4c: {  	v26 =	vld.idx.msk [tilespmem:v5+s28+$0x0 ss:$0x1], $0xffff  }
0x4d: {  	v22 =	vsub.f32 v22, v25;
	v30 =	vld.idx.msk [tilespmem:v4+s28+$0xFFFFFC00 ss:$0x1], $0xffff;
	v20 =	vadd.f32 v29, v20;
	v23 =	vmul.f32 v23, v23  }
0x4e: {  	v25 =	vld.idx.msk [tilespmem:v5+s28+$0x80 ss:$0x1], $0xffff  }
0x4f: {  	v22 =	vmul.f32 v22, v22;
	v29 =	vld.idx.msk [tilespmem:v4+s28+$0xFFFFFC80 ss:$0x1], $0xffff;
	v21 =	vadd.f32 v23, v21;
	v23 =	vsub.f32 v24, v28  }
0x50: {  	v24 =	vld.idx.msk [tilespmem:v5+s28+$0x100 ss:$0x1], $0xffff  }
0x51: {  	v27 =	vsub.f32 v27, v31;
	v19 =	vadd.f32 v22, v19;
	v28 =	vld.idx.msk [tilespmem:v4+s28+$0xFFFFFD00 ss:$0x1], $0xffff;
	v22 =	vmul.f32 v23, v23  }
0x52: {  	v23 =	vld.idx.msk [tilespmem:v5+s28+$0x180 ss:$0x1], $0xffff  }
0x53: {  	v26 =	vsub.f32 v26, v30;
	v27 =	vmul.f32 v27, v27;
	v30 =	vld.idx.msk [tilespmem:v4+s28+$0xFFFFFD80 ss:$0x1], $0xffff;
	v18 =	vadd.f32 v22, v18  }
0x54: {  	v22 =	vld.idx.msk [tilespmem:v5+s28+$0x200 ss:$0x1], $0xffff  }
0x55: {  	v26 =	vmul.f32 v26, v26;
	v25 =	vsub.f32 v25, v29;
	v14 =	vadd.f32 v27, v14;
	v29 =	vld.idx.msk [tilespmem:v4+s28+$0xFFFFFE00 ss:$0x1], $0xffff  }
0x56: {  	v27 =	vld.idx.msk [tilespmem:v5+s28+$0x280 ss:$0x1], $0xffff  }
0x57: {  	v12 =	vadd.f32 v26, v12;
	v25 =	vmul.f32 v25, v25;
	v24 =	vsub.f32 v24, v28;
	v26 =	vld.idx.msk [tilespmem:v4+s28+$0xFFFFFE80 ss:$0x1], $0xffff  }
0x58: {  	v28 =	vld.idx.msk [tilespmem:v5+s28+$0x300 ss:$0x1], $0xffff  }
0x59: {  	v13 =	vadd.f32 v25, v13;
	v24 =	vmul.f32 v24, v24;
	v23 =	vsub.f32 v23, v30;
	v25 =	vld.idx.msk [tilespmem:v4+s28+$0xFFFFFF00 ss:$0x1], $0xffff  }
0x5a: {  	v30 =	vld.idx.msk [tilespmem:v5+s28+$0x380 ss:$0x1], $0xffff  }
0x5b: {  	v8 =	vadd.f32 v24, v8;
	v23 =	vmul.f32 v23, v23;
	v22 =	vsub.f32 v22, v29;
	v24 =	vld.idx.msk [tilespmem:v4+s28+$0xFFFFFF80 ss:$0x1], $0xffff  }
0x5c: {  	v29 =	vld.idx.msk [tilespmem:v5+s28+$0x400 ss:$0x1], $0xffff  }
0x5d: {  	v6 =	vadd.f32 v23, v6;
	v22 =	vmul.f32 v22, v22;
	v23 =	vsub.f32 v27, v26;
	v26 =	vld.idx.msk [tilespmem:v4+s28+$0x0 ss:$0x1], $0xffff  }
0x5e: {  	v27 =	vld.idx.msk [tilespmem:v5+s28+$0x480 ss:$0x1], $0xffff  }
0x5f: {  	v9 =	vadd.f32 v22, v9;
	v22 =	vmul.f32 v23, v23;
	v23 =	vsub.f32 v28, v25;
	v25 =	vld.idx.msk [tilespmem:v4+s28+$0x80 ss:$0x1], $0xffff  }
0x60: {  	v28 =	vld.idx.msk [tilespmem:v5+s28+$0x500 ss:$0x1], $0xffff  }
0x61: {  	v10 =	vadd.f32 v22, v10;
	v22 =	vmul.f32 v23, v23;
	v23 =	vsub.f32 v30, v24;
	v24 =	vld.idx.msk [tilespmem:v4+s28+$0x100 ss:$0x1], $0xffff  }
0x62: {  	v30 =	vld.idx.msk [tilespmem:v5+s28+$0x580 ss:$0x1], $0xffff  }
0x63: {  	v11 =	vadd.f32 v22, v11;
	v22 =	vmul.f32 v23, v23;
	v26 =	vsub.f32 v29, v26;
	v31 =	vld.idx.msk [tilespmem:v4+s28+$0x180 ss:$0x1], $0xffff  }
0x64: {  	v23 =	vld.idx.msk [tilespmem:v5+s28+$0x600 ss:$0x1], $0xffff  }
0x65: {  	v15 =	vadd.f32 v22, v15;
	v29 =	vmul.f32 v26, v26;
	v25 =	vsub.f32 v27, v25;
	v26 =	vld.idx.msk [tilespmem:v4+s28+$0x200 ss:$0x1], $0xffff  }
.Ltmp0:
0x66: {  	v22 =	vld.idx.msk [tilespmem:v5+s28+$0x680 ss:$0x1], $0xffff;
	(pc) =	sbr.rel @p0 .LBB2_3-.Ltmp0, $4  }
0x67: {  	v16 =	vadd.f32 v29, v16;
	v27 =	vmul.f32 v25, v25;
	v28 =	vsub.f32 v28, v24;
	v25 =	vld.idx.msk [tilespmem:v4+s28+$0x280 ss:$0x1], $0xffff  }
0x68: {  	v24 =	vld.idx.msk [tilespmem:v5+s28+$0x700 ss:$0x1], $0xffff  }
0x69: {  	v7 =	vadd.f32 v27, v7;
	v29 =	vmul.f32 v28, v28;
	v30 =	vsub.f32 v30, v31;
	v28 =	vld.idx.msk [tilespmem:v4+s28+$0x300 ss:$0x1], $0xffff;
	s28 =	sshra.s32 s29, $0x2  }
0x6a: {  	s29 =	sadd.s32 $0x40, s29;
	v27 =	vld.idx.msk [tilespmem:v5+s28+$0x780 ss:$0x1], $0xffff  }
0x6b: {  	_ =	sdelay $0x3  }
0x6c: {  	v31 =	vld.idx.msk [tilespmem:v4+s28+$0x380 ss:$0x1], $0xffff  }
0x6d: {  	v32 =	vld.idx.msk [tilespmem:v5+s28+$0x0 ss:$0x1], $0xffff  }
0x6e: {  	v33 =	vld.idx.msk [tilespmem:v4+s28+$0xFFFFFC00 ss:$0x1], $0xffff  }
0x6f: {  	v34 =	vld.idx.msk [tilespmem:v5+s28+$0x80 ss:$0x1], $0xffff  }
0x70: {  	v35 =	vld.idx.msk [tilespmem:v4+s28+$0xFFFFFC80 ss:$0x1], $0xffff  }
0x71: {  	v36 =	vld.idx.msk [tilespmem:v5+s28+$0x100 ss:$0x1], $0xffff  }
0x72: {  	v37 =	vld.idx.msk [tilespmem:v4+s28+$0xFFFFFD00 ss:$0x1], $0xffff  }
0x73: {  	v38 =	vld.idx.msk [tilespmem:v5+s28+$0x180 ss:$0x1], $0xffff  }
0x74: {  	v39 =	vld.idx.msk [tilespmem:v4+s28+$0xFFFFFD80 ss:$0x1], $0xffff  }
0x75: {  	v40 =	vld.idx.msk [tilespmem:v5+s28+$0x200 ss:$0x1], $0xffff  }
0x76: {  	v41 =	vld.idx.msk [tilespmem:v4+s28+$0xFFFFFE00 ss:$0x1], $0xffff  }
0x77: {  	v42 =	vld.idx.msk [tilespmem:v5+s28+$0x280 ss:$0x1], $0xffff  }
0x78: {  	v43 =	vld.idx.msk [tilespmem:v4+s28+$0xFFFFFE80 ss:$0x1], $0xffff  }
0x79: {  	v44 =	vld.idx.msk [tilespmem:v5+s28+$0x300 ss:$0x1], $0xffff  }
0x7a: {  	v23 =	vsub.f32 v23, v26;
	v26 =	vld.idx.msk [tilespmem:v4+s28+$0xFFFFFF00 ss:$0x1], $0xffff  }
0x7b: {  	v45 =	vld.idx.msk [tilespmem:v5+s28+$0x380 ss:$0x1], $0xffff  }
0x7c: {  	v30 =	vmul.f32 v30, v30;
	v50 =	vld.idx.msk [tilespmem:v5+s28+$0x500 ss:$0x1], $0xffff  }
0x7d: {  	v17 =	vadd.f32 v29, v17;
	v53 =	vld.idx.msk [tilespmem:v4+s28+$0x100 ss:$0x1], $0xffff;
	v22 =	vsub.f32 v22, v25;
	v23 =	vmul.f32 v23, v23  }
0x7e: {  	v55 =	vld.idx.msk [tilespmem:v5+s28+$0x580 ss:$0x1], $0xffff;
	v20 =	vadd.f32 v30, v20;
	v24 =	vsub.f32 v24, v28  }
0x7f: {  	v56 =	vld.idx.msk [tilespmem:v4+s28+$0x180 ss:$0x1], $0xffff;
	v22 =	vmul.f32 v22, v22;
	v21 =	vadd.f32 v23, v21;
	v62 =	vsub.f32 v27, v31  }
0x80: {  	v46 =	vld.idx.msk [tilespmem:v4+s28+$0xFFFFFF80 ss:$0x1], $0xffff;
	v63 =	vsub.f32 v32, v33;
	v47 =	vsub.f32 v34, v35  }
0x81: {  	v58 =	vld.idx.msk [tilespmem:v5+s28+$0x600 ss:$0x1], $0xffff;
	v49 =	vsub.f32 v36, v37;
	v19 =	vadd.f32 v22, v19  }
0x82: {  	v61 =	vld.idx.msk [tilespmem:v4+s28+$0x200 ss:$0x1], $0xffff;
	v57 =	vsub.f32 v38, v39;
	v59 =	vsub.f32 v40, v41  }
0x83: {  	v29 =	vld.idx.msk [tilespmem:v5+s28+$0x400 ss:$0x1], $0xffff;
	v24 =	vmul.f32 v24, v24;
	v60 =	vsub.f32 v42, v43;
	v26 =	vsub.f32 v44, v26  }
0x84: {  	v23 =	vld.idx.msk [tilespmem:v4+s28+$0x0 ss:$0x1], $0xffff;
	v42 =	vsub.f32 v50, v53;
	v22 =	vsub.f32 v55, v56;
	v25 =	vmul.f32 v62, v62  }
0x85: {  	v51 =	vmul.f32 v63, v63;
	v52 =	vmul.f32 v47, v47;
	v18 =	vadd.f32 v24, v18  }
0x86: {  	v48 =	vld.idx.msk [tilespmem:v4+s28+$0x80 ss:$0x1], $0xffff;
	v54 =	vmul.f32 v49, v49;
	v28 =	vmul.f32 v57, v57;
	v62 =	vsub.f32 v45, v46  }
0x87: {  	v27 =	vld.idx.msk [tilespmem:v5+s28+$0x480 ss:$0x1], $0xffff;
	v32 =	vmul.f32 v59, v59;
	v24 =	vsub.f32 v58, v61;
	v14 =	vadd.f32 v25, v14  }
0x88: {  	v39 =	vld.idx.msk [tilespmem:v4+s28+$0x280 ss:$0x1], $0xffff;
	v34 =	vmul.f32 v60, v60;
	v12 =	vadd.f32 v51, v12;
	v13 =	vadd.f32 v52, v13  }
0x89: {  	v4 =	vld.idx.msk [tilespmem:v4+s28+$0x300 ss:$0x1], $0xffff;
	v26 =	vmul.f32 v26, v26;
	v8 =	vadd.f32 v54, v8;
	v23 =	vsub.f32 v29, v23  }
0x8a: {  	v63 =	vld.idx.msk [tilespmem:v5+s28+$0x680 ss:$0x1], $0xffff;
	v22 =	vmul.f32 v22, v22;
	v6 =	vadd.f32 v28, v6;
	v9 =	vadd.f32 v32, v9  }
0x8b: {  	v5 =	vld.idx.msk [tilespmem:v5+s28+$0x700 ss:$0x1], $0xffff;
	v40 =	vmul.f32 v62, v62;
	v10 =	vadd.f32 v34, v10;
	v11 =	vadd.f32 v26, v11  }
0x8c: {  	v45 =	vmul.f32 v24, v24;
	v20 =	vadd.f32 v22, v20;
	v41 =	vsub.f32 v27, v48  }
0x8d: {  	v23 =	vmul.f32 v23, v23;
	v15 =	vadd.f32 v40, v15;
	v47 =	vsel vm0, v13, v12  }
0x8e: {  	v48 =	vsel vm0, v6, v8;
	v49 =	vsel vm0, v10, v9;
	v12 =	vsel vm0, v12, v13  }
0x8f: {  	v6 =	vsel vm0, v8, v6;
	v9 =	vsel vm0, v9, v10;
	v43 =	vmul.f32 v41, v41  }
0x90: {  	v44 =	vsub.f32 v63, v39;
	v4 =	vsub.f32 v5, v4;
	v50 =	vperm.xlane v49, v0  }
0x91: {  	v16 =	vadd.f32 v23, v16;
	v23 =	vmul.f32 v42, v42;
	v51 =	vsel vm0, v15, v11  }
0x92: {  	v11 =	vsel vm0, v11, v15;
	v5 =	vadd.f32 v43, v7;
	v46 =	vmul.f32 v44, v44  }
0x93: {  	v4 =	vmul.f32 v4, v4;
	v7 =	vadd.f32 v45, v21;
	v21 =	vperm.xlane v48, v0  }
0x94: {  	v8 =	vadd.f32 v50, v9;
	v9 =	vperm.xlane v51, v0;
	v17 =	vadd.f32 v23, v17  }
0x95: {  	v19 =	vadd.f32 v46, v19;
	v4 =	vadd.f32 v4, v18;
	v18 =	vperm.xlane v47, v0  }
0x96: {  	v6 =	vadd.f32 v21, v6;
	v52 =	vsel vm0, v5, v16;
	v5 =	vsel vm0, v16, v5  }
0x97: {  	v9 =	vadd.f32 v9, v11;
	v10 =	vperm.xlane v52, v0;
	v53 =	vsel vm0, v20, v17  }
0x98: {  	v54 =	vsel vm0, v17, v20;
	v12 =	vadd.f32 v18, v12;
	v13 =	vperm.xlane v53, v0  }
0x99: {  	v55 =	vsel vm0, v19, v7;
	v56 =	vsel vm0, v14, v4;
	v5 =	vadd.f32 v10, v5  }
0x9a: {  	v11 =	vperm.xlane v55, v0;
	v10 =	vadd.f32 v13, v54;
	v13 =	vperm.xlane v56, v0  }
0x9b: {  	v7 =	vsel vm0, v7, v19;
	v4 =	vsel vm0, v4, v14;
	v59 =	vsel vm1, v9, v8  }
0x9c: {  	v57 =	vsel vm1, v6, v12;
	v7 =	vadd.f32 v11, v7;
	v4 =	vadd.f32 v13, v4  }
0x9d: {  	v8 =	vsel vm1, v8, v9;
	v6 =	vsel vm1, v12, v6;
	v58 =	vperm.xlane v57, v1  }
0x9e: {  	v11 =	vperm.xlane v59, v1;
	v60 =	vsel vm1, v10, v5;
	v13 =	vsel vm1, v4, v7  }
0x9f: {  	v5 =	vsel vm1, v5, v10;
	v61 =	vperm.xlane v60, v1;
	v62 =	vperm.xlane v13, v1  }
0xa0: {  	v6 =	vadd.f32 v58, v6;
	v8 =	vadd.f32 v11, v8;
	v4 =	vsel vm1, v7, v4  }
0xa1: {  	v5 =	vadd.f32 v61, v5;
	v4 =	vadd.f32 v62, v4;
	_ =	sdelay $0x1  }
0xa2: {  	v63 =	vsel vm2, v8, v6;
	v9 =	vsel vm2, v4, v5  }
0xa3: {  	v7 =	vperm.xlane v63, v2;
	v9 =	vperm.xlane v9, v2  }
0xa4: {  	v6 =	vsel vm2, v6, v8;
	v4 =	vsel vm2, v5, v4  }
0xa5: {  	v5 =	vadd.f32 v7, v6;
	v4 =	vadd.f32 v9, v4  }
0xa6: {  	s31 =	sshll.u32 s26, $0x4;
	s26 =	sadd.s32 $0x1, s26  }
0xa7: {  	p0 =	sne.s32 s26, $0x8;
	v6 =	vsel vm3, v4, v5  }
.Ltmp1:
0xa8: {  	v6 =	vperm.xlane v6, v3;
	(pc) =	sbr.rel @p0 .LBB2_2-.Ltmp1, $4  }
0xa9: {  	v4 =	vsel vm3, v5, v4  }
0xaa: {  	v4 =	vadd.f32 v4, v6  }
0xab: {  	s28 =	sand.u32 $0x3FFFFFF0, s31  }
0xac: {  	s24 =	sadd.s32 $0x800, s24;
	s25 =	sadd.s32 $0x800, s25;
	[tilespmem:s28+$0x10200] =	vst v4  }
0xad: {  	s24 =	simm.s32 $0x0  }
0xae: {  	[tilespmem:s24], [sflag:$0x1] =	stream.linear.gather [hbm4b:s7+s24], $0x4000, $0x38;
	[tilespmem:$0x10400] =	vst v63  }
0xaf: {  	_ = 	snop  }
0xb0: {  	[tilespmem:s14], [sflag:$0x1] =	stream.indirect.gather [hbm4b:s0+s13], $0x80, s19, s13, $0xb8;
	[tilespmem:$0x10400] =	vst v63  }
0xb1: {  	_ =	swait.ge [sflag:s20], $0x4000  }
0xb2: {  	[sflag:s20] =	ssyncset.done $0x0  }
0xb3: {  	[sflag:s20] =	ssyncadd.s32 $0xFFFFC000  }
0xb4: {  	_ =	swait.ge [sflag:s20], $0x4000  }
0xb5: {  	[sflag:s20] =	ssyncset.done $0x0  }
0xb6: {  	s25 =	simm.s32 $0xC400;
	s26 =	simm.s32 $0x4000;
	[sflag:s20] =	ssyncadd.s32 $0xFFFFC000  }
.LBB2_6:
0xb7: {  	v5 =	vmov s26  }
0xb8: {  	v4 =	vmov s25;
	_ =	sdelay $0x2  }
0xb9: {  	s29 =	simm.s32 $0x0  }
0xba: {  	v6 =	vld.idx.msk [tilespmem:v5+s29+$0x780 ss:$0x1], $0xffff  }
0xbb: {  	v7 =	vld.idx.msk [tilespmem:v4+s29+$0x380 ss:$0x1], $0xffff  }
0xbc: {  	v8 =	vld.idx.msk [tilespmem:v5+s29+$0x0 ss:$0x1], $0xffff  }
0xbd: {  	v9 =	vld.idx.msk [tilespmem:v4+s29+$0xFFFFFC00 ss:$0x1], $0xffff  }
0xbe: {  	v10 =	vld.idx.msk [tilespmem:v5+s29+$0x80 ss:$0x1], $0xffff  }
0xbf: {  	v11 =	vld.idx.msk [tilespmem:v4+s29+$0xFFFFFC80 ss:$0x1], $0xffff  }
0xc0: {  	v12 =	vld.idx.msk [tilespmem:v5+s29+$0x100 ss:$0x1], $0xffff  }
0xc1: {  	v13 =	vld.idx.msk [tilespmem:v4+s29+$0xFFFFFD00 ss:$0x1], $0xffff  }
0xc2: {  	v14 =	vld.idx.msk [tilespmem:v5+s29+$0x180 ss:$0x1], $0xffff  }
0xc3: {  	v15 =	vld.idx.msk [tilespmem:v4+s29+$0xFFFFFD80 ss:$0x1], $0xffff  }
0xc4: {  	v16 =	vld.idx.msk [tilespmem:v5+s29+$0x200 ss:$0x1], $0xffff  }
0xc5: {  	v18 =	vld.idx.msk [tilespmem:v4+s29+$0xFFFFFE00 ss:$0x1], $0xffff  }
0xc6: {  	v19 =	vld.idx.msk [tilespmem:v5+s29+$0x280 ss:$0x1], $0xffff  }
0xc7: {  	v20 =	vld.idx.msk [tilespmem:v4+s29+$0xFFFFFE80 ss:$0x1], $0xffff  }
0xc8: {  	v21 =	vld.idx.msk [tilespmem:v5+s29+$0x300 ss:$0x1], $0xffff  }
0xc9: {  	v22 =	vld.idx.msk [tilespmem:v4+s29+$0xFFFFFF00 ss:$0x1], $0xffff  }
0xca: {  	v23 =	vld.idx.msk [tilespmem:v5+s29+$0x380 ss:$0x1], $0xffff  }
0xcb: {  	v24 =	vld.idx.msk [tilespmem:v4+s29+$0x0 ss:$0x1], $0xffff;
	v6 =	vsub.f32 v6, v7  }
0xcc: {  	v25 =	vld.idx.msk [tilespmem:v5+s29+$0x480 ss:$0x1], $0xffff;
	v7 =	vsub.f32 v8, v9;
	v8 =	vsub.f32 v10, v11  }
0xcd: {  	v27 =	vld.idx.msk [tilespmem:v5+s29+$0x500 ss:$0x1], $0xffff;
	v10 =	vsub.f32 v12, v13  }
0xce: {  	v9 =	vld.idx.msk [tilespmem:v4+s29+$0xFFFFFF80 ss:$0x1], $0xffff;
	v7 =	vmul.f32 v7, v7;
	v8 =	vmul.f32 v8, v8  }
0xcf: {  	v17 =	vimm.f32 $0.0e+00;
	v11 =	vld.idx.msk [tilespmem:v5+s29+$0x400 ss:$0x1], $0xffff;
	v15 =	vsub.f32 v14, v15;
	v10 =	vmul.f32 v10, v10  }
0xd0: {  	v6 =	vmul.f32 v6, v6;
	v12 =	vadd.f32 v7, v17;
	v7 =	vld.idx.msk [tilespmem:v4+s29+$0x80 ss:$0x1], $0xffff;
	v13 =	vadd.f32 v8, v17  }
0xd1: {  	v8 =	vadd.f32 v10, v17;
	v10 =	vsub.f32 v16, v18;
	v16 =	vld.idx.msk [tilespmem:v4+s29+$0x100 ss:$0x1], $0xffff  }
0xd2: {  	v14 =	vadd.f32 v6, v17;
	v6 =	vmul.f32 v15, v15;
	v15 =	vsub.f32 v19, v20;
	v19 =	vld.idx.msk [tilespmem:v5+s29+$0x580 ss:$0x1], $0xffff  }
0xd3: {  	v18 =	vsub.f32 v21, v22;
	v21 =	vld.idx.msk [tilespmem:v4+s29+$0x180 ss:$0x1], $0xffff  }
0xd4: {  	v20 =	vsub.f32 v23, v9;
	v10 =	vmul.f32 v10, v10;
	v15 =	vmul.f32 v15, v15  }
0xd5: {  	v26 =	vld.idx.msk [tilespmem:v4+s29+$0x200 ss:$0x1], $0xffff;
	v22 =	vsub.f32 v11, v24;
	v6 =	vadd.f32 v6, v17;
	v18 =	vmul.f32 v18, v18  }
0xd6: {  	v28 =	vld.idx.msk [tilespmem:v4+s29+$0x300 ss:$0x1], $0xffff;
	v9 =	vadd.f32 v10, v17;
	v10 =	vadd.f32 v15, v17  }
0xd7: {  	v23 =	vld.idx.msk [tilespmem:v5+s29+$0x600 ss:$0x1], $0xffff;
	v15 =	vmul.f32 v20, v20;
	v11 =	vadd.f32 v18, v17;
	v7 =	vsub.f32 v25, v7  }
0xd8: {  	v18 =	vmul.f32 v22, v22;
	v22 =	vld.idx.msk [tilespmem:v5+s29+$0x680 ss:$0x1], $0xffff;
	v20 =	vsub.f32 v27, v16;
	v30 =	vsub.f32 v19, v21  }
0xd9: {  	v25 =	vld.idx.msk [tilespmem:v4+s29+$0x280 ss:$0x1], $0xffff;
	v21 =	vimm.f32 $0.0e+00;
	v19 =	vimm.f32 $0.0e+00;
	v7 =	vmul.f32 v7, v7  }
0xda: {  	s28 =	simm.s32 $0x10;
	v24 =	vld.idx.msk [tilespmem:v5+s29+$0x700 ss:$0x1], $0xffff;
	v15 =	vadd.f32 v15, v17;
	v16 =	vadd.f32 v18, v17;
	v29 =	vmul.f32 v20, v20  }
0xdb: {  	v27 =	vld.idx.msk [tilespmem:v5+s28+$0x780 ss:$0x1], $0xffff;
	s29 =	simm.s32 $0x80;
	v18 =	vimm.f32 $0.0e+00;
	v20 =	vimm.f32 $0.0e+00;
	v7 =	vadd.f32 v7, v17  }
.LBB2_7:
0xdc: {  	p0 =	sne.s32 s29, $0x1C0;
	v31 =	vld.idx.msk [tilespmem:v4+s28+$0x380 ss:$0x1], $0xffff;
	v17 =	vadd.f32 v29, v17;
	v29 =	vmul.f32 v30, v30;
	v23 =	vsub.f32 v23, v26  }
0xdd: {  	v26 =	vld.idx.msk [tilespmem:v5+s28+$0x0 ss:$0x1], $0xffff  }
0xde: {  	v22 =	vsub.f32 v22, v25;
	v30 =	vld.idx.msk [tilespmem:v4+s28+$0xFFFFFC00 ss:$0x1], $0xffff;
	v20 =	vadd.f32 v29, v20;
	v23 =	vmul.f32 v23, v23  }
0xdf: {  	v25 =	vld.idx.msk [tilespmem:v5+s28+$0x80 ss:$0x1], $0xffff  }
0xe0: {  	v22 =	vmul.f32 v22, v22;
	v29 =	vld.idx.msk [tilespmem:v4+s28+$0xFFFFFC80 ss:$0x1], $0xffff;
	v21 =	vadd.f32 v23, v21;
	v23 =	vsub.f32 v24, v28  }
0xe1: {  	v24 =	vld.idx.msk [tilespmem:v5+s28+$0x100 ss:$0x1], $0xffff  }
0xe2: {  	v27 =	vsub.f32 v27, v31;
	v19 =	vadd.f32 v22, v19;
	v28 =	vld.idx.msk [tilespmem:v4+s28+$0xFFFFFD00 ss:$0x1], $0xffff;
	v22 =	vmul.f32 v23, v23  }
0xe3: {  	v23 =	vld.idx.msk [tilespmem:v5+s28+$0x180 ss:$0x1], $0xffff  }
0xe4: {  	v26 =	vsub.f32 v26, v30;
	v27 =	vmul.f32 v27, v27;
	v30 =	vld.idx.msk [tilespmem:v4+s28+$0xFFFFFD80 ss:$0x1], $0xffff;
	v18 =	vadd.f32 v22, v18  }
0xe5: {  	v22 =	vld.idx.msk [tilespmem:v5+s28+$0x200 ss:$0x1], $0xffff  }
0xe6: {  	v26 =	vmul.f32 v26, v26;
	v25 =	vsub.f32 v25, v29;
	v14 =	vadd.f32 v27, v14;
	v29 =	vld.idx.msk [tilespmem:v4+s28+$0xFFFFFE00 ss:$0x1], $0xffff  }
0xe7: {  	v27 =	vld.idx.msk [tilespmem:v5+s28+$0x280 ss:$0x1], $0xffff  }
0xe8: {  	v12 =	vadd.f32 v26, v12;
	v25 =	vmul.f32 v25, v25;
	v24 =	vsub.f32 v24, v28;
	v26 =	vld.idx.msk [tilespmem:v4+s28+$0xFFFFFE80 ss:$0x1], $0xffff  }
0xe9: {  	v28 =	vld.idx.msk [tilespmem:v5+s28+$0x300 ss:$0x1], $0xffff  }
0xea: {  	v13 =	vadd.f32 v25, v13;
	v24 =	vmul.f32 v24, v24;
	v23 =	vsub.f32 v23, v30;
	v25 =	vld.idx.msk [tilespmem:v4+s28+$0xFFFFFF00 ss:$0x1], $0xffff  }
0xeb: {  	v30 =	vld.idx.msk [tilespmem:v5+s28+$0x380 ss:$0x1], $0xffff  }
0xec: {  	v8 =	vadd.f32 v24, v8;
	v23 =	vmul.f32 v23, v23;
	v22 =	vsub.f32 v22, v29;
	v24 =	vld.idx.msk [tilespmem:v4+s28+$0xFFFFFF80 ss:$0x1], $0xffff  }
0xed: {  	v29 =	vld.idx.msk [tilespmem:v5+s28+$0x400 ss:$0x1], $0xffff  }
0xee: {  	v6 =	vadd.f32 v23, v6;
	v22 =	vmul.f32 v22, v22;
	v23 =	vsub.f32 v27, v26;
	v26 =	vld.idx.msk [tilespmem:v4+s28+$0x0 ss:$0x1], $0xffff  }
0xef: {  	v27 =	vld.idx.msk [tilespmem:v5+s28+$0x480 ss:$0x1], $0xffff  }
0xf0: {  	v9 =	vadd.f32 v22, v9;
	v22 =	vmul.f32 v23, v23;
	v23 =	vsub.f32 v28, v25;
	v25 =	vld.idx.msk [tilespmem:v4+s28+$0x80 ss:$0x1], $0xffff  }
0xf1: {  	v28 =	vld.idx.msk [tilespmem:v5+s28+$0x500 ss:$0x1], $0xffff  }
0xf2: {  	v10 =	vadd.f32 v22, v10;
	v22 =	vmul.f32 v23, v23;
	v23 =	vsub.f32 v30, v24;
	v24 =	vld.idx.msk [tilespmem:v4+s28+$0x100 ss:$0x1], $0xffff  }
0xf3: {  	v30 =	vld.idx.msk [tilespmem:v5+s28+$0x580 ss:$0x1], $0xffff  }
0xf4: {  	v11 =	vadd.f32 v22, v11;
	v22 =	vmul.f32 v23, v23;
	v26 =	vsub.f32 v29, v26;
	v31 =	vld.idx.msk [tilespmem:v4+s28+$0x180 ss:$0x1], $0xffff  }
0xf5: {  	v23 =	vld.idx.msk [tilespmem:v5+s28+$0x600 ss:$0x1], $0xffff  }
0xf6: {  	v15 =	vadd.f32 v22, v15;
	v29 =	vmul.f32 v26, v26;
	v25 =	vsub.f32 v27, v25;
	v26 =	vld.idx.msk [tilespmem:v4+s28+$0x200 ss:$0x1], $0xffff  }
.Ltmp2:
0xf7: {  	v22 =	vld.idx.msk [tilespmem:v5+s28+$0x680 ss:$0x1], $0xffff;
	(pc) =	sbr.rel @p0 .LBB2_7-.Ltmp2, $4  }
0xf8: {  	v16 =	vadd.f32 v29, v16;
	v27 =	vmul.f32 v25, v25;
	v28 =	vsub.f32 v28, v24;
	v25 =	vld.idx.msk [tilespmem:v4+s28+$0x280 ss:$0x1], $0xffff  }
0xf9: {  	v24 =	vld.idx.msk [tilespmem:v5+s28+$0x700 ss:$0x1], $0xffff  }
0xfa: {  	v7 =	vadd.f32 v27, v7;
	v29 =	vmul.f32 v28, v28;
	v30 =	vsub.f32 v30, v31;
	v28 =	vld.idx.msk [tilespmem:v4+s28+$0x300 ss:$0x1], $0xffff;
	s28 =	sshra.s32 s29, $0x2  }
0xfb: {  	s29 =	sadd.s32 $0x40, s29;
	v27 =	vld.idx.msk [tilespmem:v5+s28+$0x780 ss:$0x1], $0xffff  }
0xfc: {  	_ =	sdelay $0x3  }
0xfd: {  	v31 =	vld.idx.msk [tilespmem:v4+s28+$0x380 ss:$0x1], $0xffff  }
0xfe: {  	v32 =	vld.idx.msk [tilespmem:v5+s28+$0x0 ss:$0x1], $0xffff  }
0xff: {  	v33 =	vld.idx.msk [tilespmem:v4+s28+$0xFFFFFC00 ss:$0x1], $0xffff  }
0x100: {  	v34 =	vld.idx.msk [tilespmem:v5+s28+$0x80 ss:$0x1], $0xffff  }
0x101: {  	v35 =	vld.idx.msk [tilespmem:v4+s28+$0xFFFFFC80 ss:$0x1], $0xffff  }
0x102: {  	v36 =	vld.idx.msk [tilespmem:v5+s28+$0x100 ss:$0x1], $0xffff  }
0x103: {  	v37 =	vld.idx.msk [tilespmem:v4+s28+$0xFFFFFD00 ss:$0x1], $0xffff  }
0x104: {  	v38 =	vld.idx.msk [tilespmem:v5+s28+$0x180 ss:$0x1], $0xffff  }
0x105: {  	v39 =	vld.idx.msk [tilespmem:v4+s28+$0xFFFFFD80 ss:$0x1], $0xffff  }
0x106: {  	v40 =	vld.idx.msk [tilespmem:v5+s28+$0x200 ss:$0x1], $0xffff  }
0x107: {  	v41 =	vld.idx.msk [tilespmem:v4+s28+$0xFFFFFE00 ss:$0x1], $0xffff  }
0x108: {  	v42 =	vld.idx.msk [tilespmem:v5+s28+$0x280 ss:$0x1], $0xffff  }
0x109: {  	v43 =	vld.idx.msk [tilespmem:v4+s28+$0xFFFFFE80 ss:$0x1], $0xffff  }
0x10a: {  	v44 =	vld.idx.msk [tilespmem:v5+s28+$0x300 ss:$0x1], $0xffff  }
0x10b: {  	v23 =	vsub.f32 v23, v26;
	v26 =	vld.idx.msk [tilespmem:v4+s28+$0xFFFFFF00 ss:$0x1], $0xffff  }
0x10c: {  	v45 =	vld.idx.msk [tilespmem:v5+s28+$0x380 ss:$0x1], $0xffff  }
0x10d: {  	v30 =	vmul.f32 v30, v30;
	v50 =	vld.idx.msk [tilespmem:v5+s28+$0x500 ss:$0x1], $0xffff  }
0x10e: {  	v17 =	vadd.f32 v29, v17;
	v53 =	vld.idx.msk [tilespmem:v4+s28+$0x100 ss:$0x1], $0xffff;
	v22 =	vsub.f32 v22, v25;
	v23 =	vmul.f32 v23, v23  }
0x10f: {  	v55 =	vld.idx.msk [tilespmem:v5+s28+$0x580 ss:$0x1], $0xffff;
	v20 =	vadd.f32 v30, v20;
	v24 =	vsub.f32 v24, v28  }
0x110: {  	v56 =	vld.idx.msk [tilespmem:v4+s28+$0x180 ss:$0x1], $0xffff;
	v22 =	vmul.f32 v22, v22;
	v21 =	vadd.f32 v23, v21;
	v62 =	vsub.f32 v27, v31  }
0x111: {  	v46 =	vld.idx.msk [tilespmem:v4+s28+$0xFFFFFF80 ss:$0x1], $0xffff;
	v63 =	vsub.f32 v32, v33;
	v47 =	vsub.f32 v34, v35  }
0x112: {  	v58 =	vld.idx.msk [tilespmem:v5+s28+$0x600 ss:$0x1], $0xffff;
	v49 =	vsub.f32 v36, v37;
	v19 =	vadd.f32 v22, v19  }
0x113: {  	v61 =	vld.idx.msk [tilespmem:v4+s28+$0x200 ss:$0x1], $0xffff;
	v57 =	vsub.f32 v38, v39;
	v59 =	vsub.f32 v40, v41  }
0x114: {  	v29 =	vld.idx.msk [tilespmem:v5+s28+$0x400 ss:$0x1], $0xffff;
	v24 =	vmul.f32 v24, v24;
	v60 =	vsub.f32 v42, v43;
	v26 =	vsub.f32 v44, v26  }
0x115: {  	v23 =	vld.idx.msk [tilespmem:v4+s28+$0x0 ss:$0x1], $0xffff;
	v42 =	vsub.f32 v50, v53;
	v22 =	vsub.f32 v55, v56;
	v25 =	vmul.f32 v62, v62  }
0x116: {  	v51 =	vmul.f32 v63, v63;
	v52 =	vmul.f32 v47, v47;
	v18 =	vadd.f32 v24, v18  }
0x117: {  	v48 =	vld.idx.msk [tilespmem:v4+s28+$0x80 ss:$0x1], $0xffff;
	v54 =	vmul.f32 v49, v49;
	v28 =	vmul.f32 v57, v57;
	v62 =	vsub.f32 v45, v46  }
0x118: {  	v27 =	vld.idx.msk [tilespmem:v5+s28+$0x480 ss:$0x1], $0xffff;
	v32 =	vmul.f32 v59, v59;
	v24 =	vsub.f32 v58, v61;
	v14 =	vadd.f32 v25, v14  }
0x119: {  	v39 =	vld.idx.msk [tilespmem:v4+s28+$0x280 ss:$0x1], $0xffff;
	v34 =	vmul.f32 v60, v60;
	v12 =	vadd.f32 v51, v12;
	v13 =	vadd.f32 v52, v13  }
0x11a: {  	v4 =	vld.idx.msk [tilespmem:v4+s28+$0x300 ss:$0x1], $0xffff;
	v26 =	vmul.f32 v26, v26;
	v8 =	vadd.f32 v54, v8;
	v23 =	vsub.f32 v29, v23  }
0x11b: {  	v63 =	vld.idx.msk [tilespmem:v5+s28+$0x680 ss:$0x1], $0xffff;
	v22 =	vmul.f32 v22, v22;
	v6 =	vadd.f32 v28, v6;
	v9 =	vadd.f32 v32, v9  }
0x11c: {  	v5 =	vld.idx.msk [tilespmem:v5+s28+$0x700 ss:$0x1], $0xffff;
	v40 =	vmul.f32 v62, v62;
	v10 =	vadd.f32 v34, v10;
	v11 =	vadd.f32 v26, v11  }
0x11d: {  	v45 =	vmul.f32 v24, v24;
	v20 =	vadd.f32 v22, v20;
	v41 =	vsub.f32 v27, v48  }
0x11e: {  	v23 =	vmul.f32 v23, v23;
	v15 =	vadd.f32 v40, v15;
	v47 =	vsel vm0, v13, v12  }
0x11f: {  	v48 =	vsel vm0, v6, v8;
	v49 =	vsel vm0, v10, v9;
	v12 =	vsel vm0, v12, v13  }
0x120: {  	v6 =	vsel vm0, v8, v6;
	v9 =	vsel vm0, v9, v10;
	v43 =	vmul.f32 v41, v41  }
0x121: {  	v44 =	vsub.f32 v63, v39;
	v4 =	vsub.f32 v5, v4;
	v50 =	vperm.xlane v49, v0  }
0x122: {  	v16 =	vadd.f32 v23, v16;
	v23 =	vmul.f32 v42, v42;
	v51 =	vsel vm0, v15, v11  }
0x123: {  	v11 =	vsel vm0, v11, v15;
	v5 =	vadd.f32 v43, v7;
	v46 =	vmul.f32 v44, v44  }
0x124: {  	v4 =	vmul.f32 v4, v4;
	v7 =	vadd.f32 v45, v21;
	v21 =	vperm.xlane v48, v0  }
0x125: {  	v8 =	vadd.f32 v50, v9;
	v9 =	vperm.xlane v51, v0;
	v17 =	vadd.f32 v23, v17  }
0x126: {  	v19 =	vadd.f32 v46, v19;
	v4 =	vadd.f32 v4, v18;
	v18 =	vperm.xlane v47, v0  }
0x127: {  	v6 =	vadd.f32 v21, v6;
	v52 =	vsel vm0, v5, v16;
	v5 =	vsel vm0, v16, v5  }
0x128: {  	v9 =	vadd.f32 v9, v11;
	v10 =	vperm.xlane v52, v0;
	v53 =	vsel vm0, v20, v17  }
0x129: {  	v54 =	vsel vm0, v17, v20;
	v12 =	vadd.f32 v18, v12;
	v13 =	vperm.xlane v53, v0  }
0x12a: {  	v55 =	vsel vm0, v19, v7;
	v56 =	vsel vm0, v14, v4;
	v5 =	vadd.f32 v10, v5  }
0x12b: {  	v11 =	vperm.xlane v55, v0;
	v10 =	vadd.f32 v13, v54;
	v13 =	vperm.xlane v56, v0  }
0x12c: {  	v7 =	vsel vm0, v7, v19;
	v4 =	vsel vm0, v4, v14;
	v59 =	vsel vm1, v9, v8  }
0x12d: {  	v57 =	vsel vm1, v6, v12;
	v7 =	vadd.f32 v11, v7;
	v4 =	vadd.f32 v13, v4  }
0x12e: {  	v8 =	vsel vm1, v8, v9;
	v6 =	vsel vm1, v12, v6;
	v58 =	vperm.xlane v57, v1  }
0x12f: {  	v11 =	vperm.xlane v59, v1;
	v60 =	vsel vm1, v10, v5;
	v13 =	vsel vm1, v4, v7  }
0x130: {  	v5 =	vsel vm1, v5, v10;
	v61 =	vperm.xlane v60, v1;
	v62 =	vperm.xlane v13, v1  }
0x131: {  	v6 =	vadd.f32 v58, v6;
	v8 =	vadd.f32 v11, v8;
	v4 =	vsel vm1, v7, v4  }
0x132: {  	v5 =	vadd.f32 v61, v5;
	v4 =	vadd.f32 v62, v4;
	_ =	sdelay $0x1  }
0x133: {  	v63 =	vsel vm2, v8, v6;
	v9 =	vsel vm2, v4, v5  }
0x134: {  	v7 =	vperm.xlane v63, v2;
	v9 =	vperm.xlane v9, v2  }
0x135: {  	v6 =	vsel vm2, v6, v8;
	v4 =	vsel vm2, v5, v4  }
0x136: {  	v5 =	vadd.f32 v7, v6;
	v4 =	vadd.f32 v9, v4  }
0x137: {  	s31 =	sshll.u32 s24, $0x4;
	s24 =	sadd.s32 $0x1, s24  }
0x138: {  	p0 =	sne.s32 s24, $0x8;
	v6 =	vsel vm3, v4, v5  }
.Ltmp3:
0x139: {  	v6 =	vperm.xlane v6, v3;
	(pc) =	sbr.rel @p0 .LBB2_6-.Ltmp3, $4  }
0x13a: {  	v4 =	vsel vm3, v5, v4  }
0x13b: {  	v4 =	vadd.f32 v4, v6  }
0x13c: {  	s28 =	sand.u32 $0x3FFFFFF0, s31  }
0x13d: {  	s25 =	sadd.s32 $0x800, s25;
	s26 =	sadd.s32 $0x800, s26;
	[tilespmem:s28+$0x10280] =	vst v4  }
0x13e: {  	s24 =	simm.s32 $0x0  }
0x13f: {  	[tilespmem:s15], [sflag:$0x2] =	stream.linear.gather [hbm4b:s8+s24], $0x4000, $0x38;
	[tilespmem:$0x10400] =	vst v63  }
0x140: {  	_ = 	snop  }
0x141: {  	[tilespmem:s17], [sflag:$0x2] =	stream.indirect.gather [hbm4b:s0+s13], $0x80, s21, s13, $0xb8;
	[tilespmem:$0x10400] =	vst v63  }
0x142: {  	_ =	swait.ge [sflag:s18], $0x4000  }
0x143: {  	[sflag:s18] =	ssyncset.done $0x0  }
0x144: {  	[sflag:s18] =	ssyncadd.s32 $0xFFFFC000  }
0x145: {  	_ =	swait.ge [sflag:s18], $0x4000  }
0x146: {  	[sflag:s18] =	ssyncset.done $0x0  }
0x147: {  	s25 =	simm.s32 $0x8400;
	s26 =	simm.s32 $0x0;
	[sflag:s18] =	ssyncadd.s32 $0xFFFFC000  }
.LBB2_10:
0x148: {  	v5 =	vmov s24  }
0x149: {  	v4 =	vmov s25;
	_ =	sdelay $0x2  }
0x14a: {  	s29 =	simm.s32 $0x0  }
0x14b: {  	v6 =	vld.idx.msk [tilespmem:v5+s29+$0x780 ss:$0x1], $0xffff  }
0x14c: {  	v7 =	vld.idx.msk [tilespmem:v4+s29+$0x380 ss:$0x1], $0xffff  }
0x14d: {  	v8 =	vld.idx.msk [tilespmem:v5+s29+$0x0 ss:$0x1], $0xffff  }
0x14e: {  	v9 =	vld.idx.msk [tilespmem:v4+s29+$0xFFFFFC00 ss:$0x1], $0xffff  }
0x14f: {  	v10 =	vld.idx.msk [tilespmem:v5+s29+$0x80 ss:$0x1], $0xffff  }
0x150: {  	v11 =	vld.idx.msk [tilespmem:v4+s29+$0xFFFFFC80 ss:$0x1], $0xffff  }
0x151: {  	v12 =	vld.idx.msk [tilespmem:v5+s29+$0x100 ss:$0x1], $0xffff  }
0x152: {  	v13 =	vld.idx.msk [tilespmem:v4+s29+$0xFFFFFD00 ss:$0x1], $0xffff  }
0x153: {  	v14 =	vld.idx.msk [tilespmem:v5+s29+$0x180 ss:$0x1], $0xffff  }
0x154: {  	v15 =	vld.idx.msk [tilespmem:v4+s29+$0xFFFFFD80 ss:$0x1], $0xffff  }
0x155: {  	v16 =	vld.idx.msk [tilespmem:v5+s29+$0x200 ss:$0x1], $0xffff  }
0x156: {  	v18 =	vld.idx.msk [tilespmem:v4+s29+$0xFFFFFE00 ss:$0x1], $0xffff  }
0x157: {  	v19 =	vld.idx.msk [tilespmem:v5+s29+$0x280 ss:$0x1], $0xffff  }
0x158: {  	v20 =	vld.idx.msk [tilespmem:v4+s29+$0xFFFFFE80 ss:$0x1], $0xffff  }
0x159: {  	v21 =	vld.idx.msk [tilespmem:v5+s29+$0x300 ss:$0x1], $0xffff  }
0x15a: {  	v22 =	vld.idx.msk [tilespmem:v4+s29+$0xFFFFFF00 ss:$0x1], $0xffff  }
0x15b: {  	v23 =	vld.idx.msk [tilespmem:v5+s29+$0x380 ss:$0x1], $0xffff  }
0x15c: {  	v24 =	vld.idx.msk [tilespmem:v4+s29+$0x0 ss:$0x1], $0xffff;
	v6 =	vsub.f32 v6, v7  }
0x15d: {  	v25 =	vld.idx.msk [tilespmem:v5+s29+$0x480 ss:$0x1], $0xffff;
	v7 =	vsub.f32 v8, v9;
	v8 =	vsub.f32 v10, v11  }
0x15e: {  	v27 =	vld.idx.msk [tilespmem:v5+s29+$0x500 ss:$0x1], $0xffff;
	v10 =	vsub.f32 v12, v13  }
0x15f: {  	v9 =	vld.idx.msk [tilespmem:v4+s29+$0xFFFFFF80 ss:$0x1], $0xffff;
	v7 =	vmul.f32 v7, v7;
	v8 =	vmul.f32 v8, v8  }
0x160: {  	v17 =	vimm.f32 $0.0e+00;
	v11 =	vld.idx.msk [tilespmem:v5+s29+$0x400 ss:$0x1], $0xffff;
	v15 =	vsub.f32 v14, v15;
	v10 =	vmul.f32 v10, v10  }
0x161: {  	v6 =	vmul.f32 v6, v6;
	v12 =	vadd.f32 v7, v17;
	v7 =	vld.idx.msk [tilespmem:v4+s29+$0x80 ss:$0x1], $0xffff;
	v13 =	vadd.f32 v8, v17  }
0x162: {  	v8 =	vadd.f32 v10, v17;
	v10 =	vsub.f32 v16, v18;
	v16 =	vld.idx.msk [tilespmem:v4+s29+$0x100 ss:$0x1], $0xffff  }
0x163: {  	v14 =	vadd.f32 v6, v17;
	v6 =	vmul.f32 v15, v15;
	v15 =	vsub.f32 v19, v20;
	v19 =	vld.idx.msk [tilespmem:v5+s29+$0x580 ss:$0x1], $0xffff  }
0x164: {  	v18 =	vsub.f32 v21, v22;
	v21 =	vld.idx.msk [tilespmem:v4+s29+$0x180 ss:$0x1], $0xffff  }
0x165: {  	v20 =	vsub.f32 v23, v9;
	v10 =	vmul.f32 v10, v10;
	v15 =	vmul.f32 v15, v15  }
0x166: {  	v26 =	vld.idx.msk [tilespmem:v4+s29+$0x200 ss:$0x1], $0xffff;
	v22 =	vsub.f32 v11, v24;
	v6 =	vadd.f32 v6, v17;
	v18 =	vmul.f32 v18, v18  }
0x167: {  	v28 =	vld.idx.msk [tilespmem:v4+s29+$0x300 ss:$0x1], $0xffff;
	v9 =	vadd.f32 v10, v17;
	v10 =	vadd.f32 v15, v17  }
0x168: {  	v23 =	vld.idx.msk [tilespmem:v5+s29+$0x600 ss:$0x1], $0xffff;
	v15 =	vmul.f32 v20, v20;
	v11 =	vadd.f32 v18, v17;
	v7 =	vsub.f32 v25, v7  }
0x169: {  	v18 =	vmul.f32 v22, v22;
	v22 =	vld.idx.msk [tilespmem:v5+s29+$0x680 ss:$0x1], $0xffff;
	v20 =	vsub.f32 v27, v16;
	v30 =	vsub.f32 v19, v21  }
0x16a: {  	v25 =	vld.idx.msk [tilespmem:v4+s29+$0x280 ss:$0x1], $0xffff;
	v21 =	vimm.f32 $0.0e+00;
	v19 =	vimm.f32 $0.0e+00;
	v7 =	vmul.f32 v7, v7  }
0x16b: {  	s28 =	simm.s32 $0x10;
	v24 =	vld.idx.msk [tilespmem:v5+s29+$0x700 ss:$0x1], $0xffff;
	v15 =	vadd.f32 v15, v17;
	v16 =	vadd.f32 v18, v17;
	v29 =	vmul.f32 v20, v20  }
0x16c: {  	v27 =	vld.idx.msk [tilespmem:v5+s28+$0x780 ss:$0x1], $0xffff;
	s29 =	simm.s32 $0x80;
	v18 =	vimm.f32 $0.0e+00;
	v20 =	vimm.f32 $0.0e+00;
	v7 =	vadd.f32 v7, v17  }
.LBB2_11:
0x16d: {  	p0 =	sne.s32 s29, $0x1C0;
	v31 =	vld.idx.msk [tilespmem:v4+s28+$0x380 ss:$0x1], $0xffff;
	v17 =	vadd.f32 v29, v17;
	v29 =	vmul.f32 v30, v30;
	v23 =	vsub.f32 v23, v26  }
0x16e: {  	v26 =	vld.idx.msk [tilespmem:v5+s28+$0x0 ss:$0x1], $0xffff  }
0x16f: {  	v22 =	vsub.f32 v22, v25;
	v30 =	vld.idx.msk [tilespmem:v4+s28+$0xFFFFFC00 ss:$0x1], $0xffff;
	v20 =	vadd.f32 v29, v20;
	v23 =	vmul.f32 v23, v23  }
0x170: {  	v25 =	vld.idx.msk [tilespmem:v5+s28+$0x80 ss:$0x1], $0xffff  }
0x171: {  	v22 =	vmul.f32 v22, v22;
	v29 =	vld.idx.msk [tilespmem:v4+s28+$0xFFFFFC80 ss:$0x1], $0xffff;
	v21 =	vadd.f32 v23, v21;
	v23 =	vsub.f32 v24, v28  }
0x172: {  	v24 =	vld.idx.msk [tilespmem:v5+s28+$0x100 ss:$0x1], $0xffff  }
0x173: {  	v27 =	vsub.f32 v27, v31;
	v19 =	vadd.f32 v22, v19;
	v28 =	vld.idx.msk [tilespmem:v4+s28+$0xFFFFFD00 ss:$0x1], $0xffff;
	v22 =	vmul.f32 v23, v23  }
0x174: {  	v23 =	vld.idx.msk [tilespmem:v5+s28+$0x180 ss:$0x1], $0xffff  }
0x175: {  	v26 =	vsub.f32 v26, v30;
	v27 =	vmul.f32 v27, v27;
	v30 =	vld.idx.msk [tilespmem:v4+s28+$0xFFFFFD80 ss:$0x1], $0xffff;
	v18 =	vadd.f32 v22, v18  }
0x176: {  	v22 =	vld.idx.msk [tilespmem:v5+s28+$0x200 ss:$0x1], $0xffff  }
0x177: {  	v26 =	vmul.f32 v26, v26;
	v25 =	vsub.f32 v25, v29;
	v14 =	vadd.f32 v27, v14;
	v29 =	vld.idx.msk [tilespmem:v4+s28+$0xFFFFFE00 ss:$0x1], $0xffff  }
0x178: {  	v27 =	vld.idx.msk [tilespmem:v5+s28+$0x280 ss:$0x1], $0xffff  }
0x179: {  	v12 =	vadd.f32 v26, v12;
	v25 =	vmul.f32 v25, v25;
	v24 =	vsub.f32 v24, v28;
	v26 =	vld.idx.msk [tilespmem:v4+s28+$0xFFFFFE80 ss:$0x1], $0xffff  }
0x17a: {  	v28 =	vld.idx.msk [tilespmem:v5+s28+$0x300 ss:$0x1], $0xffff  }
0x17b: {  	v13 =	vadd.f32 v25, v13;
	v24 =	vmul.f32 v24, v24;
	v23 =	vsub.f32 v23, v30;
	v25 =	vld.idx.msk [tilespmem:v4+s28+$0xFFFFFF00 ss:$0x1], $0xffff  }
0x17c: {  	v30 =	vld.idx.msk [tilespmem:v5+s28+$0x380 ss:$0x1], $0xffff  }
0x17d: {  	v8 =	vadd.f32 v24, v8;
	v23 =	vmul.f32 v23, v23;
	v22 =	vsub.f32 v22, v29;
	v24 =	vld.idx.msk [tilespmem:v4+s28+$0xFFFFFF80 ss:$0x1], $0xffff  }
0x17e: {  	v29 =	vld.idx.msk [tilespmem:v5+s28+$0x400 ss:$0x1], $0xffff  }
0x17f: {  	v6 =	vadd.f32 v23, v6;
	v22 =	vmul.f32 v22, v22;
	v23 =	vsub.f32 v27, v26;
	v26 =	vld.idx.msk [tilespmem:v4+s28+$0x0 ss:$0x1], $0xffff  }
0x180: {  	v27 =	vld.idx.msk [tilespmem:v5+s28+$0x480 ss:$0x1], $0xffff  }
0x181: {  	v9 =	vadd.f32 v22, v9;
	v22 =	vmul.f32 v23, v23;
	v23 =	vsub.f32 v28, v25;
	v25 =	vld.idx.msk [tilespmem:v4+s28+$0x80 ss:$0x1], $0xffff  }
0x182: {  	v28 =	vld.idx.msk [tilespmem:v5+s28+$0x500 ss:$0x1], $0xffff  }
0x183: {  	v10 =	vadd.f32 v22, v10;
	v22 =	vmul.f32 v23, v23;
	v23 =	vsub.f32 v30, v24;
	v24 =	vld.idx.msk [tilespmem:v4+s28+$0x100 ss:$0x1], $0xffff  }
0x184: {  	v30 =	vld.idx.msk [tilespmem:v5+s28+$0x580 ss:$0x1], $0xffff  }
0x185: {  	v11 =	vadd.f32 v22, v11;
	v22 =	vmul.f32 v23, v23;
	v26 =	vsub.f32 v29, v26;
	v31 =	vld.idx.msk [tilespmem:v4+s28+$0x180 ss:$0x1], $0xffff  }
0x186: {  	v23 =	vld.idx.msk [tilespmem:v5+s28+$0x600 ss:$0x1], $0xffff  }
0x187: {  	v15 =	vadd.f32 v22, v15;
	v29 =	vmul.f32 v26, v26;
	v25 =	vsub.f32 v27, v25;
	v26 =	vld.idx.msk [tilespmem:v4+s28+$0x200 ss:$0x1], $0xffff  }
.Ltmp4:
0x188: {  	v22 =	vld.idx.msk [tilespmem:v5+s28+$0x680 ss:$0x1], $0xffff;
	(pc) =	sbr.rel @p0 .LBB2_11-.Ltmp4, $4  }
0x189: {  	v16 =	vadd.f32 v29, v16;
	v27 =	vmul.f32 v25, v25;
	v28 =	vsub.f32 v28, v24;
	v25 =	vld.idx.msk [tilespmem:v4+s28+$0x280 ss:$0x1], $0xffff  }
0x18a: {  	v24 =	vld.idx.msk [tilespmem:v5+s28+$0x700 ss:$0x1], $0xffff  }
0x18b: {  	v7 =	vadd.f32 v27, v7;
	v29 =	vmul.f32 v28, v28;
	v30 =	vsub.f32 v30, v31;
	v28 =	vld.idx.msk [tilespmem:v4+s28+$0x300 ss:$0x1], $0xffff;
	s28 =	sshra.s32 s29, $0x2  }
0x18c: {  	s29 =	sadd.s32 $0x40, s29;
	v27 =	vld.idx.msk [tilespmem:v5+s28+$0x780 ss:$0x1], $0xffff  }
0x18d: {  	_ =	sdelay $0x3  }
0x18e: {  	v31 =	vld.idx.msk [tilespmem:v4+s28+$0x380 ss:$0x1], $0xffff  }
0x18f: {  	v32 =	vld.idx.msk [tilespmem:v5+s28+$0x0 ss:$0x1], $0xffff  }
0x190: {  	v33 =	vld.idx.msk [tilespmem:v4+s28+$0xFFFFFC00 ss:$0x1], $0xffff  }
0x191: {  	v34 =	vld.idx.msk [tilespmem:v5+s28+$0x80 ss:$0x1], $0xffff  }
0x192: {  	v35 =	vld.idx.msk [tilespmem:v4+s28+$0xFFFFFC80 ss:$0x1], $0xffff  }
0x193: {  	v36 =	vld.idx.msk [tilespmem:v5+s28+$0x100 ss:$0x1], $0xffff  }
0x194: {  	v37 =	vld.idx.msk [tilespmem:v4+s28+$0xFFFFFD00 ss:$0x1], $0xffff  }
0x195: {  	v38 =	vld.idx.msk [tilespmem:v5+s28+$0x180 ss:$0x1], $0xffff  }
0x196: {  	v39 =	vld.idx.msk [tilespmem:v4+s28+$0xFFFFFD80 ss:$0x1], $0xffff  }
0x197: {  	v40 =	vld.idx.msk [tilespmem:v5+s28+$0x200 ss:$0x1], $0xffff  }
0x198: {  	v41 =	vld.idx.msk [tilespmem:v4+s28+$0xFFFFFE00 ss:$0x1], $0xffff  }
0x199: {  	v42 =	vld.idx.msk [tilespmem:v5+s28+$0x280 ss:$0x1], $0xffff  }
0x19a: {  	v43 =	vld.idx.msk [tilespmem:v4+s28+$0xFFFFFE80 ss:$0x1], $0xffff  }
0x19b: {  	v44 =	vld.idx.msk [tilespmem:v5+s28+$0x300 ss:$0x1], $0xffff  }
0x19c: {  	v23 =	vsub.f32 v23, v26;
	v26 =	vld.idx.msk [tilespmem:v4+s28+$0xFFFFFF00 ss:$0x1], $0xffff  }
0x19d: {  	v45 =	vld.idx.msk [tilespmem:v5+s28+$0x380 ss:$0x1], $0xffff  }
0x19e: {  	v30 =	vmul.f32 v30, v30;
	v50 =	vld.idx.msk [tilespmem:v5+s28+$0x500 ss:$0x1], $0xffff  }
0x19f: {  	v17 =	vadd.f32 v29, v17;
	v53 =	vld.idx.msk [tilespmem:v4+s28+$0x100 ss:$0x1], $0xffff;
	v22 =	vsub.f32 v22, v25;
	v23 =	vmul.f32 v23, v23  }
0x1a0: {  	v55 =	vld.idx.msk [tilespmem:v5+s28+$0x580 ss:$0x1], $0xffff;
	v20 =	vadd.f32 v30, v20;
	v24 =	vsub.f32 v24, v28  }
0x1a1: {  	v56 =	vld.idx.msk [tilespmem:v4+s28+$0x180 ss:$0x1], $0xffff;
	v22 =	vmul.f32 v22, v22;
	v21 =	vadd.f32 v23, v21;
	v62 =	vsub.f32 v27, v31  }
0x1a2: {  	v46 =	vld.idx.msk [tilespmem:v4+s28+$0xFFFFFF80 ss:$0x1], $0xffff;
	v63 =	vsub.f32 v32, v33;
	v47 =	vsub.f32 v34, v35  }
0x1a3: {  	v58 =	vld.idx.msk [tilespmem:v5+s28+$0x600 ss:$0x1], $0xffff;
	v49 =	vsub.f32 v36, v37;
	v19 =	vadd.f32 v22, v19  }
0x1a4: {  	v61 =	vld.idx.msk [tilespmem:v4+s28+$0x200 ss:$0x1], $0xffff;
	v57 =	vsub.f32 v38, v39;
	v59 =	vsub.f32 v40, v41  }
0x1a5: {  	v29 =	vld.idx.msk [tilespmem:v5+s28+$0x400 ss:$0x1], $0xffff;
	v24 =	vmul.f32 v24, v24;
	v60 =	vsub.f32 v42, v43;
	v26 =	vsub.f32 v44, v26  }
0x1a6: {  	v23 =	vld.idx.msk [tilespmem:v4+s28+$0x0 ss:$0x1], $0xffff;
	v42 =	vsub.f32 v50, v53;
	v22 =	vsub.f32 v55, v56;
	v25 =	vmul.f32 v62, v62  }
0x1a7: {  	v51 =	vmul.f32 v63, v63;
	v52 =	vmul.f32 v47, v47;
	v18 =	vadd.f32 v24, v18  }
0x1a8: {  	v48 =	vld.idx.msk [tilespmem:v4+s28+$0x80 ss:$0x1], $0xffff;
	v54 =	vmul.f32 v49, v49;
	v28 =	vmul.f32 v57, v57;
	v62 =	vsub.f32 v45, v46  }
0x1a9: {  	v27 =	vld.idx.msk [tilespmem:v5+s28+$0x480 ss:$0x1], $0xffff;
	v32 =	vmul.f32 v59, v59;
	v24 =	vsub.f32 v58, v61;
	v14 =	vadd.f32 v25, v14  }
0x1aa: {  	v39 =	vld.idx.msk [tilespmem:v4+s28+$0x280 ss:$0x1], $0xffff;
	v34 =	vmul.f32 v60, v60;
	v12 =	vadd.f32 v51, v12;
	v13 =	vadd.f32 v52, v13  }
0x1ab: {  	v4 =	vld.idx.msk [tilespmem:v4+s28+$0x300 ss:$0x1], $0xffff;
	v26 =	vmul.f32 v26, v26;
	v8 =	vadd.f32 v54, v8;
	v23 =	vsub.f32 v29, v23  }
0x1ac: {  	v63 =	vld.idx.msk [tilespmem:v5+s28+$0x680 ss:$0x1], $0xffff;
	v22 =	vmul.f32 v22, v22;
	v6 =	vadd.f32 v28, v6;
	v9 =	vadd.f32 v32, v9  }
0x1ad: {  	v5 =	vld.idx.msk [tilespmem:v5+s28+$0x700 ss:$0x1], $0xffff;
	v40 =	vmul.f32 v62, v62;
	v10 =	vadd.f32 v34, v10;
	v11 =	vadd.f32 v26, v11  }
0x1ae: {  	v45 =	vmul.f32 v24, v24;
	v20 =	vadd.f32 v22, v20;
	v41 =	vsub.f32 v27, v48  }
0x1af: {  	v23 =	vmul.f32 v23, v23;
	v15 =	vadd.f32 v40, v15;
	v47 =	vsel vm0, v13, v12  }
0x1b0: {  	v48 =	vsel vm0, v6, v8;
	v49 =	vsel vm0, v10, v9;
	v12 =	vsel vm0, v12, v13  }
0x1b1: {  	v6 =	vsel vm0, v8, v6;
	v9 =	vsel vm0, v9, v10;
	v43 =	vmul.f32 v41, v41  }
0x1b2: {  	v44 =	vsub.f32 v63, v39;
	v4 =	vsub.f32 v5, v4;
	v50 =	vperm.xlane v49, v0  }
0x1b3: {  	v16 =	vadd.f32 v23, v16;
	v23 =	vmul.f32 v42, v42;
	v51 =	vsel vm0, v15, v11  }
0x1b4: {  	v11 =	vsel vm0, v11, v15;
	v5 =	vadd.f32 v43, v7;
	v46 =	vmul.f32 v44, v44  }
0x1b5: {  	v4 =	vmul.f32 v4, v4;
	v7 =	vadd.f32 v45, v21;
	v21 =	vperm.xlane v48, v0  }
0x1b6: {  	v8 =	vadd.f32 v50, v9;
	v9 =	vperm.xlane v51, v0;
	v17 =	vadd.f32 v23, v17  }
0x1b7: {  	v19 =	vadd.f32 v46, v19;
	v4 =	vadd.f32 v4, v18;
	v18 =	vperm.xlane v47, v0  }
0x1b8: {  	v6 =	vadd.f32 v21, v6;
	v52 =	vsel vm0, v5, v16;
	v5 =	vsel vm0, v16, v5  }
0x1b9: {  	v9 =	vadd.f32 v9, v11;
	v10 =	vperm.xlane v52, v0;
	v53 =	vsel vm0, v20, v17  }
0x1ba: {  	v54 =	vsel vm0, v17, v20;
	v12 =	vadd.f32 v18, v12;
	v13 =	vperm.xlane v53, v0  }
0x1bb: {  	v55 =	vsel vm0, v19, v7;
	v56 =	vsel vm0, v14, v4;
	v5 =	vadd.f32 v10, v5  }
0x1bc: {  	v11 =	vperm.xlane v55, v0;
	v10 =	vadd.f32 v13, v54;
	v13 =	vperm.xlane v56, v0  }
0x1bd: {  	v7 =	vsel vm0, v7, v19;
	v4 =	vsel vm0, v4, v14;
	v59 =	vsel vm1, v9, v8  }
0x1be: {  	v57 =	vsel vm1, v6, v12;
	v7 =	vadd.f32 v11, v7;
	v4 =	vadd.f32 v13, v4  }
0x1bf: {  	v8 =	vsel vm1, v8, v9;
	v6 =	vsel vm1, v12, v6;
	v58 =	vperm.xlane v57, v1  }
0x1c0: {  	v11 =	vperm.xlane v59, v1;
	v60 =	vsel vm1, v10, v5;
	v13 =	vsel vm1, v4, v7  }
0x1c1: {  	v5 =	vsel vm1, v5, v10;
	v61 =	vperm.xlane v60, v1;
	v62 =	vperm.xlane v13, v1  }
0x1c2: {  	v6 =	vadd.f32 v58, v6;
	v8 =	vadd.f32 v11, v8;
	v4 =	vsel vm1, v7, v4  }
0x1c3: {  	v5 =	vadd.f32 v61, v5;
	v4 =	vadd.f32 v62, v4;
	_ =	sdelay $0x1  }
0x1c4: {  	v63 =	vsel vm2, v8, v6;
	v9 =	vsel vm2, v4, v5  }
0x1c5: {  	v7 =	vperm.xlane v63, v2;
	v9 =	vperm.xlane v9, v2  }
0x1c6: {  	v6 =	vsel vm2, v6, v8;
	v4 =	vsel vm2, v5, v4  }
0x1c7: {  	v5 =	vadd.f32 v7, v6;
	v4 =	vadd.f32 v9, v4  }
0x1c8: {  	s31 =	sshll.u32 s26, $0x4;
	s26 =	sadd.s32 $0x1, s26  }
0x1c9: {  	p0 =	sne.s32 s26, $0x8;
	v6 =	vsel vm3, v4, v5  }
.Ltmp5:
0x1ca: {  	v6 =	vperm.xlane v6, v3;
	(pc) =	sbr.rel @p0 .LBB2_10-.Ltmp5, $4  }
0x1cb: {  	v4 =	vsel vm3, v5, v4  }
0x1cc: {  	v4 =	vadd.f32 v4, v6  }
0x1cd: {  	s28 =	sand.u32 $0x3FFFFFF0, s31  }
0x1ce: {  	s25 =	sadd.s32 $0x800, s25;
	s24 =	sadd.s32 $0x800, s24;
	[tilespmem:s28+$0x10300] =	vst v4  }
0x1cf: {  	_ =	swait.ge [sflag:s20], $0x4000  }
0x1d0: {  	[sflag:s20] =	ssyncset.done $0x0  }
0x1d1: {  	[sflag:s20] =	ssyncadd.s32 $0xFFFFC000  }
0x1d2: {  	_ =	swait.ge [sflag:s20], $0x4000  }
0x1d3: {  	s24 =	simm.s32 $0x0;
	[sflag:s20] =	ssyncset.done $0x0  }
0x1d4: {  	s25 =	simm.s32 $0xC400;
	s26 =	simm.s32 $0x4000;
	[sflag:s20] =	ssyncadd.s32 $0xFFFFC000  }
.LBB2_14:
0x1d5: {  	v5 =	vmov s26  }
0x1d6: {  	v4 =	vmov s25;
	_ =	sdelay $0x2  }
0x1d7: {  	s29 =	simm.s32 $0x0  }
0x1d8: {  	v6 =	vld.idx.msk [tilespmem:v5+s29+$0x780 ss:$0x1], $0xffff  }
0x1d9: {  	v7 =	vld.idx.msk [tilespmem:v4+s29+$0x380 ss:$0x1], $0xffff  }
0x1da: {  	v8 =	vld.idx.msk [tilespmem:v5+s29+$0x0 ss:$0x1], $0xffff  }
0x1db: {  	v9 =	vld.idx.msk [tilespmem:v4+s29+$0xFFFFFC00 ss:$0x1], $0xffff  }
0x1dc: {  	v10 =	vld.idx.msk [tilespmem:v5+s29+$0x80 ss:$0x1], $0xffff  }
0x1dd: {  	v11 =	vld.idx.msk [tilespmem:v4+s29+$0xFFFFFC80 ss:$0x1], $0xffff  }
0x1de: {  	v12 =	vld.idx.msk [tilespmem:v5+s29+$0x100 ss:$0x1], $0xffff  }
0x1df: {  	v13 =	vld.idx.msk [tilespmem:v4+s29+$0xFFFFFD00 ss:$0x1], $0xffff  }
0x1e0: {  	v14 =	vld.idx.msk [tilespmem:v5+s29+$0x180 ss:$0x1], $0xffff  }
0x1e1: {  	v15 =	vld.idx.msk [tilespmem:v4+s29+$0xFFFFFD80 ss:$0x1], $0xffff  }
0x1e2: {  	v16 =	vld.idx.msk [tilespmem:v5+s29+$0x200 ss:$0x1], $0xffff  }
0x1e3: {  	v18 =	vld.idx.msk [tilespmem:v4+s29+$0xFFFFFE00 ss:$0x1], $0xffff  }
0x1e4: {  	v19 =	vld.idx.msk [tilespmem:v5+s29+$0x280 ss:$0x1], $0xffff  }
0x1e5: {  	v20 =	vld.idx.msk [tilespmem:v4+s29+$0xFFFFFE80 ss:$0x1], $0xffff  }
0x1e6: {  	v21 =	vld.idx.msk [tilespmem:v5+s29+$0x300 ss:$0x1], $0xffff  }
0x1e7: {  	v22 =	vld.idx.msk [tilespmem:v4+s29+$0xFFFFFF00 ss:$0x1], $0xffff  }
0x1e8: {  	v23 =	vld.idx.msk [tilespmem:v5+s29+$0x380 ss:$0x1], $0xffff  }
0x1e9: {  	v24 =	vld.idx.msk [tilespmem:v4+s29+$0x0 ss:$0x1], $0xffff;
	v6 =	vsub.f32 v6, v7  }
0x1ea: {  	v25 =	vld.idx.msk [tilespmem:v5+s29+$0x480 ss:$0x1], $0xffff;
	v7 =	vsub.f32 v8, v9;
	v8 =	vsub.f32 v10, v11  }
0x1eb: {  	v27 =	vld.idx.msk [tilespmem:v5+s29+$0x500 ss:$0x1], $0xffff;
	v10 =	vsub.f32 v12, v13  }
0x1ec: {  	v9 =	vld.idx.msk [tilespmem:v4+s29+$0xFFFFFF80 ss:$0x1], $0xffff;
	v7 =	vmul.f32 v7, v7;
	v8 =	vmul.f32 v8, v8  }
0x1ed: {  	v17 =	vimm.f32 $0.0e+00;
	v11 =	vld.idx.msk [tilespmem:v5+s29+$0x400 ss:$0x1], $0xffff;
	v15 =	vsub.f32 v14, v15;
	v10 =	vmul.f32 v10, v10  }
0x1ee: {  	v6 =	vmul.f32 v6, v6;
	v12 =	vadd.f32 v7, v17;
	v7 =	vld.idx.msk [tilespmem:v4+s29+$0x80 ss:$0x1], $0xffff;
	v13 =	vadd.f32 v8, v17  }
0x1ef: {  	v8 =	vadd.f32 v10, v17;
	v10 =	vsub.f32 v16, v18;
	v16 =	vld.idx.msk [tilespmem:v4+s29+$0x100 ss:$0x1], $0xffff  }
0x1f0: {  	v14 =	vadd.f32 v6, v17;
	v6 =	vmul.f32 v15, v15;
	v15 =	vsub.f32 v19, v20;
	v19 =	vld.idx.msk [tilespmem:v5+s29+$0x580 ss:$0x1], $0xffff  }
0x1f1: {  	v18 =	vsub.f32 v21, v22;
	v21 =	vld.idx.msk [tilespmem:v4+s29+$0x180 ss:$0x1], $0xffff  }
0x1f2: {  	v20 =	vsub.f32 v23, v9;
	v10 =	vmul.f32 v10, v10;
	v15 =	vmul.f32 v15, v15  }
0x1f3: {  	v26 =	vld.idx.msk [tilespmem:v4+s29+$0x200 ss:$0x1], $0xffff;
	v22 =	vsub.f32 v11, v24;
	v6 =	vadd.f32 v6, v17;
	v18 =	vmul.f32 v18, v18  }
0x1f4: {  	v28 =	vld.idx.msk [tilespmem:v4+s29+$0x300 ss:$0x1], $0xffff;
	v9 =	vadd.f32 v10, v17;
	v10 =	vadd.f32 v15, v17  }
0x1f5: {  	v23 =	vld.idx.msk [tilespmem:v5+s29+$0x600 ss:$0x1], $0xffff;
	v15 =	vmul.f32 v20, v20;
	v11 =	vadd.f32 v18, v17;
	v7 =	vsub.f32 v25, v7  }
0x1f6: {  	v18 =	vmul.f32 v22, v22;
	v22 =	vld.idx.msk [tilespmem:v5+s29+$0x680 ss:$0x1], $0xffff;
	v20 =	vsub.f32 v27, v16;
	v30 =	vsub.f32 v19, v21  }
0x1f7: {  	v25 =	vld.idx.msk [tilespmem:v4+s29+$0x280 ss:$0x1], $0xffff;
	v21 =	vimm.f32 $0.0e+00;
	v19 =	vimm.f32 $0.0e+00;
	v7 =	vmul.f32 v7, v7  }
0x1f8: {  	s28 =	simm.s32 $0x10;
	v24 =	vld.idx.msk [tilespmem:v5+s29+$0x700 ss:$0x1], $0xffff;
	v15 =	vadd.f32 v15, v17;
	v16 =	vadd.f32 v18, v17;
	v29 =	vmul.f32 v20, v20  }
0x1f9: {  	v27 =	vld.idx.msk [tilespmem:v5+s28+$0x780 ss:$0x1], $0xffff;
	s29 =	simm.s32 $0x80;
	v18 =	vimm.f32 $0.0e+00;
	v20 =	vimm.f32 $0.0e+00;
	v7 =	vadd.f32 v7, v17  }
.LBB2_15:
0x1fa: {  	p0 =	sne.s32 s29, $0x1C0;
	v31 =	vld.idx.msk [tilespmem:v4+s28+$0x380 ss:$0x1], $0xffff;
	v17 =	vadd.f32 v29, v17;
	v29 =	vmul.f32 v30, v30;
	v23 =	vsub.f32 v23, v26  }
0x1fb: {  	v26 =	vld.idx.msk [tilespmem:v5+s28+$0x0 ss:$0x1], $0xffff  }
0x1fc: {  	v22 =	vsub.f32 v22, v25;
	v30 =	vld.idx.msk [tilespmem:v4+s28+$0xFFFFFC00 ss:$0x1], $0xffff;
	v20 =	vadd.f32 v29, v20;
	v23 =	vmul.f32 v23, v23  }
0x1fd: {  	v25 =	vld.idx.msk [tilespmem:v5+s28+$0x80 ss:$0x1], $0xffff  }
0x1fe: {  	v22 =	vmul.f32 v22, v22;
	v29 =	vld.idx.msk [tilespmem:v4+s28+$0xFFFFFC80 ss:$0x1], $0xffff;
	v21 =	vadd.f32 v23, v21;
	v23 =	vsub.f32 v24, v28  }
0x1ff: {  	v24 =	vld.idx.msk [tilespmem:v5+s28+$0x100 ss:$0x1], $0xffff  }
0x200: {  	v27 =	vsub.f32 v27, v31;
	v19 =	vadd.f32 v22, v19;
	v28 =	vld.idx.msk [tilespmem:v4+s28+$0xFFFFFD00 ss:$0x1], $0xffff;
	v22 =	vmul.f32 v23, v23  }
0x201: {  	v23 =	vld.idx.msk [tilespmem:v5+s28+$0x180 ss:$0x1], $0xffff  }
0x202: {  	v26 =	vsub.f32 v26, v30;
	v27 =	vmul.f32 v27, v27;
	v30 =	vld.idx.msk [tilespmem:v4+s28+$0xFFFFFD80 ss:$0x1], $0xffff;
	v18 =	vadd.f32 v22, v18  }
0x203: {  	v22 =	vld.idx.msk [tilespmem:v5+s28+$0x200 ss:$0x1], $0xffff  }
0x204: {  	v26 =	vmul.f32 v26, v26;
	v25 =	vsub.f32 v25, v29;
	v14 =	vadd.f32 v27, v14;
	v29 =	vld.idx.msk [tilespmem:v4+s28+$0xFFFFFE00 ss:$0x1], $0xffff  }
0x205: {  	v27 =	vld.idx.msk [tilespmem:v5+s28+$0x280 ss:$0x1], $0xffff  }
0x206: {  	v12 =	vadd.f32 v26, v12;
	v25 =	vmul.f32 v25, v25;
	v24 =	vsub.f32 v24, v28;
	v26 =	vld.idx.msk [tilespmem:v4+s28+$0xFFFFFE80 ss:$0x1], $0xffff  }
0x207: {  	v28 =	vld.idx.msk [tilespmem:v5+s28+$0x300 ss:$0x1], $0xffff  }
0x208: {  	v13 =	vadd.f32 v25, v13;
	v24 =	vmul.f32 v24, v24;
	v23 =	vsub.f32 v23, v30;
	v25 =	vld.idx.msk [tilespmem:v4+s28+$0xFFFFFF00 ss:$0x1], $0xffff  }
0x209: {  	v30 =	vld.idx.msk [tilespmem:v5+s28+$0x380 ss:$0x1], $0xffff  }
0x20a: {  	v8 =	vadd.f32 v24, v8;
	v23 =	vmul.f32 v23, v23;
	v22 =	vsub.f32 v22, v29;
	v24 =	vld.idx.msk [tilespmem:v4+s28+$0xFFFFFF80 ss:$0x1], $0xffff  }
0x20b: {  	v29 =	vld.idx.msk [tilespmem:v5+s28+$0x400 ss:$0x1], $0xffff  }
0x20c: {  	v6 =	vadd.f32 v23, v6;
	v22 =	vmul.f32 v22, v22;
	v23 =	vsub.f32 v27, v26;
	v26 =	vld.idx.msk [tilespmem:v4+s28+$0x0 ss:$0x1], $0xffff  }
0x20d: {  	v27 =	vld.idx.msk [tilespmem:v5+s28+$0x480 ss:$0x1], $0xffff  }
0x20e: {  	v9 =	vadd.f32 v22, v9;
	v22 =	vmul.f32 v23, v23;
	v23 =	vsub.f32 v28, v25;
	v25 =	vld.idx.msk [tilespmem:v4+s28+$0x80 ss:$0x1], $0xffff  }
0x20f: {  	v28 =	vld.idx.msk [tilespmem:v5+s28+$0x500 ss:$0x1], $0xffff  }
0x210: {  	v10 =	vadd.f32 v22, v10;
	v22 =	vmul.f32 v23, v23;
	v23 =	vsub.f32 v30, v24;
	v24 =	vld.idx.msk [tilespmem:v4+s28+$0x100 ss:$0x1], $0xffff  }
0x211: {  	v30 =	vld.idx.msk [tilespmem:v5+s28+$0x580 ss:$0x1], $0xffff  }
0x212: {  	v11 =	vadd.f32 v22, v11;
	v22 =	vmul.f32 v23, v23;
	v26 =	vsub.f32 v29, v26;
	v31 =	vld.idx.msk [tilespmem:v4+s28+$0x180 ss:$0x1], $0xffff  }
0x213: {  	v23 =	vld.idx.msk [tilespmem:v5+s28+$0x600 ss:$0x1], $0xffff  }
0x214: {  	v15 =	vadd.f32 v22, v15;
	v29 =	vmul.f32 v26, v26;
	v25 =	vsub.f32 v27, v25;
	v26 =	vld.idx.msk [tilespmem:v4+s28+$0x200 ss:$0x1], $0xffff  }
.Ltmp6:
0x215: {  	v22 =	vld.idx.msk [tilespmem:v5+s28+$0x680 ss:$0x1], $0xffff;
	(pc) =	sbr.rel @p0 .LBB2_15-.Ltmp6, $4  }
0x216: {  	v16 =	vadd.f32 v29, v16;
	v27 =	vmul.f32 v25, v25;
	v28 =	vsub.f32 v28, v24;
	v25 =	vld.idx.msk [tilespmem:v4+s28+$0x280 ss:$0x1], $0xffff  }
0x217: {  	v24 =	vld.idx.msk [tilespmem:v5+s28+$0x700 ss:$0x1], $0xffff  }
0x218: {  	v7 =	vadd.f32 v27, v7;
	v29 =	vmul.f32 v28, v28;
	v30 =	vsub.f32 v30, v31;
	v28 =	vld.idx.msk [tilespmem:v4+s28+$0x300 ss:$0x1], $0xffff;
	s28 =	sshra.s32 s29, $0x2  }
0x219: {  	s29 =	sadd.s32 $0x40, s29;
	v27 =	vld.idx.msk [tilespmem:v5+s28+$0x780 ss:$0x1], $0xffff  }
0x21a: {  	_ =	sdelay $0x3  }
0x21b: {  	v31 =	vld.idx.msk [tilespmem:v4+s28+$0x380 ss:$0x1], $0xffff  }
0x21c: {  	v32 =	vld.idx.msk [tilespmem:v5+s28+$0x0 ss:$0x1], $0xffff  }
0x21d: {  	v33 =	vld.idx.msk [tilespmem:v4+s28+$0xFFFFFC00 ss:$0x1], $0xffff  }
0x21e: {  	v34 =	vld.idx.msk [tilespmem:v5+s28+$0x80 ss:$0x1], $0xffff  }
0x21f: {  	v35 =	vld.idx.msk [tilespmem:v4+s28+$0xFFFFFC80 ss:$0x1], $0xffff  }
0x220: {  	v36 =	vld.idx.msk [tilespmem:v5+s28+$0x100 ss:$0x1], $0xffff  }
0x221: {  	v37 =	vld.idx.msk [tilespmem:v4+s28+$0xFFFFFD00 ss:$0x1], $0xffff  }
0x222: {  	v38 =	vld.idx.msk [tilespmem:v5+s28+$0x180 ss:$0x1], $0xffff  }
0x223: {  	v39 =	vld.idx.msk [tilespmem:v4+s28+$0xFFFFFD80 ss:$0x1], $0xffff  }
0x224: {  	v40 =	vld.idx.msk [tilespmem:v5+s28+$0x200 ss:$0x1], $0xffff  }
0x225: {  	v41 =	vld.idx.msk [tilespmem:v4+s28+$0xFFFFFE00 ss:$0x1], $0xffff  }
0x226: {  	v42 =	vld.idx.msk [tilespmem:v5+s28+$0x280 ss:$0x1], $0xffff  }
0x227: {  	v43 =	vld.idx.msk [tilespmem:v4+s28+$0xFFFFFE80 ss:$0x1], $0xffff  }
0x228: {  	v44 =	vld.idx.msk [tilespmem:v5+s28+$0x300 ss:$0x1], $0xffff  }
0x229: {  	v23 =	vsub.f32 v23, v26;
	v26 =	vld.idx.msk [tilespmem:v4+s28+$0xFFFFFF00 ss:$0x1], $0xffff  }
0x22a: {  	v45 =	vld.idx.msk [tilespmem:v5+s28+$0x380 ss:$0x1], $0xffff  }
0x22b: {  	v30 =	vmul.f32 v30, v30;
	v50 =	vld.idx.msk [tilespmem:v5+s28+$0x500 ss:$0x1], $0xffff  }
0x22c: {  	v17 =	vadd.f32 v29, v17;
	v53 =	vld.idx.msk [tilespmem:v4+s28+$0x100 ss:$0x1], $0xffff;
	v22 =	vsub.f32 v22, v25;
	v23 =	vmul.f32 v23, v23  }
0x22d: {  	v55 =	vld.idx.msk [tilespmem:v5+s28+$0x580 ss:$0x1], $0xffff;
	v20 =	vadd.f32 v30, v20;
	v24 =	vsub.f32 v24, v28  }
0x22e: {  	v56 =	vld.idx.msk [tilespmem:v4+s28+$0x180 ss:$0x1], $0xffff;
	v22 =	vmul.f32 v22, v22;
	v21 =	vadd.f32 v23, v21;
	v62 =	vsub.f32 v27, v31  }
0x22f: {  	v46 =	vld.idx.msk [tilespmem:v4+s28+$0xFFFFFF80 ss:$0x1], $0xffff;
	v63 =	vsub.f32 v32, v33;
	v47 =	vsub.f32 v34, v35  }
0x230: {  	v58 =	vld.idx.msk [tilespmem:v5+s28+$0x600 ss:$0x1], $0xffff;
	v49 =	vsub.f32 v36, v37;
	v19 =	vadd.f32 v22, v19  }
0x231: {  	v61 =	vld.idx.msk [tilespmem:v4+s28+$0x200 ss:$0x1], $0xffff;
	v57 =	vsub.f32 v38, v39;
	v59 =	vsub.f32 v40, v41  }
0x232: {  	v29 =	vld.idx.msk [tilespmem:v5+s28+$0x400 ss:$0x1], $0xffff;
	v24 =	vmul.f32 v24, v24;
	v60 =	vsub.f32 v42, v43;
	v26 =	vsub.f32 v44, v26  }
0x233: {  	v23 =	vld.idx.msk [tilespmem:v4+s28+$0x0 ss:$0x1], $0xffff;
	v42 =	vsub.f32 v50, v53;
	v22 =	vsub.f32 v55, v56;
	v25 =	vmul.f32 v62, v62  }
0x234: {  	v51 =	vmul.f32 v63, v63;
	v52 =	vmul.f32 v47, v47;
	v18 =	vadd.f32 v24, v18  }
0x235: {  	v48 =	vld.idx.msk [tilespmem:v4+s28+$0x80 ss:$0x1], $0xffff;
	v54 =	vmul.f32 v49, v49;
	v28 =	vmul.f32 v57, v57;
	v62 =	vsub.f32 v45, v46  }
0x236: {  	v27 =	vld.idx.msk [tilespmem:v5+s28+$0x480 ss:$0x1], $0xffff;
	v32 =	vmul.f32 v59, v59;
	v24 =	vsub.f32 v58, v61;
	v14 =	vadd.f32 v25, v14  }
0x237: {  	v39 =	vld.idx.msk [tilespmem:v4+s28+$0x280 ss:$0x1], $0xffff;
	v34 =	vmul.f32 v60, v60;
	v12 =	vadd.f32 v51, v12;
	v13 =	vadd.f32 v52, v13  }
0x238: {  	v4 =	vld.idx.msk [tilespmem:v4+s28+$0x300 ss:$0x1], $0xffff;
	v26 =	vmul.f32 v26, v26;
	v8 =	vadd.f32 v54, v8;
	v23 =	vsub.f32 v29, v23  }
0x239: {  	v63 =	vld.idx.msk [tilespmem:v5+s28+$0x680 ss:$0x1], $0xffff;
	v22 =	vmul.f32 v22, v22;
	v6 =	vadd.f32 v28, v6;
	v9 =	vadd.f32 v32, v9  }
0x23a: {  	v5 =	vld.idx.msk [tilespmem:v5+s28+$0x700 ss:$0x1], $0xffff;
	v40 =	vmul.f32 v62, v62;
	v10 =	vadd.f32 v34, v10;
	v11 =	vadd.f32 v26, v11  }
0x23b: {  	v45 =	vmul.f32 v24, v24;
	v20 =	vadd.f32 v22, v20;
	v41 =	vsub.f32 v27, v48  }
0x23c: {  	v23 =	vmul.f32 v23, v23;
	v15 =	vadd.f32 v40, v15;
	v47 =	vsel vm0, v13, v12  }
0x23d: {  	v48 =	vsel vm0, v6, v8;
	v49 =	vsel vm0, v10, v9;
	v12 =	vsel vm0, v12, v13  }
0x23e: {  	v6 =	vsel vm0, v8, v6;
	v9 =	vsel vm0, v9, v10;
	v43 =	vmul.f32 v41, v41  }
0x23f: {  	v44 =	vsub.f32 v63, v39;
	v4 =	vsub.f32 v5, v4;
	v50 =	vperm.xlane v49, v0  }
0x240: {  	v16 =	vadd.f32 v23, v16;
	v23 =	vmul.f32 v42, v42;
	v51 =	vsel vm0, v15, v11  }
0x241: {  	v11 =	vsel vm0, v11, v15;
	v5 =	vadd.f32 v43, v7;
	v46 =	vmul.f32 v44, v44  }
0x242: {  	v4 =	vmul.f32 v4, v4;
	v7 =	vadd.f32 v45, v21;
	v21 =	vperm.xlane v48, v0  }
0x243: {  	v8 =	vadd.f32 v50, v9;
	v9 =	vperm.xlane v51, v0;
	v17 =	vadd.f32 v23, v17  }
0x244: {  	v19 =	vadd.f32 v46, v19;
	v4 =	vadd.f32 v4, v18;
	v18 =	vperm.xlane v47, v0  }
0x245: {  	v6 =	vadd.f32 v21, v6;
	v52 =	vsel vm0, v5, v16;
	v5 =	vsel vm0, v16, v5  }
0x246: {  	v9 =	vadd.f32 v9, v11;
	v10 =	vperm.xlane v52, v0;
	v53 =	vsel vm0, v20, v17  }
0x247: {  	v54 =	vsel vm0, v17, v20;
	v12 =	vadd.f32 v18, v12;
	v13 =	vperm.xlane v53, v0  }
0x248: {  	v55 =	vsel vm0, v19, v7;
	v56 =	vsel vm0, v14, v4;
	v5 =	vadd.f32 v10, v5  }
0x249: {  	v11 =	vperm.xlane v55, v0;
	v10 =	vadd.f32 v13, v54;
	v13 =	vperm.xlane v56, v0  }
0x24a: {  	v7 =	vsel vm0, v7, v19;
	v4 =	vsel vm0, v4, v14;
	v59 =	vsel vm1, v9, v8  }
0x24b: {  	v57 =	vsel vm1, v6, v12;
	v7 =	vadd.f32 v11, v7;
	v4 =	vadd.f32 v13, v4  }
0x24c: {  	v8 =	vsel vm1, v8, v9;
	v6 =	vsel vm1, v12, v6;
	v58 =	vperm.xlane v57, v1  }
0x24d: {  	v11 =	vperm.xlane v59, v1;
	v60 =	vsel vm1, v10, v5;
	v13 =	vsel vm1, v4, v7  }
0x24e: {  	v5 =	vsel vm1, v5, v10;
	v61 =	vperm.xlane v60, v1;
	v62 =	vperm.xlane v13, v1  }
0x24f: {  	v6 =	vadd.f32 v58, v6;
	v8 =	vadd.f32 v11, v8;
	v4 =	vsel vm1, v7, v4  }
0x250: {  	v5 =	vadd.f32 v61, v5;
	v4 =	vadd.f32 v62, v4;
	_ =	sdelay $0x1  }
0x251: {  	v63 =	vsel vm2, v8, v6;
	v9 =	vsel vm2, v4, v5  }
0x252: {  	v7 =	vperm.xlane v63, v2;
	v9 =	vperm.xlane v9, v2  }
0x253: {  	v6 =	vsel vm2, v6, v8;
	v4 =	vsel vm2, v5, v4  }
0x254: {  	v5 =	vadd.f32 v7, v6;
	v4 =	vadd.f32 v9, v4  }
0x255: {  	s31 =	sshll.u32 s24, $0x4;
	s24 =	sadd.s32 $0x1, s24  }
0x256: {  	p0 =	sne.s32 s24, $0x8;
	v6 =	vsel vm3, v4, v5  }
.Ltmp7:
0x257: {  	v6 =	vperm.xlane v6, v3;
	(pc) =	sbr.rel @p0 .LBB2_14-.Ltmp7, $4  }
0x258: {  	v4 =	vsel vm3, v5, v4  }
0x259: {  	v4 =	vadd.f32 v4, v6  }
0x25a: {  	s28 =	sand.u32 $0x3FFFFFF0, s31  }
0x25b: {  	s25 =	sadd.s32 $0x800, s25;
	s26 =	sadd.s32 $0x800, s26;
	[tilespmem:s28+$0x10380] =	vst v4  }
0x25c: {  	s23 =	sadd.s32 $0x1, s23  }
0x25d: {  	p0 =	sne.s32 s23, s10  }
.Ltmp8:
0x25e: {  	_ = 	snop;
	(pc) =	sbr.rel @p0 .LBB2_1-.Ltmp8, $4  }
0x25f: {  	[hbm4b:s9+s3] =	stream.linear.scatter [tilespmem:s22], [sflag:$0x3], $0x200, $0x38;
	[tilespmem:$0x10400] =	vst v63  }
0x260: {  	_ =	swait.ge [sflag:s12], $0x200  }
0x261: {  	[sflag:s12] =	ssyncset.done $0x0  }
0x262: {  	[sflag:s12] =	ssyncadd.s32 $0xFFFFFE00  }
0x263: {  	_ =	sfence.sel $0x180000  }
0x264: {  	[bflag:$0x0] =	sbarrier.arrive $0xFFFF  }
0x265: {  	p0 =	sne.s32 s2, $0x0;
	_ =	strace $0x90000047  }
0x266: {  	s0 =	sadd.s32 @!p0 $0x100000, s1;
	[bflag:$0x2] =	sbarrier.arrive $0xFFFF  }
0x267: {  	[sflag:s0] =	ssyncadd.tile.s32 @!p0 $0x1;
	_ =	shalt  }
.Lfunc_end2:
_tile_overlayer_lowered:
.L_overlay_start_2:
0x268: {  	(tag) =	ssettag $0x2  }
0x269: {  	s0 =	rddreg [dreg:$0x0];
	s2 =	stileid.u32  }
0x26a: {  	s1 =	rddreg [dreg:$0x1];
	p0 =	sne.s32 s2, $0x0  }
0x26b: {  	s3 =	rddreg [dreg:$0x2];
	[bflag:$0x3] =	sbarrier.arrive $0xFFFF;
	s2 =	simm.s32 @!p0 $0x1C03  }
0x26c: {  	[timem:s3], [sflag:s2] =	dma.local @!p0 [hbm:s0], s1  }
0x26d: {  	s0 =	simm.s32 @!p0 $0x3  }
0x26e: {  	_ =	swait.ge @!p0 [sflag:s0], s1  }
0x26f: {  	s1 =	ssub.s32 @!p0 $0x0, s1;
	[sflag:s0] =	ssyncset.done @!p0 $0x0  }
0x270: {  	[sflag:s0] =	ssyncadd.s32 @!p0 s1  }
0x271: {  	[bflag:$0x3] =	sbarrier.arrive $0xFFFF  }
0x272: {  	_ =	shalt  }

</sc_bundles>
